<compile_context>
chip_gen: v7x
topology: tpu7x:2x2x1
jax: 0.10.2.dev20260603
libtpu: 0.0.44.dev20260713+nightly
codegen_flags: <defaults>
</compile_context>

<pallas_src>
import functools

import jax
import jax.numpy as jnp
from jax.experimental import pallas as pl
from jax.experimental.pallas import tpu as pltpu

_N = 10000
_E = 320000
_D = 128
_H1 = 4
_F1 = 1024
_C2 = 256

_NB = 400
_KA = 16
_KB = 8


def _dense1_body(x_ref, w1_ref, wl1_ref, asrc_ref, adst_ref, bfold_ref,
                 h1_ref, as_ref, ad_ref, xl1_ref):
    x = x_ref[...]
    h = jnp.dot(x, w1_ref[...], preferred_element_type=jnp.float32)
    h1_ref[...] = h
    xl1_ref[...] = (
        jnp.dot(x, wl1_ref[...], preferred_element_type=jnp.float32)
        + bfold_ref[...])
    ps = h * asrc_ref[...]
    pd = h * adst_ref[...]
    as_cols = [jnp.sum(ps[:, i * 256:(i + 1) * 256], axis=1, keepdims=True)
               for i in range(_H1)]
    ad_cols = [jnp.sum(pd[:, i * 256:(i + 1) * 256], axis=1, keepdims=True)
               for i in range(_H1)]
    as_ref[...] = jnp.concatenate(as_cols, axis=1)
    ad_ref[...] = jnp.concatenate(ad_cols, axis=1)


def _dense2_body(g1a_ref, g1b_ref, g1c_ref, g1d_ref, xl1_ref, w2_ref,
                 wl2_ref, asrc2_ref, adst2_ref, bfold2_ref,
                 h2_ref, as2_ref, ad2_ref, xl2_ref):
    x1 = (g1a_ref[...] + g1b_ref[...] + g1c_ref[...] + g1d_ref[...]
          + xl1_ref[...])
    x1 = jnp.where(x1 > 0, x1, jnp.exp(jnp.minimum(x1, 0.0)) - 1.0)
    h2 = jnp.dot(x1, w2_ref[...], preferred_element_type=jnp.float32)
    h2_ref[...] = h2
    xl2_ref[...] = (
        jnp.dot(x1, wl2_ref[...], preferred_element_type=jnp.float32)
        + bfold2_ref[...])
    as2_ref[...] = jnp.sum(h2 * asrc2_ref[...], axis=1, keepdims=True)
    ad2_ref[...] = jnp.sum(h2 * adst2_ref[...], axis=1, keepdims=True)


def _edge_weight_body(src_ref, dst_ref, as_ref, ad_ref, ee_ref, denom_ref, *,
                      k):
    i = pl.program_id(0)

    @pl.when(i == 0)
    def _():
        denom_ref[...] = jnp.zeros_like(denom_ref)

    base = i * k
    for j in range(k):
        s = src_ref[base + j]
        d = dst_ref[base + j]
        e = as_ref[pl.ds(s, 1)] + ad_ref[pl.ds(d, 1)]
        e = jnp.where(e >= 0, e, 0.2 * e)
        ee = jnp.exp(e)
        ee_ref[pl.ds(j, 1)] = ee
        denom_ref[pl.ds(d, 1)] = denom_ref[pl.ds(d, 1)] + ee


def _edge_agg_body(src_ref, *args, k, nheads, hs):
    hrefs = args[:k]
    dst_ref, ee_ref, denom_ref, alpha_ref, out_ref = args[k:]
    i = pl.program_id(0)

    @pl.when(i == 0)
    def _():
        out_ref[...] = jnp.zeros_like(out_ref)

    base = i * k
    for j in range(k):
        d = dst_ref[base + j]
        ee = ee_ref[pl.ds(j, 1)]
        den = denom_ref[pl.ds(d, 1)]
        alpha = ee / (den + 1e-16)
        alpha_ref[pl.ds(j, 1)] = alpha
        for h in range(nheads):
            msg = (hrefs[j][pl.ds(0, 1), pl.ds(h * hs, hs), :]
                   * alpha[:, :, h:h + 1])
            out_ref[pl.ds(d, 1), pl.ds(h * hs, hs), :] = (
                out_ref[pl.ds(d, 1), pl.ds(h * hs, hs), :] + msg)


def _final_body(g2a_ref, g2b_ref, g2c_ref, g2d_ref, xl2_ref, x2_ref):
    x2_ref[...] = (g2a_ref[...] + g2b_ref[...] + g2c_ref[...]
                   + g2d_ref[...] + xl2_ref[...])


def _add4_body(a_ref, b_ref, c_ref, d_ref, o_ref):
    o_ref[...] = a_ref[...] + b_ref[...] + c_ref[...] + d_ref[...]


def _edge_weight_pass(src, dst, as_, ad_, nheads):
    half = _E // 4
    ees, denoms = [], []
    for c in range(4):
        lo = c * half
        ee_c, denom_c = pl.pallas_call(
            functools.partial(_edge_weight_body, k=_KA),
            grid=(half // _KA,),
            in_specs=[
                pl.BlockSpec((half,), lambda i: (0,),
                             memory_space=pltpu.SMEM),
                pl.BlockSpec((half,), lambda i: (0,),
                             memory_space=pltpu.SMEM),
                pl.BlockSpec((_N, 1, nheads), lambda i: (0, 0, 0)),
                pl.BlockSpec((_N, 1, nheads), lambda i: (0, 0, 0)),
            ],
            out_specs=[
                pl.BlockSpec((_KA, 1, nheads), lambda i: (i, 0, 0)),
                pl.BlockSpec((_N, 1, nheads), lambda i: (0, 0, 0)),
            ],
            out_shape=[
                jax.ShapeDtypeStruct((half, 1, nheads), jnp.float32),
                jax.ShapeDtypeStruct((_N, 1, nheads), jnp.float32),
            ],
        )(jax.lax.slice(src, (lo,), (lo + half,)),
          jax.lax.slice(dst, (lo,), (lo + half,)), as_, ad_)
        ees.append(ee_c)
        denoms.append(denom_c)
    denom = pl.pallas_call(
        _add4_body,
        out_shape=jax.ShapeDtypeStruct((_N, 1, nheads), jnp.float32),
    )(*denoms)
    return jnp.concatenate(ees, axis=0), denom


def _edge_agg_chunk(src_c, dst_c, h3, ee_c, denom, nheads, nsub, nedges):
    hs = nsub // nheads
    h_specs = [
        pl.BlockSpec((1, nsub, 128),
                     (lambda i, s, jj=jj: (s[i * _KB + jj], 0, 0)))
        for jj in range(_KB)
    ]
    in_specs = h_specs + [
        pl.BlockSpec((nedges,), lambda i, s: (0,),
                     memory_space=pltpu.SMEM),
        pl.BlockSpec((_KB, 1, nheads), lambda i, s: (i, 0, 0)),
        pl.BlockSpec((_N, 1, nheads), lambda i, s: (0, 0, 0)),
    ]
    operands = [h3] * _KB + [dst_c, ee_c, denom]
    grid_spec = pltpu.PrefetchScalarGridSpec(
        num_scalar_prefetch=1,
        grid=(nedges // _KB,),
        in_specs=in_specs,
        out_specs=[
            pl.BlockSpec((_KB, 1, nheads), lambda i, s: (i, 0, 0)),
            pl.BlockSpec((_N, nsub, 128), lambda i, s: (0, 0, 0)),
        ],
    )
    return pl.pallas_call(
        functools.partial(_edge_agg_body, k=_KB, nheads=nheads, hs=hs),
        grid_spec=grid_spec,
        out_shape=[
            jax.ShapeDtypeStruct((nedges, 1, nheads), jnp.float32),
            jax.ShapeDtypeStruct((_N, nsub, 128), jnp.float32),
        ],
        compiler_params=pltpu.CompilerParams(
            vmem_limit_bytes=120 * 1024 * 1024),
    )(src_c, *operands)


def _edge_agg_pass(src, dst, h3, ee, denom, nheads, nsub):
    quarter = _E // 4
    alphas, parts = [], []
    for c in range(4):
        lo = c * quarter
        alpha_c, part = _edge_agg_chunk(
            jax.lax.slice(src, (lo,), (lo + quarter,)),
            jax.lax.slice(dst, (lo,), (lo + quarter,)),
            h3,
            jax.lax.slice(ee, (lo, 0, 0), (lo + quarter, 1, nheads)),
            denom, nheads, nsub, quarter)
        alphas.append(alpha_c)
        parts.append(part)
    return jnp.concatenate(alphas, axis=0), parts


def kernel(x, edge_index, W1, a_src1, a_dst1, b1, Wl1, bl1,
           W2, a_src2, a_dst2, b2, Wl2, bl2):
    src = edge_index[0]
    dst = edge_index[1]

    asrc_flat = a_src1.reshape(1, _F1)
    adst_flat = a_dst1.reshape(1, _F1)
    bfold1 = (b1 + bl1).reshape(1, _F1)
    bfold2 = (b2 + bl2).reshape(1, _C2)

    nb_grid = _N // _NB
    h1, as1, ad1, xl1 = pl.pallas_call(
        _dense1_body,
        grid=(nb_grid,),
        in_specs=[
            pl.BlockSpec((_NB, _D), lambda i: (i, 0)),
            pl.BlockSpec((_D, _F1), lambda i: (0, 0)),
            pl.BlockSpec((_D, _F1), lambda i: (0, 0)),
            pl.BlockSpec((1, _F1), lambda i: (0, 0)),
            pl.BlockSpec((1, _F1), lambda i: (0, 0)),
            pl.BlockSpec((1, _F1), lambda i: (0, 0)),
        ],
        out_specs=[
            pl.BlockSpec((_NB, _F1), lambda i: (i, 0)),
            pl.BlockSpec((_NB, _H1), lambda i: (i, 0)),
            pl.BlockSpec((_NB, _H1), lambda i: (i, 0)),
            pl.BlockSpec((_NB, _F1), lambda i: (i, 0)),
        ],
        out_shape=[
            jax.ShapeDtypeStruct((_N, _F1), jnp.float32),
            jax.ShapeDtypeStruct((_N, _H1), jnp.float32),
            jax.ShapeDtypeStruct((_N, _H1), jnp.float32),
            jax.ShapeDtypeStruct((_N, _F1), jnp.float32),
        ],
    )(x, W1, Wl1, asrc_flat, adst_flat, bfold1)

    ee1, denom1 = _edge_weight_pass(
        src, dst, as1.reshape(_N, 1, _H1), ad1.reshape(_N, 1, _H1), _H1)
    alpha1_3, g1parts = _edge_agg_pass(
        src, dst, h1.reshape(_N, 8, 128), ee1, denom1, _H1, 8)
    alpha1 = alpha1_3.reshape(_E, _H1)
    g1parts = [g.reshape(_N, _F1) for g in g1parts]

    h2, as2, ad2, xl2 = pl.pallas_call(
        _dense2_body,
        grid=(nb_grid,),
        in_specs=[
            pl.BlockSpec((_NB, _F1), lambda i: (i, 0)),
            pl.BlockSpec((_NB, _F1), lambda i: (i, 0)),
            pl.BlockSpec((_NB, _F1), lambda i: (i, 0)),
            pl.BlockSpec((_NB, _F1), lambda i: (i, 0)),
            pl.BlockSpec((_NB, _F1), lambda i: (i, 0)),
            pl.BlockSpec((_F1, _C2), lambda i: (0, 0)),
            pl.BlockSpec((_F1, _C2), lambda i: (0, 0)),
            pl.BlockSpec((1, _C2), lambda i: (0, 0)),
            pl.BlockSpec((1, _C2), lambda i: (0, 0)),
            pl.BlockSpec((1, _C2), lambda i: (0, 0)),
        ],
        out_specs=[
            pl.BlockSpec((_NB, _C2), lambda i: (i, 0)),
            pl.BlockSpec((_NB, 1), lambda i: (i, 0)),
            pl.BlockSpec((_NB, 1), lambda i: (i, 0)),
            pl.BlockSpec((_NB, _C2), lambda i: (i, 0)),
        ],
        out_shape=[
            jax.ShapeDtypeStruct((_N, _C2), jnp.float32),
            jax.ShapeDtypeStruct((_N, 1), jnp.float32),
            jax.ShapeDtypeStruct((_N, 1), jnp.float32),
            jax.ShapeDtypeStruct((_N, _C2), jnp.float32),
        ],
    )(*g1parts, xl1, W2, Wl2, a_src2, a_dst2, bfold2)

    ee2, denom2 = _edge_weight_pass(
        src, dst, as2.reshape(_N, 1, 1), ad2.reshape(_N, 1, 1), 1)
    _, g2parts = _edge_agg_pass(
        src, dst, h2.reshape(_N, 2, 128), ee2, denom2, 1, 2)
    g2parts = [g.reshape(_N, _C2) for g in g2parts]

    x2 = pl.pallas_call(
        _final_body,
        grid=(nb_grid,),
        in_specs=[pl.BlockSpec((_NB, _C2), lambda i: (i, 0))
                  for _ in range(5)],
        out_specs=pl.BlockSpec((_NB, _C2), lambda i: (i, 0)),
        out_shape=jax.ShapeDtypeStruct((_N, _C2), jnp.float32),
    )(*g2parts, xl2)

    return (x2, alpha1)

# --- scband reference (transcript-rebuilt; emitter-appended) ---
"""Pipeline reference for scband-two-layer-residual-gat-429496730274 (READ-ONLY COPY).

The authoritative reference and input builder live on the scoring server;
editing this copy changes nothing except your own understanding.
"""

import jax, jax.numpy as jnp
import numpy as np

N = 10000
E = 320000
D = 128
H1 = 4
C1 = 256
C2 = 256


def setup_inputs(seed: int = 0) -> dict:
    key = jax.random.key(seed)
    ks = jax.random.split(key, 16)
    s = 0.05
    inp = {}
    inp["x"] = jax.random.normal(ks[0], (N, D), dtype=jnp.float32)
    inp["edge_index"] = jax.random.randint(ks[1], (2, E), 0, N, dtype=jnp.int32)
    # conv1 (GATConv: 128 -> 256, heads=4, concat -> 1024)
    inp["W1"] = jax.random.normal(ks[2], (D, H1 * C1), dtype=jnp.float32) * s
    inp["a_src1"] = jax.random.normal(ks[3], (H1, C1), dtype=jnp.float32) * s
    inp["a_dst1"] = jax.random.normal(ks[4], (H1, C1), dtype=jnp.float32) * s
    inp["b1"] = jnp.zeros((H1 * C1,), dtype=jnp.float32)
    # lin1 (residual: 128 -> 1024)
    inp["Wl1"] = jax.random.normal(ks[5], (D, H1 * C1), dtype=jnp.float32) * s
    inp["bl1"] = jnp.zeros((H1 * C1,), dtype=jnp.float32)
    # conv2 (GATConv: 1024 -> 256, heads=1)
    inp["W2"] = jax.random.normal(ks[6], (H1 * C1, C2), dtype=jnp.float32) * s
    inp["a_src2"] = jax.random.normal(ks[7], (1, C2), dtype=jnp.float32) * s
    inp["a_dst2"] = jax.random.normal(ks[8], (1, C2), dtype=jnp.float32) * s
    inp["b2"] = jnp.zeros((C2,), dtype=jnp.float32)
    # lin2 (residual: 1024 -> 256)
    inp["Wl2"] = jax.random.normal(ks[9], (H1 * C1, C2), dtype=jnp.float32) * s
    inp["bl2"] = jnp.zeros((C2,), dtype=jnp.float32)
    return inp


def _gat_layer(x, edge_index, W, a_src, a_dst, b, heads, out_ch):
    n = x.shape[0]
    src = edge_index[0]
    dst = edge_index[1]
    h = (x @ W).reshape(n, heads, out_ch)
    alpha_s = jnp.sum(h * a_src[None, :, :], axis=-1)  # [N, heads]
    alpha_d = jnp.sum(h * a_dst[None, :, :], axis=-1)  # [N, heads]
    e = jax.nn.leaky_relu(alpha_s[src] + alpha_d[dst], negative_slope=0.2)  # [E, heads]
    emax = jax.ops.segment_max(e, dst, num_segments=n)
    emax = jnp.where(jnp.isfinite(emax), emax, 0.0)
    ee = jnp.exp(e - emax[dst])
    denom = jax.ops.segment_sum(ee, dst, num_segments=n)
    alpha = ee / (denom[dst] + 1e-16)  # softmax over incoming edges per dst node
    msg = h[src] * alpha[:, :, None]
    out = jax.ops.segment_sum(msg, dst, num_segments=n)
    return out.reshape(n, heads * out_ch) + b, alpha


def reference(x, edge_index, W1, a_src1, a_dst1, b1, Wl1, bl1, W2, a_src2, a_dst2, b2, Wl2, bl2):
    g1, alpha1 = _gat_layer(x, edge_index, W1, a_src1, a_dst1, b1, H1, C1)
    x1 = jax.nn.elu(g1 + x @ Wl1 + bl1)
    g2, _ = _gat_layer(x1, edge_index, W2, a_src2, a_dst2, b2, 1, C2)
    x2 = g2 + x1 @ Wl2 + bl2
    # activation is None -> no log_softmax; return_alpha=True -> also return conv1 alpha
    return (x2, alpha1)

if __name__ == "__main__":
    import jax
    _d = setup_inputs()
    print(jax.jit(kernel)(*tuple(_d.values())))

</pallas_src>

<mosaic_0001>
module attributes {stable_mosaic.version = 14 : i64} {
  func.func @_dense1_body(%arg0: i32, %arg1: memref<400x128xf32, #tpu.memory_space<vmem>>, %arg2: memref<128x1024xf32, #tpu.memory_space<vmem>>, %arg3: memref<128x1024xf32, #tpu.memory_space<vmem>>, %arg4: memref<1x1024xf32, #tpu.memory_space<vmem>>, %arg5: memref<1x1024xf32, #tpu.memory_space<vmem>>, %arg6: memref<1x1024xf32, #tpu.memory_space<vmem>>, %arg7: memref<400x1024xf32, #tpu.memory_space<vmem>>, %arg8: memref<400x4xf32, #tpu.memory_space<vmem>>, %arg9: memref<400x4xf32, #tpu.memory_space<vmem>>, %arg10: memref<400x1024xf32, #tpu.memory_space<vmem>>) attributes {dimension_semantics = [#tpu.dimension_semantics<arbitrary>], iteration_bounds = array<i64: 25>, scalar_prefetch = 0 : i64, scratch_operands = 0 : i64, tpu.core_type = #tpu.core_type<tc>, window_params = [{transform_indices = @transform_0, window_bounds = array<i64: 400, 128>}, {pipeline_mode = #tpu.pipeline_mode<synchronous>, transform_indices = @transform_1, window_bounds = array<i64: 128, 1024>}, {pipeline_mode = #tpu.pipeline_mode<synchronous>, transform_indices = @transform_2, window_bounds = array<i64: 128, 1024>}, {pipeline_mode = #tpu.pipeline_mode<synchronous>, transform_indices = @transform_3, window_bounds = array<i64: 1, 1024>}, {pipeline_mode = #tpu.pipeline_mode<synchronous>, transform_indices = @transform_4, window_bounds = array<i64: 1, 1024>}, {pipeline_mode = #tpu.pipeline_mode<synchronous>, transform_indices = @transform_5, window_bounds = array<i64: 1, 1024>}, {transform_indices = @transform_6, window_bounds = array<i64: 400, 1024>}, {transform_indices = @transform_7, window_bounds = array<i64: 400, 4>}, {transform_indices = @transform_8, window_bounds = array<i64: 400, 4>}, {transform_indices = @transform_9, window_bounds = array<i64: 400, 1024>}]} {
    %get3A = arith.constant 0 : index
    %get3A_0 = arith.constant 0 : index
    %get3A_1 = vector.load %arg1[%get3A, %get3A_0] : memref<400x128xf32, #tpu.memory_space<vmem>>, vector<400x128xf32>
    %get3A_2 = arith.constant 0 : index
    %get3A_3 = arith.constant 0 : index
    %get3A_4 = vector.load %arg2[%get3A_2, %get3A_3] : memref<128x1024xf32, #tpu.memory_space<vmem>>, vector<128x1024xf32>
    %dot_general3A = arith.constant dense<0.000000e+00> : vector<400x1024xf32>
    %dot_general3A_5 = tpu.matmul %get3A_1, %get3A_4, %dot_general3A {dimension_numbers = #tpu.dot_dimension_numbers<[1], [0], [0], [1], [0, 0, 1, 1], [], []>, transpose_lhs_hint = false} : vector<400x128xf32>, vector<128x1024xf32>, vector<400x1024xf32> -> vector<400x1024xf32>
    %swap3A = arith.constant 0 : index
    %swap3A_6 = arith.constant 0 : index
    %swap3A_7 = vector.load %arg7[%swap3A, %swap3A_6] : memref<400x1024xf32, #tpu.memory_space<vmem>>, vector<400x1024xf32>
    tpu.vector_store %arg7[%swap3A, %swap3A_6], %dot_general3A_5 {strides = array<i32>} : memref<400x1024xf32, #tpu.memory_space<vmem>>, vector<400x1024xf32>,
    %get3A_8 = arith.constant 0 : index
    %get3A_9 = arith.constant 0 : index
    %get3A_10 = vector.load %arg3[%get3A_8, %get3A_9] : memref<128x1024xf32, #tpu.memory_space<vmem>>, vector<128x1024xf32>
    %dot_general3A_11 = arith.constant dense<0.000000e+00> : vector<400x1024xf32>
    %dot_general3A_12 = tpu.matmul %get3A_1, %get3A_10, %dot_general3A_11 {dimension_numbers = #tpu.dot_dimension_numbers<[1], [0], [0], [1], [0, 0, 1, 1], [], []>, transpose_lhs_hint = false} : vector<400x128xf32>, vector<128x1024xf32>, vector<400x1024xf32> -> vector<400x1024xf32>
    %get3A_13 = arith.constant 0 : index
    %get3A_14 = arith.constant 0 : index
    %get3A_15 = vector.load %arg6[%get3A_13, %get3A_14] : memref<1x1024xf32, #tpu.memory_space<vmem>>, vector<1x1024xf32>
    %add3A = vector.broadcast %get3A_15 : vector<1x1024xf32> to vector<400x1024xf32>
    %add3A_16 = arith.addf %dot_general3A_12, %add3A : vector<400x1024xf32>
    %swap3A_17 = arith.constant 0 : index
    %swap3A_18 = arith.constant 0 : index
    %swap3A_19 = vector.load %arg10[%swap3A_17, %swap3A_18] : memref<400x1024xf32, #tpu.memory_space<vmem>>, vector<400x1024xf32>
    tpu.vector_store %arg10[%swap3A_17, %swap3A_18], %add3A_16 {strides = array<i32>} : memref<400x1024xf32, #tpu.memory_space<vmem>>, vector<400x1024xf32>,
    %get3A_20 = arith.constant 0 : index
    %get3A_21 = arith.constant 0 : index
    %get3A_22 = vector.load %arg4[%get3A_20, %get3A_21] : memref<1x1024xf32, #tpu.memory_space<vmem>>, vector<1x1024xf32>
    %mul3A = vector.broadcast %get3A_22 : vector<1x1024xf32> to vector<400x1024xf32>
    %mul3A_23 = arith.mulf %dot_general3A_5, %mul3A : vector<400x1024xf32>
    %get3A_24 = arith.constant 0 : index
    %get3A_25 = arith.constant 0 : index
    %get3A_26 = vector.load %arg5[%get3A_24, %get3A_25] : memref<1x1024xf32, #tpu.memory_space<vmem>>, vector<1x1024xf32>
    %mul3A_27 = vector.broadcast %get3A_26 : vector<1x1024xf32> to vector<400x1024xf32>
    %mul3A_28 = arith.mulf %dot_general3A_5, %mul3A_27 : vector<400x1024xf32>
    %slice3A = vector.extract_strided_slice %mul3A_23 {offsets = [0, 0], sizes = [400, 256], strides = [1, 1]} : vector<400x1024xf32> to vector<400x256xf32>
    %reduce_sum3A = arith.constant dense<0.000000e+00> : vector<400xf32>
    %reduce_sum3A_29 = vector.multi_reduction <add>, %slice3A, %reduce_sum3A [1] : vector<400x256xf32> to vector<400xf32>
    %broadcast_in_dim3A = vector.shape_cast %reduce_sum3A_29 : vector<400xf32> to vector<400x1xf32>
    %slice3A_30 = vector.extract_strided_slice %mul3A_23 {offsets = [0, 256], sizes = [400, 256], strides = [1, 1]} : vector<400x1024xf32> to vector<400x256xf32>
    %reduce_sum3A_31 = arith.constant dense<0.000000e+00> : vector<400xf32>
    %reduce_sum3A_32 = vector.multi_reduction <add>, %slice3A_30, %reduce_sum3A_31 [1] : vector<400x256xf32> to vector<400xf32>
    %broadcast_in_dim3A_33 = vector.shape_cast %reduce_sum3A_32 : vector<400xf32> to vector<400x1xf32>
    %slice3A_34 = vector.extract_strided_slice %mul3A_23 {offsets = [0, 512], sizes = [400, 256], strides = [1, 1]} : vector<400x1024xf32> to vector<400x256xf32>
    %reduce_sum3A_35 = arith.constant dense<0.000000e+00> : vector<400xf32>
    %reduce_sum3A_36 = vector.multi_reduction <add>, %slice3A_34, %reduce_sum3A_35 [1] : vector<400x256xf32> to vector<400xf32>
    %broadcast_in_dim3A_37 = vector.shape_cast %reduce_sum3A_36 : vector<400xf32> to vector<400x1xf32>
    %slice3A_38 = vector.extract_strided_slice %mul3A_23 {offsets = [0, 768], sizes = [400, 256], strides = [1, 1]} : vector<400x1024xf32> to vector<400x256xf32>
    %reduce_sum3A_39 = arith.constant dense<0.000000e+00> : vector<400xf32>
    %reduce_sum3A_40 = vector.multi_reduction <add>, %slice3A_38, %reduce_sum3A_39 [1] : vector<400x256xf32> to vector<400xf32>
    %broadcast_in_dim3A_41 = vector.shape_cast %reduce_sum3A_40 : vector<400xf32> to vector<400x1xf32>
    %slice3A_42 = vector.extract_strided_slice %mul3A_28 {offsets = [0, 0], sizes = [400, 256], strides = [1, 1]} : vector<400x1024xf32> to vector<400x256xf32>
    %reduce_sum3A_43 = arith.constant dense<0.000000e+00> : vector<400xf32>
    %reduce_sum3A_44 = vector.multi_reduction <add>, %slice3A_42, %reduce_sum3A_43 [1] : vector<400x256xf32> to vector<400xf32>
    %broadcast_in_dim3A_45 = vector.shape_cast %reduce_sum3A_44 : vector<400xf32> to vector<400x1xf32>
    %slice3A_46 = vector.extract_strided_slice %mul3A_28 {offsets = [0, 256], sizes = [400, 256], strides = [1, 1]} : vector<400x1024xf32> to vector<400x256xf32>
    %reduce_sum3A_47 = arith.constant dense<0.000000e+00> : vector<400xf32>
    %reduce_sum3A_48 = vector.multi_reduction <add>, %slice3A_46, %reduce_sum3A_47 [1] : vector<400x256xf32> to vector<400xf32>
    %broadcast_in_dim3A_49 = vector.shape_cast %reduce_sum3A_48 : vector<400xf32> to vector<400x1xf32>
    %slice3A_50 = vector.extract_strided_slice %mul3A_28 {offsets = [0, 512], sizes = [400, 256], strides = [1, 1]} : vector<400x1024xf32> to vector<400x256xf32>
    %reduce_sum3A_51 = arith.constant dense<0.000000e+00> : vector<400xf32>
    %reduce_sum3A_52 = vector.multi_reduction <add>, %slice3A_50, %reduce_sum3A_51 [1] : vector<400x256xf32> to vector<400xf32>
    %broadcast_in_dim3A_53 = vector.shape_cast %reduce_sum3A_52 : vector<400xf32> to vector<400x1xf32>
    %slice3A_54 = vector.extract_strided_slice %mul3A_28 {offsets = [0, 768], sizes = [400, 256], strides = [1, 1]} : vector<400x1024xf32> to vector<400x256xf32>
    %reduce_sum3A_55 = arith.constant dense<0.000000e+00> : vector<400xf32>
    %reduce_sum3A_56 = vector.multi_reduction <add>, %slice3A_54, %reduce_sum3A_55 [1] : vector<400x256xf32> to vector<400xf32>
    %broadcast_in_dim3A_57 = vector.shape_cast %reduce_sum3A_56 : vector<400xf32> to vector<400x1xf32>
    %concatenate3A = tpu.concatenate %broadcast_in_dim3A, %broadcast_in_dim3A_33, %broadcast_in_dim3A_37, %broadcast_in_dim3A_41 in 1 : vector<400x1xf32>, vector<400x1xf32>, vector<400x1xf32>, vector<400x1xf32> -> vector<400x4xf32>
    %swap3A_58 = arith.constant 0 : index
    %swap3A_59 = arith.constant 0 : index
    %swap3A_60 = vector.load %arg8[%swap3A_58, %swap3A_59] : memref<400x4xf32, #tpu.memory_space<vmem>>, vector<400x4xf32>
    tpu.vector_store %arg8[%swap3A_58, %swap3A_59], %concatenate3A {strides = array<i32>} : memref<400x4xf32, #tpu.memory_space<vmem>>, vector<400x4xf32>,
    %concatenate3A_61 = tpu.concatenate %broadcast_in_dim3A_45, %broadcast_in_dim3A_49, %broadcast_in_dim3A_53, %broadcast_in_dim3A_57 in 1 : vector<400x1xf32>, vector<400x1xf32>, vector<400x1xf32>, vector<400x1xf32> -> vector<400x4xf32>
    %swap3A_62 = arith.constant 0 : index
    %swap3A_63 = arith.constant 0 : index
    %swap3A_64 = vector.load %arg9[%swap3A_62, %swap3A_63] : memref<400x4xf32, #tpu.memory_space<vmem>>, vector<400x4xf32>
    tpu.vector_store %arg9[%swap3A_62, %swap3A_63], %concatenate3A_61 {strides = array<i32>} : memref<400x4xf32, #tpu.memory_space<vmem>>, vector<400x4xf32>,
    return
  }
  func.func @transform_0(%arg0: i32) -> (i32, i32) {
    %c0_i32 = arith.constant 0 : i32
    %c0_i32_0 = arith.constant 0 : i32
    return %arg0, %c0_i32 : i32, i32
  }
  func.func @transform_1(%arg0: i32) -> (i32, i32) {
    %c0_i32 = arith.constant 0 : i32
    %c0_i32_0 = arith.constant 0 : i32
    %c0_i32_1 = arith.constant 0 : i32
    return %c0_i32, %c0_i32_0 : i32, i32
  }
  func.func @transform_2(%arg0: i32) -> (i32, i32) {
    %c0_i32 = arith.constant 0 : i32
    %c0_i32_0 = arith.constant 0 : i32
    %c0_i32_1 = arith.constant 0 : i32
    return %c0_i32, %c0_i32_0 : i32, i32
  }
  func.func @transform_3(%arg0: i32) -> (i32, i32) {
    %c0_i32 = arith.constant 0 : i32
    %c0_i32_0 = arith.constant 0 : i32
    %c0_i32_1 = arith.constant 0 : i32
    return %c0_i32, %c0_i32_0 : i32, i32
  }
  func.func @transform_4(%arg0: i32) -> (i32, i32) {
    %c0_i32 = arith.constant 0 : i32
    %c0_i32_0 = arith.constant 0 : i32
    %c0_i32_1 = arith.constant 0 : i32
    return %c0_i32, %c0_i32_0 : i32, i32
  }
  func.func @transform_5(%arg0: i32) -> (i32, i32) {
    %c0_i32 = arith.constant 0 : i32
    %c0_i32_0 = arith.constant 0 : i32
    %c0_i32_1 = arith.constant 0 : i32
    return %c0_i32, %c0_i32_0 : i32, i32
  }
  func.func @transform_6(%arg0: i32) -> (i32, i32) {
    %c0_i32 = arith.constant 0 : i32
    %c0_i32_0 = arith.constant 0 : i32
    return %arg0, %c0_i32 : i32, i32
  }
  func.func @transform_7(%arg0: i32) -> (i32, i32) {
    %c0_i32 = arith.constant 0 : i32
    %c0_i32_0 = arith.constant 0 : i32
    return %arg0, %c0_i32 : i32, i32
  }
  func.func @transform_8(%arg0: i32) -> (i32, i32) {
    %c0_i32 = arith.constant 0 : i32
    %c0_i32_0 = arith.constant 0 : i32
    return %arg0, %c0_i32 : i32, i32
  }
  func.func @transform_9(%arg0: i32) -> (i32, i32) {
    %c0_i32 = arith.constant 0 : i32
    %c0_i32_0 = arith.constant 0 : i32
    return %arg0, %c0_i32 : i32, i32
  }
}

module attributes {stable_mosaic.version = 14 : i64} {
  func.func @_edge_weight_body(%arg0: i32, %arg1: memref<80000xi32, #tpu.memory_space<smem>>, %arg2: memref<80000xi32, #tpu.memory_space<smem>>, %arg3: memref<10000x1x4xf32, #tpu.memory_space<vmem>>, %arg4: memref<10000x1x4xf32, #tpu.memory_space<vmem>>, %arg5: memref<16x1x4xf32, #tpu.memory_space<vmem>>, %arg6: memref<10000x1x4xf32, #tpu.memory_space<vmem>>) attributes {dimension_semantics = [#tpu.dimension_semantics<arbitrary>], iteration_bounds = array<i64: 5000>, scalar_prefetch = 0 : i64, scratch_operands = 0 : i64, tpu.core_type = #tpu.core_type<tc>, window_params = [{transform_indices = @transform_0, window_bounds = array<i64: 80000>}, {transform_indices = @transform_1, window_bounds = array<i64: 80000>}, {pipeline_mode = #tpu.pipeline_mode<synchronous>, transform_indices = @transform_2, window_bounds = array<i64: 10000, 1, 4>}, {pipeline_mode = #tpu.pipeline_mode<synchronous>, transform_indices = @transform_3, window_bounds = array<i64: 10000, 1, 4>}, {transform_indices = @transform_4, window_bounds = array<i64: 16, 1, 4>}, {pipeline_mode = #tpu.pipeline_mode<synchronous>, transform_indices = @transform_5, window_bounds = array<i64: 10000, 1, 4>}]} {
    %eq3A = arith.constant 0 : i32
    %eq3A_0 = arith.cmpi eq, %arg0, %eq3A : i32
    %convert_element_type3A = arith.extui %eq3A_0 : i1 to i32
    %cond3A = arith.constant 0 : i32
    %cond3A_1 = arith.cmpi ne, %convert_element_type3A, %cond3A : i32
    scf.if %cond3A_1 {
      %broadcast_in_dim3A = arith.constant 0.000000e+00 : f32
      %broadcast_in_dim3A_605 = vector.broadcast %broadcast_in_dim3A : f32 to vector<10000x1x4xf32>
      %swap3A_606 = arith.constant 0 : index
      %swap3A_607 = arith.constant 0 : index
      %swap3A_608 = arith.constant 0 : index
      %swap3A_609 = vector.load %arg6[%swap3A_606, %swap3A_607, %swap3A_608] : memref<10000x1x4xf32, #tpu.memory_space<vmem>>, vector<10000x1x4xf32>
      tpu.vector_store %arg6[%swap3A_606, %swap3A_607, %swap3A_608], %broadcast_in_dim3A_605 {strides = array<i32>} : memref<10000x1x4xf32, #tpu.memory_space<vmem>>, vector<10000x1x4xf32>,
    } else {
    }
    %mul3A = arith.constant 16 : i32
    %mul3A_2 = arith.muli %arg0, %mul3A : i32
    %add3A = arith.constant 0 : i32
    %add3A_3 = arith.addi %mul3A_2, %add3A : i32
    %get3A = arith.index_cast %add3A_3 : i32 to index
    %get3A_4 = memref.load %arg1[%get3A] : memref<80000xi32, #tpu.memory_space<smem>>
    %add3A_5 = arith.constant 0 : i32
    %add3A_6 = arith.addi %mul3A_2, %add3A_5 : i32
    %get3A_7 = arith.index_cast %add3A_6 : i32 to index
    %get3A_8 = memref.load %arg2[%get3A_7] : memref<80000xi32, #tpu.memory_space<smem>>
    %get3A_9 = arith.index_cast %get3A_4 : i32 to index
    %get3A_10 = arith.constant 0 : index
    %get3A_11 = arith.constant 0 : index
    %get3A_12 = vector.load %arg3[%get3A_9, %get3A_10, %get3A_11] : memref<10000x1x4xf32, #tpu.memory_space<vmem>>, vector<1x1x4xf32>
    %get3A_13 = arith.index_cast %get3A_8 : i32 to index
    %get3A_14 = arith.constant 0 : index
    %get3A_15 = arith.constant 0 : index
    %get3A_16 = vector.load %arg4[%get3A_13, %get3A_14, %get3A_15] : memref<10000x1x4xf32, #tpu.memory_space<vmem>>, vector<1x1x4xf32>
    %add3A_17 = arith.addf %get3A_12, %get3A_16 : vector<1x1x4xf32>
    %ge3A = arith.constant 0.000000e+00 : f32
    %ge3A_18 = vector.broadcast %ge3A : f32 to vector<1x1x4xf32>
    %ge3A_19 = arith.cmpf oge, %add3A_17, %ge3A_18 : vector<1x1x4xf32>
    %mul3A_20 = arith.constant 2.000000e-01 : f32
    %mul3A_21 = vector.broadcast %mul3A_20 : f32 to vector<1x1x4xf32>
    %mul3A_22 = arith.mulf %mul3A_21, %add3A_17 : vector<1x1x4xf32>
    %select_n3A = arith.select %ge3A_19, %add3A_17, %mul3A_22 : vector<1x1x4xi1>, vector<1x1x4xf32>
    %exp3A = math.exp %select_n3A : vector<1x1x4xf32>
    %swap3A = arith.constant 0 : index
    %swap3A_23 = arith.constant 0 : index
    %swap3A_24 = arith.constant 0 : index
    %swap3A_25 = vector.load %arg5[%swap3A, %swap3A_23, %swap3A_24] : memref<16x1x4xf32, #tpu.memory_space<vmem>>, vector<1x1x4xf32>
    tpu.vector_store %arg5[%swap3A, %swap3A_23, %swap3A_24], %exp3A {strides = array<i32>} : memref<16x1x4xf32, #tpu.memory_space<vmem>>, vector<1x1x4xf32>,
    %get3A_26 = arith.index_cast %get3A_8 : i32 to index
    %get3A_27 = arith.constant 0 : index
    %get3A_28 = arith.constant 0 : index
    %get3A_29 = vector.load %arg6[%get3A_26, %get3A_27, %get3A_28] : memref<10000x1x4xf32, #tpu.memory_space<vmem>>, vector<1x1x4xf32>
    %add3A_30 = arith.addf %get3A_29, %exp3A : vector<1x1x4xf32>
    %swap3A_31 = arith.index_cast %get3A_8 : i32 to index
    %swap3A_32 = arith.constant 0 : index
    %swap3A_33 = arith.constant 0 : index
    %swap3A_34 = vector.load %arg6[%swap3A_31, %swap3A_32, %swap3A_33] : memref<10000x1x4xf32, #tpu.memory_space<vmem>>, vector<1x1x4xf32>
    tpu.vector_store %arg6[%swap3A_31, %swap3A_32, %swap3A_33], %add3A_30 {strides = array<i32>} : memref<10000x1x4xf32, #tpu.memory_space<vmem>>, vector<1x1x4xf32>,
    %add3A_35 = arith.constant 1 : i32
    %add3A_36 = arith.addi %mul3A_2, %add3A_35 : i32
    %get3A_37 = arith.index_cast %add3A_36 : i32 to index
    %get3A_38 = memref.load %arg1[%get3A_37] : memref<80000xi32, #tpu.memory_space<smem>>
    %add3A_39 = arith.constant 1 : i32
    %add3A_40 = arith.addi %mul3A_2, %add3A_39 : i32
    %get3A_41 = arith.index_cast %add3A_40 : i32 to index
    %get3A_42 = memref.load %arg2[%get3A_41] : memref<80000xi32, #tpu.memory_space<smem>>
    %get3A_43 = arith.index_cast %get3A_38 : i32 to index
    %get3A_44 = arith.constant 0 : index
    %get3A_45 = arith.constant 0 : index
    %get3A_46 = vector.load %arg3[%get3A_43, %get3A_44, %get3A_45] : memref<10000x1x4xf32, #tpu.memory_space<vmem>>, vector<1x1x4xf32>
    %get3A_47 = arith.index_cast %get3A_42 : i32 to index
    %get3A_48 = arith.constant 0 : index
    %get3A_49 = arith.constant 0 : index
    %get3A_50 = vector.load %arg4[%get3A_47, %get3A_48, %get3A_49] : memref<10000x1x4xf32, #tpu.memory_space<vmem>>, vector<1x1x4xf32>
    %add3A_51 = arith.addf %get3A_46, %get3A_50 : vector<1x1x4xf32>
    %ge3A_52 = arith.constant 0.000000e+00 : f32
    %ge3A_53 = vector.broadcast %ge3A_52 : f32 to vector<1x1x4xf32>
    %ge3A_54 = arith.cmpf oge, %add3A_51, %ge3A_53 : vector<1x1x4xf32>
    %mul3A_55 = arith.constant 2.000000e-01 : f32
    %mul3A_56 = vector.broadcast %mul3A_55 : f32 to vector<1x1x4xf32>
    %mul3A_57 = arith.mulf %mul3A_56, %add3A_51 : vector<1x1x4xf32>
    %select_n3A_58 = arith.select %ge3A_54, %add3A_51, %mul3A_57 : vector<1x1x4xi1>, vector<1x1x4xf32>
    %exp3A_59 = math.exp %select_n3A_58 : vector<1x1x4xf32>
    %swap3A_60 = arith.constant 1 : index
    %swap3A_61 = arith.constant 0 : index
    %swap3A_62 = arith.constant 0 : index
    %swap3A_63 = vector.load %arg5[%swap3A_60, %swap3A_61, %swap3A_62] : memref<16x1x4xf32, #tpu.memory_space<vmem>>, vector<1x1x4xf32>
    tpu.vector_store %arg5[%swap3A_60, %swap3A_61, %swap3A_62], %exp3A_59 {strides = array<i32>} : memref<16x1x4xf32, #tpu.memory_space<vmem>>, vector<1x1x4xf32>,
    %get3A_64 = arith.index_cast %get3A_42 : i32 to index
    %get3A_65 = arith.constant 0 : index
    %get3A_66 = arith.constant 0 : index
    %get3A_67 = vector.load %arg6[%get3A_64, %get3A_65, %get3A_66] : memref<10000x1x4xf32, #tpu.memory_space<vmem>>, vector<1x1x4xf32>
    %add3A_68 = arith.addf %get3A_67, %exp3A_59 : vector<1x1x4xf32>
    %swap3A_69 = arith.index_cast %get3A_42 : i32 to index
    %swap3A_70 = arith.constant 0 : index
    %swap3A_71 = arith.constant 0 : index
    %swap3A_72 = vector.load %arg6[%swap3A_69, %swap3A_70, %swap3A_71] : memref<10000x1x4xf32, #tpu.memory_space<vmem>>, vector<1x1x4xf32>
    tpu.vector_store %arg6[%swap3A_69, %swap3A_70, %swap3A_71], %add3A_68 {strides = array<i32>} : memref<10000x1x4xf32, #tpu.memory_space<vmem>>, vector<1x1x4xf32>,
    %add3A_73 = arith.constant 2 : i32
    %add3A_74 = arith.addi %mul3A_2, %add3A_73 : i32
    %get3A_75 = arith.index_cast %add3A_74 : i32 to index
    %get3A_76 = memref.load %arg1[%get3A_75] : memref<80000xi32, #tpu.memory_space<smem>>
    %add3A_77 = arith.constant 2 : i32
    %add3A_78 = arith.addi %mul3A_2, %add3A_77 : i32
    %get3A_79 = arith.index_cast %add3A_78 : i32 to index
    %get3A_80 = memref.load %arg2[%get3A_79] : memref<80000xi32, #tpu.memory_space<smem>>
    %get3A_81 = arith.index_cast %get3A_76 : i32 to index
    %get3A_82 = arith.constant 0 : index
    %get3A_83 = arith.constant 0 : index
    %get3A_84 = vector.load %arg3[%get3A_81, %get3A_82, %get3A_83] : memref<10000x1x4xf32, #tpu.memory_space<vmem>>, vector<1x1x4xf32>
    %get3A_85 = arith.index_cast %get3A_80 : i32 to index
    %get3A_86 = arith.constant 0 : index
    %get3A_87 = arith.constant 0 : index
    %get3A_88 = vector.load %arg4[%get3A_85, %get3A_86, %get3A_87] : memref<10000x1x4xf32, #tpu.memory_space<vmem>>, vector<1x1x4xf32>
    %add3A_89 = arith.addf %get3A_84, %get3A_88 : vector<1x1x4xf32>
    %ge3A_90 = arith.constant 0.000000e+00 : f32
    %ge3A_91 = vector.broadcast %ge3A_90 : f32 to vector<1x1x4xf32>
    %ge3A_92 = arith.cmpf oge, %add3A_89, %ge3A_91 : vector<1x1x4xf32>
    %mul3A_93 = arith.constant 2.000000e-01 : f32
    %mul3A_94 = vector.broadcast %mul3A_93 : f32 to vector<1x1x4xf32>
    %mul3A_95 = arith.mulf %mul3A_94, %add3A_89 : vector<1x1x4xf32>
    %select_n3A_96 = arith.select %ge3A_92, %add3A_89, %mul3A_95 : vector<1x1x4xi1>, vector<1x1x4xf32>
    %exp3A_97 = math.exp %select_n3A_96 : vector<1x1x4xf32>
    %swap3A_98 = arith.constant 2 : index
    %swap3A_99 = arith.constant 0 : index
    %swap3A_100 = arith.constant 0 : index
    %swap3A_101 = vector.load %arg5[%swap3A_98, %swap3A_99, %swap3A_100] : memref<16x1x4xf32, #tpu.memory_space<vmem>>, vector<1x1x4xf32>
    tpu.vector_store %arg5[%swap3A_98, %swap3A_99, %swap3A_100], %exp3A_97 {strides = array<i32>} : memref<16x1x4xf32, #tpu.memory_space<vmem>>, vector<1x1x4xf32>,
    %get3A_102 = arith.index_cast %get3A_80 : i32 to index
    %get3A_103 = arith.constant 0 : index
    %get3A_104 = arith.constant 0 : index
    %get3A_105 = vector.load %arg6[%get3A_102, %get3A_103, %get3A_104] : memref<10000x1x4xf32, #tpu.memory_space<vmem>>, vector<1x1x4xf32>
    %add3A_106 = arith.addf %get3A_105, %exp3A_97 : vector<1x1x4xf32>
    %swap3A_107 = arith.index_cast %get3A_80 : i32 to index
    %swap3A_108 = arith.constant 0 : index
    %swap3A_109 = arith.constant 0 : index
    %swap3A_110 = vector.load %arg6[%swap3A_107, %swap3A_108, %swap3A_109] : memref<10000x1x4xf32, #tpu.memory_space<vmem>>, vector<1x1x4xf32>
    tpu.vector_store %arg6[%swap3A_107, %swap3A_108, %swap3A_109], %add3A_106 {strides = array<i32>} : memref<10000x1x4xf32, #tpu.memory_space<vmem>>, vector<1x1x4xf32>,
    %add3A_111 = arith.constant 3 : i32
    %add3A_112 = arith.addi %mul3A_2, %add3A_111 : i32
    %get3A_113 = arith.index_cast %add3A_112 : i32 to index
    %get3A_114 = memref.load %arg1[%get3A_113] : memref<80000xi32, #tpu.memory_space<smem>>
    %add3A_115 = arith.constant 3 : i32
    %add3A_116 = arith.addi %mul3A_2, %add3A_115 : i32
    %get3A_117 = arith.index_cast %add3A_116 : i32 to index
    %get3A_118 = memref.load %arg2[%get3A_117] : memref<80000xi32, #tpu.memory_space<smem>>
    %get3A_119 = arith.index_cast %get3A_114 : i32 to index
    %get3A_120 = arith.constant 0 : index
    %get3A_121 = arith.constant 0 : index
    %get3A_122 = vector.load %arg3[%get3A_119, %get3A_120, %get3A_121] : memref<10000x1x4xf32, #tpu.memory_space<vmem>>, vector<1x1x4xf32>
    %get3A_123 = arith.index_cast %get3A_118 : i32 to index
    %get3A_124 = arith.constant 0 : index
    %get3A_125 = arith.constant 0 : index
    %get3A_126 = vector.load %arg4[%get3A_123, %get3A_124, %get3A_125] : memref<10000x1x4xf32, #tpu.memory_space<vmem>>, vector<1x1x4xf32>
    %add3A_127 = arith.addf %get3A_122, %get3A_126 : vector<1x1x4xf32>
    %ge3A_128 = arith.constant 0.000000e+00 : f32
    %ge3A_129 = vector.broadcast %ge3A_128 : f32 to vector<1x1x4xf32>
    %ge3A_130 = arith.cmpf oge, %add3A_127, %ge3A_129 : vector<1x1x4xf32>
    %mul3A_131 = arith.constant 2.000000e-01 : f32
    %mul3A_132 = vector.broadcast %mul3A_131 : f32 to vector<1x1x4xf32>
    %mul3A_133 = arith.mulf %mul3A_132, %add3A_127 : vector<1x1x4xf32>
    %select_n3A_134 = arith.select %ge3A_130, %add3A_127, %mul3A_133 : vector<1x1x4xi1>, vector<1x1x4xf32>
    %exp3A_135 = math.exp %select_n3A_134 : vector<1x1x4xf32>
    %swap3A_136 = arith.constant 3 : index
    %swap3A_137 = arith.constant 0 : index
    %swap3A_138 = arith.constant 0 : index
    %swap3A_139 = vector.load %arg5[%swap3A_136, %swap3A_137, %swap3A_138] : memref<16x1x4xf32, #tpu.memory_space<vmem>>, vector<1x1x4xf32>
    tpu.vector_store %arg5[%swap3A_136, %swap3A_137, %swap3A_138], %exp3A_135 {strides = array<i32>} : memref<16x1x4xf32, #tpu.memory_space<vmem>>, vector<1x1x4xf32>,
    %get3A_140 = arith.index_cast %get3A_118 : i32 to index
    %get3A_141 = arith.constant 0 : index
    %get3A_142 = arith.constant 0 : index
    %get3A_143 = vector.load %arg6[%get3A_140, %get3A_141, %get3A_142] : memref<10000x1x4xf32, #tpu.memory_space<vmem>>, vector<1x1x4xf32>
    %add3A_144 = arith.addf %get3A_143, %exp3A_135 : vector<1x1x4xf32>
    %swap3A_145 = arith.index_cast %get3A_118 : i32 to index
    %swap3A_146 = arith.constant 0 : index
    %swap3A_147 = arith.constant 0 : index
    %swap3A_148 = vector.load %arg6[%swap3A_145, %swap3A_146, %swap3A_147] : memref<10000x1x4xf32, #tpu.memory_space<vmem>>, vector<1x1x4xf32>
    tpu.vector_store %arg6[%swap3A_145, %swap3A_146, %swap3A_147], %add3A_144 {strides = array<i32>} : memref<10000x1x4xf32, #tpu.memory_space<vmem>>, vector<1x1x4xf32>,
    %add3A_149 = arith.constant 4 : i32
    %add3A_150 = arith.addi %mul3A_2, %add3A_149 : i32
    %get3A_151 = arith.index_cast %add3A_150 : i32 to index
    %get3A_152 = memref.load %arg1[%get3A_151] : memref<80000xi32, #tpu.memory_space<smem>>
    %add3A_153 = arith.constant 4 : i32
    %add3A_154 = arith.addi %mul3A_2, %add3A_153 : i32
    %get3A_155 = arith.index_cast %add3A_154 : i32 to index
    %get3A_156 = memref.load %arg2[%get3A_155] : memref<80000xi32, #tpu.memory_space<smem>>
    %get3A_157 = arith.index_cast %get3A_152 : i32 to index
    %get3A_158 = arith.constant 0 : index
    %get3A_159 = arith.constant 0 : index
    %get3A_160 = vector.load %arg3[%get3A_157, %get3A_158, %get3A_159] : memref<10000x1x4xf32, #tpu.memory_space<vmem>>, vector<1x1x4xf32>
    %get3A_161 = arith.index_cast %get3A_156 : i32 to index
    %get3A_162 = arith.constant 0 : index
    %get3A_163 = arith.constant 0 : index
    %get3A_164 = vector.load %arg4[%get3A_161, %get3A_162, %get3A_163] : memref<10000x1x4xf32, #tpu.memory_space<vmem>>, vector<1x1x4xf32>
    %add3A_165 = arith.addf %get3A_160, %get3A_164 : vector<1x1x4xf32>
    %ge3A_166 = arith.constant 0.000000e+00 : f32
    %ge3A_167 = vector.broadcast %ge3A_166 : f32 to vector<1x1x4xf32>
    %ge3A_168 = arith.cmpf oge, %add3A_165, %ge3A_167 : vector<1x1x4xf32>
    %mul3A_169 = arith.constant 2.000000e-01 : f32
    %mul3A_170 = vector.broadcast %mul3A_169 : f32 to vector<1x1x4xf32>
    %mul3A_171 = arith.mulf %mul3A_170, %add3A_165 : vector<1x1x4xf32>
    %select_n3A_172 = arith.select %ge3A_168, %add3A_165, %mul3A_171 : vector<1x1x4xi1>, vector<1x1x4xf32>
    %exp3A_173 = math.exp %select_n3A_172 : vector<1x1x4xf32>
    %swap3A_174 = arith.constant 4 : index
    %swap3A_175 = arith.constant 0 : index
    %swap3A_176 = arith.constant 0 : index
    %swap3A_177 = vector.load %arg5[%swap3A_174, %swap3A_175, %swap3A_176] : memref<16x1x4xf32, #tpu.memory_space<vmem>>, vector<1x1x4xf32>
    tpu.vector_store %arg5[%swap3A_174, %swap3A_175, %swap3A_176], %exp3A_173 {strides = array<i32>} : memref<16x1x4xf32, #tpu.memory_space<vmem>>, vector<1x1x4xf32>,
    %get3A_178 = arith.index_cast %get3A_156 : i32 to index
    %get3A_179 = arith.constant 0 : index
    %get3A_180 = arith.constant 0 : index
    %get3A_181 = vector.load %arg6[%get3A_178, %get3A_179, %get3A_180] : memref<10000x1x4xf32, #tpu.memory_space<vmem>>, vector<1x1x4xf32>
    %add3A_182 = arith.addf %get3A_181, %exp3A_173 : vector<1x1x4xf32>
    %swap3A_183 = arith.index_cast %get3A_156 : i32 to index
    %swap3A_184 = arith.constant 0 : index
    %swap3A_185 = arith.constant 0 : index
    %swap3A_186 = vector.load %arg6[%swap3A_183, %swap3A_184, %swap3A_185] : memref<10000x1x4xf32, #tpu.memory_space<vmem>>, vector<1x1x4xf32>
    tpu.vector_store %arg6[%swap3A_183, %swap3A_184, %swap3A_185], %add3A_182 {strides = array<i32>} : memref<10000x1x4xf32, #tpu.memory_space<vmem>>, vector<1x1x4xf32>,
    %add3A_187 = arith.constant 5 : i32
    %add3A_188 = arith.addi %mul3A_2, %add3A_187 : i32
    %get3A_189 = arith.index_cast %add3A_188 : i32 to index
    %get3A_190 = memref.load %arg1[%get3A_189] : memref<80000xi32, #tpu.memory_space<smem>>
    %add3A_191 = arith.constant 5 : i32
    %add3A_192 = arith.addi %mul3A_2, %add3A_191 : i32
    %get3A_193 = arith.index_cast %add3A_192 : i32 to index
    %get3A_194 = memref.load %arg2[%get3A_193] : memref<80000xi32, #tpu.memory_space<smem>>
    %get3A_195 = arith.index_cast %get3A_190 : i32 to index
    %get3A_196 = arith.constant 0 : index
    %get3A_197 = arith.constant 0 : index
    %get3A_198 = vector.load %arg3[%get3A_195, %get3A_196, %get3A_197] : memref<10000x1x4xf32, #tpu.memory_space<vmem>>, vector<1x1x4xf32>
    %get3A_199 = arith.index_cast %get3A_194 : i32 to index
    %get3A_200 = arith.constant 0 : index
    %get3A_201 = arith.constant 0 : index
    %get3A_202 = vector.load %arg4[%get3A_199, %get3A_200, %get3A_201] : memref<10000x1x4xf32, #tpu.memory_space<vmem>>, vector<1x1x4xf32>
    %add3A_203 = arith.addf %get3A_198, %get3A_202 : vector<1x1x4xf32>
    %ge3A_204 = arith.constant 0.000000e+00 : f32
    %ge3A_205 = vector.broadcast %ge3A_204 : f32 to vector<1x1x4xf32>
    %ge3A_206 = arith.cmpf oge, %add3A_203, %ge3A_205 : vector<1x1x4xf32>
    %mul3A_207 = arith.constant 2.000000e-01 : f32
    %mul3A_208 = vector.broadcast %mul3A_207 : f32 to vector<1x1x4xf32>
    %mul3A_209 = arith.mulf %mul3A_208, %add3A_203 : vector<1x1x4xf32>
    %select_n3A_210 = arith.select %ge3A_206, %add3A_203, %mul3A_209 : vector<1x1x4xi1>, vector<1x1x4xf32>
    %exp3A_211 = math.exp %select_n3A_210 : vector<1x1x4xf32>
    %swap3A_212 = arith.constant 5 : index
    %swap3A_213 = arith.constant 0 : index
    %swap3A_214 = arith.constant 0 : index
    %swap3A_215 = vector.load %arg5[%swap3A_212, %swap3A_213, %swap3A_214] : memref<16x1x4xf32, #tpu.memory_space<vmem>>, vector<1x1x4xf32>
    tpu.vector_store %arg5[%swap3A_212, %swap3A_213, %swap3A_214], %exp3A_211 {strides = array<i32>} : memref<16x1x4xf32, #tpu.memory_space<vmem>>, vector<1x1x4xf32>,
    %get3A_216 = arith.index_cast %get3A_194 : i32 to index
    %get3A_217 = arith.constant 0 : index
    %get3A_218 = arith.constant 0 : index
    %get3A_219 = vector.load %arg6[%get3A_216, %get3A_217, %get3A_218] : memref<10000x1x4xf32, #tpu.memory_space<vmem>>, vector<1x1x4xf32>
    %add3A_220 = arith.addf %get3A_219, %exp3A_211 : vector<1x1x4xf32>
    %swap3A_221 = arith.index_cast %get3A_194 : i32 to index
    %swap3A_222 = arith.constant 0 : index
    %swap3A_223 = arith.constant 0 : index
    %swap3A_224 = vector.load %arg6[%swap3A_221, %swap3A_222, %swap3A_223] : memref<10000x1x4xf32, #tpu.memory_space<vmem>>, vector<1x1x4xf32>
    tpu.vector_store %arg6[%swap3A_221, %swap3A_222, %swap3A_223], %add3A_220 {strides = array<i32>} : memref<10000x1x4xf32, #tpu.memory_space<vmem>>, vector<1x1x4xf32>,
    %add3A_225 = arith.constant 6 : i32
    %add3A_226 = arith.addi %mul3A_2, %add3A_225 : i32
    %get3A_227 = arith.index_cast %add3A_226 : i32 to index
    %get3A_228 = memref.load %arg1[%get3A_227] : memref<80000xi32, #tpu.memory_space<smem>>
    %add3A_229 = arith.constant 6 : i32
    %add3A_230 = arith.addi %mul3A_2, %add3A_229 : i32
    %get3A_231 = arith.index_cast %add3A_230 : i32 to index
    %get3A_232 = memref.load %arg2[%get3A_231] : memref<80000xi32, #tpu.memory_space<smem>>
    %get3A_233 = arith.index_cast %get3A_228 : i32 to index
    %get3A_234 = arith.constant 0 : index
    %get3A_235 = arith.constant 0 : index
    %get3A_236 = vector.load %arg3[%get3A_233, %get3A_234, %get3A_235] : memref<10000x1x4xf32, #tpu.memory_space<vmem>>, vector<1x1x4xf32>
    %get3A_237 = arith.index_cast %get3A_232 : i32 to index
    %get3A_238 = arith.constant 0 : index
    %get3A_239 = arith.constant 0 : index
    %get3A_240 = vector.load %arg4[%get3A_237, %get3A_238, %get3A_239] : memref<10000x1x4xf32, #tpu.memory_space<vmem>>, vector<1x1x4xf32>
    %add3A_241 = arith.addf %get3A_236, %get3A_240 : vector<1x1x4xf32>
    %ge3A_242 = arith.constant 0.000000e+00 : f32
    %ge3A_243 = vector.broadcast %ge3A_242 : f32 to vector<1x1x4xf32>
    %ge3A_244 = arith.cmpf oge, %add3A_241, %ge3A_243 : vector<1x1x4xf32>
    %mul3A_245 = arith.constant 2.000000e-01 : f32
    %mul3A_246 = vector.broadcast %mul3A_245 : f32 to vector<1x1x4xf32>
    %mul3A_247 = arith.mulf %mul3A_246, %add3A_241 : vector<1x1x4xf32>
    %select_n3A_248 = arith.select %ge3A_244, %add3A_241, %mul3A_247 : vector<1x1x4xi1>, vector<1x1x4xf32>
    %exp3A_249 = math.exp %select_n3A_248 : vector<1x1x4xf32>
    %swap3A_250 = arith.constant 6 : index
    %swap3A_251 = arith.constant 0 : index
    %swap3A_252 = arith.constant 0 : index
    %swap3A_253 = vector.load %arg5[%swap3A_250, %swap3A_251, %swap3A_252] : memref<16x1x4xf32, #tpu.memory_space<vmem>>, vector<1x1x4xf32>
    tpu.vector_store %arg5[%swap3A_250, %swap3A_251, %swap3A_252], %exp3A_249 {strides = array<i32>} : memref<16x1x4xf32, #tpu.memory_space<vmem>>, vector<1x1x4xf32>,
    %get3A_254 = arith.index_cast %get3A_232 : i32 to index
    %get3A_255 = arith.constant 0 : index
    %get3A_256 = arith.constant 0 : index
    %get3A_257 = vector.load %arg6[%get3A_254, %get3A_255, %get3A_256] : memref<10000x1x4xf32, #tpu.memory_space<vmem>>, vector<1x1x4xf32>
    %add3A_258 = arith.addf %get3A_257, %exp3A_249 : vector<1x1x4xf32>
    %swap3A_259 = arith.index_cast %get3A_232 : i32 to index
    %swap3A_260 = arith.constant 0 : index
    %swap3A_261 = arith.constant 0 : index
    %swap3A_262 = vector.load %arg6[%swap3A_259, %swap3A_260, %swap3A_261] : memref<10000x1x4xf32, #tpu.memory_space<vmem>>, vector<1x1x4xf32>
    tpu.vector_store %arg6[%swap3A_259, %swap3A_260, %swap3A_261], %add3A_258 {strides = array<i32>} : memref<10000x1x4xf32, #tpu.memory_space<vmem>>, vector<1x1x4xf32>,
    %add3A_263 = arith.constant 7 : i32
    %add3A_264 = arith.addi %mul3A_2, %add3A_263 : i32
    %get3A_265 = arith.index_cast %add3A_264 : i32 to index
    %get3A_266 = memref.load %arg1[%get3A_265] : memref<80000xi32, #tpu.memory_space<smem>>
    %add3A_267 = arith.constant 7 : i32
    %add3A_268 = arith.addi %mul3A_2, %add3A_267 : i32
    %get3A_269 = arith.index_cast %add3A_268 : i32 to index
    %get3A_270 = memref.load %arg2[%get3A_269] : memref<80000xi32, #tpu.memory_space<smem>>
    %get3A_271 = arith.index_cast %get3A_266 : i32 to index
    %get3A_272 = arith.constant 0 : index
    %get3A_273 = arith.constant 0 : index
    %get3A_274 = vector.load %arg3[%get3A_271, %get3A_272, %get3A_273] : memref<10000x1x4xf32, #tpu.memory_space<vmem>>, vector<1x1x4xf32>
    %get3A_275 = arith.index_cast %get3A_270 : i32 to index
    %get3A_276 = arith.constant 0 : index
    %get3A_277 = arith.constant 0 : index
    %get3A_278 = vector.load %arg4[%get3A_275, %get3A_276, %get3A_277] : memref<10000x1x4xf32, #tpu.memory_space<vmem>>, vector<1x1x4xf32>
    %add3A_279 = arith.addf %get3A_274, %get3A_278 : vector<1x1x4xf32>
    %ge3A_280 = arith.constant 0.000000e+00 : f32
    %ge3A_281 = vector.broadcast %ge3A_280 : f32 to vector<1x1x4xf32>
    %ge3A_282 = arith.cmpf oge, %add3A_279, %ge3A_281 : vector<1x1x4xf32>
    %mul3A_283 = arith.constant 2.000000e-01 : f32
    %mul3A_284 = vector.broadcast %mul3A_283 : f32 to vector<1x1x4xf32>
    %mul3A_285 = arith.mulf %mul3A_284, %add3A_279 : vector<1x1x4xf32>
    %select_n3A_286 = arith.select %ge3A_282, %add3A_279, %mul3A_285 : vector<1x1x4xi1>, vector<1x1x4xf32>
    %exp3A_287 = math.exp %select_n3A_286 : vector<1x1x4xf32>
    %swap3A_288 = arith.constant 7 : index
    %swap3A_289 = arith.constant 0 : index
    %swap3A_290 = arith.constant 0 : index
    %swap3A_291 = vector.load %arg5[%swap3A_288, %swap3A_289, %swap3A_290] : memref<16x1x4xf32, #tpu.memory_space<vmem>>, vector<1x1x4xf32>
    tpu.vector_store %arg5[%swap3A_288, %swap3A_289, %swap3A_290], %exp3A_287 {strides = array<i32>} : memref<16x1x4xf32, #tpu.memory_space<vmem>>, vector<1x1x4xf32>,
    %get3A_292 = arith.index_cast %get3A_270 : i32 to index
    %get3A_293 = arith.constant 0 : index
    %get3A_294 = arith.constant 0 : index
    %get3A_295 = vector.load %arg6[%get3A_292, %get3A_293, %get3A_294] : memref<10000x1x4xf32, #tpu.memory_space<vmem>>, vector<1x1x4xf32>
    %add3A_296 = arith.addf %get3A_295, %exp3A_287 : vector<1x1x4xf32>
    %swap3A_297 = arith.index_cast %get3A_270 : i32 to index
    %swap3A_298 = arith.constant 0 : index
    %swap3A_299 = arith.constant 0 : index
    %swap3A_300 = vector.load %arg6[%swap3A_297, %swap3A_298, %swap3A_299] : memref<10000x1x4xf32, #tpu.memory_space<vmem>>, vector<1x1x4xf32>
    tpu.vector_store %arg6[%swap3A_297, %swap3A_298, %swap3A_299], %add3A_296 {strides = array<i32>} : memref<10000x1x4xf32, #tpu.memory_space<vmem>>, vector<1x1x4xf32>,
    %add3A_301 = arith.constant 8 : i32
    %add3A_302 = arith.addi %mul3A_2, %add3A_301 : i32
    %get3A_303 = arith.index_cast %add3A_302 : i32 to index
    %get3A_304 = memref.load %arg1[%get3A_303] : memref<80000xi32, #tpu.memory_space<smem>>
    %add3A_305 = arith.constant 8 : i32
    %add3A_306 = arith.addi %mul3A_2, %add3A_305 : i32
    %get3A_307 = arith.index_cast %add3A_306 : i32 to index
    %get3A_308 = memref.load %arg2[%get3A_307] : memref<80000xi32, #tpu.memory_space<smem>>
    %get3A_309 = arith.index_cast %get3A_304 : i32 to index
    %get3A_310 = arith.constant 0 : index
    %get3A_311 = arith.constant 0 : index
    %get3A_312 = vector.load %arg3[%get3A_309, %get3A_310, %get3A_311] : memref<10000x1x4xf32, #tpu.memory_space<vmem>>, vector<1x1x4xf32>
    %get3A_313 = arith.index_cast %get3A_308 : i32 to index
    %get3A_314 = arith.constant 0 : index
    %get3A_315 = arith.constant 0 : index
    %get3A_316 = vector.load %arg4[%get3A_313, %get3A_314, %get3A_315] : memref<10000x1x4xf32, #tpu.memory_space<vmem>>, vector<1x1x4xf32>
    %add3A_317 = arith.addf %get3A_312, %get3A_316 : vector<1x1x4xf32>
    %ge3A_318 = arith.constant 0.000000e+00 : f32
    %ge3A_319 = vector.broadcast %ge3A_318 : f32 to vector<1x1x4xf32>
    %ge3A_320 = arith.cmpf oge, %add3A_317, %ge3A_319 : vector<1x1x4xf32>
    %mul3A_321 = arith.constant 2.000000e-01 : f32
    %mul3A_322 = vector.broadcast %mul3A_321 : f32 to vector<1x1x4xf32>
    %mul3A_323 = arith.mulf %mul3A_322, %add3A_317 : vector<1x1x4xf32>
    %select_n3A_324 = arith.select %ge3A_320, %add3A_317, %mul3A_323 : vector<1x1x4xi1>, vector<1x1x4xf32>
    %exp3A_325 = math.exp %select_n3A_324 : vector<1x1x4xf32>
    %swap3A_326 = arith.constant 8 : index
    %swap3A_327 = arith.constant 0 : index
    %swap3A_328 = arith.constant 0 : index
    %swap3A_329 = vector.load %arg5[%swap3A_326, %swap3A_327, %swap3A_328] : memref<16x1x4xf32, #tpu.memory_space<vmem>>, vector<1x1x4xf32>
    tpu.vector_store %arg5[%swap3A_326, %swap3A_327, %swap3A_328], %exp3A_325 {strides = array<i32>} : memref<16x1x4xf32, #tpu.memory_space<vmem>>, vector<1x1x4xf32>,
    %get3A_330 = arith.index_cast %get3A_308 : i32 to index
    %get3A_331 = arith.constant 0 : index
    %get3A_332 = arith.constant 0 : index
    %get3A_333 = vector.load %arg6[%get3A_330, %get3A_331, %get3A_332] : memref<10000x1x4xf32, #tpu.memory_space<vmem>>, vector<1x1x4xf32>
    %add3A_334 = arith.addf %get3A_333, %exp3A_325 : vector<1x1x4xf32>
    %swap3A_335 = arith.index_cast %get3A_308 : i32 to index
    %swap3A_336 = arith.constant 0 : index
    %swap3A_337 = arith.constant 0 : index
    %swap3A_338 = vector.load %arg6[%swap3A_335, %swap3A_336, %swap3A_337] : memref<10000x1x4xf32, #tpu.memory_space<vmem>>, vector<1x1x4xf32>
    tpu.vector_store %arg6[%swap3A_335, %swap3A_336, %swap3A_337], %add3A_334 {strides = array<i32>} : memref<10000x1x4xf32, #tpu.memory_space<vmem>>, vector<1x1x4xf32>,
    %add3A_339 = arith.constant 9 : i32
    %add3A_340 = arith.addi %mul3A_2, %add3A_339 : i32
    %get3A_341 = arith.index_cast %add3A_340 : i32 to index
    %get3A_342 = memref.load %arg1[%get3A_341] : memref<80000xi32, #tpu.memory_space<smem>>
    %add3A_343 = arith.constant 9 : i32
    %add3A_344 = arith.addi %mul3A_2, %add3A_343 : i32
    %get3A_345 = arith.index_cast %add3A_344 : i32 to index
    %get3A_346 = memref.load %arg2[%get3A_345] : memref<80000xi32, #tpu.memory_space<smem>>
    %get3A_347 = arith.index_cast %get3A_342 : i32 to index
    %get3A_348 = arith.constant 0 : index
    %get3A_349 = arith.constant 0 : index
    %get3A_350 = vector.load %arg3[%get3A_347, %get3A_348, %get3A_349] : memref<10000x1x4xf32, #tpu.memory_space<vmem>>, vector<1x1x4xf32>
    %get3A_351 = arith.index_cast %get3A_346 : i32 to index
    %get3A_352 = arith.constant 0 : index
    %get3A_353 = arith.constant 0 : index
    %get3A_354 = vector.load %arg4[%get3A_351, %get3A_352, %get3A_353] : memref<10000x1x4xf32, #tpu.memory_space<vmem>>, vector<1x1x4xf32>
    %add3A_355 = arith.addf %get3A_350, %get3A_354 : vector<1x1x4xf32>
    %ge3A_356 = arith.constant 0.000000e+00 : f32
    %ge3A_357 = vector.broadcast %ge3A_356 : f32 to vector<1x1x4xf32>
    %ge3A_358 = arith.cmpf oge, %add3A_355, %ge3A_357 : vector<1x1x4xf32>
    %mul3A_359 = arith.constant 2.000000e-01 : f32
    %mul3A_360 = vector.broadcast %mul3A_359 : f32 to vector<1x1x4xf32>
    %mul3A_361 = arith.mulf %mul3A_360, %add3A_355 : vector<1x1x4xf32>
    %select_n3A_362 = arith.select %ge3A_358, %add3A_355, %mul3A_361 : vector<1x1x4xi1>, vector<1x1x4xf32>
    %exp3A_363 = math.exp %select_n3A_362 : vector<1x1x4xf32>
    %swap3A_364 = arith.constant 9 : index
    %swap3A_365 = arith.constant 0 : index
    %swap3A_366 = arith.constant 0 : index
    %swap3A_367 = vector.load %arg5[%swap3A_364, %swap3A_365, %swap3A_366] : memref<16x1x4xf32, #tpu.memory_space<vmem>>, vector<1x1x4xf32>
    tpu.vector_store %arg5[%swap3A_364, %swap3A_365, %swap3A_366], %exp3A_363 {strides = array<i32>} : memref<16x1x4xf32, #tpu.memory_space<vmem>>, vector<1x1x4xf32>,
    %get3A_368 = arith.index_cast %get3A_346 : i32 to index
    %get3A_369 = arith.constant 0 : index
    %get3A_370 = arith.constant 0 : index
    %get3A_371 = vector.load %arg6[%get3A_368, %get3A_369, %get3A_370] : memref<10000x1x4xf32, #tpu.memory_space<vmem>>, vector<1x1x4xf32>
    %add3A_372 = arith.addf %get3A_371, %exp3A_363 : vector<1x1x4xf32>
    %swap3A_373 = arith.index_cast %get3A_346 : i32 to index
    %swap3A_374 = arith.constant 0 : index
    %swap3A_375 = arith.constant 0 : index
    %swap3A_376 = vector.load %arg6[%swap3A_373, %swap3A_374, %swap3A_375] : memref<10000x1x4xf32, #tpu.memory_space<vmem>>, vector<1x1x4xf32>
    tpu.vector_store %arg6[%swap3A_373, %swap3A_374, %swap3A_375], %add3A_372 {strides = array<i32>} : memref<10000x1x4xf32, #tpu.memory_space<vmem>>, vector<1x1x4xf32>,
    %add3A_377 = arith.constant 10 : i32
    %add3A_378 = arith.addi %mul3A_2, %add3A_377 : i32
    %get3A_379 = arith.index_cast %add3A_378 : i32 to index
    %get3A_380 = memref.load %arg1[%get3A_379] : memref<80000xi32, #tpu.memory_space<smem>>
    %add3A_381 = arith.constant 10 : i32
    %add3A_382 = arith.addi %mul3A_2, %add3A_381 : i32
    %get3A_383 = arith.index_cast %add3A_382 : i32 to index
    %get3A_384 = memref.load %arg2[%get3A_383] : memref<80000xi32, #tpu.memory_space<smem>>
    %get3A_385 = arith.index_cast %get3A_380 : i32 to index
    %get3A_386 = arith.constant 0 : index
    %get3A_387 = arith.constant 0 : index
    %get3A_388 = vector.load %arg3[%get3A_385, %get3A_386, %get3A_387] : memref<10000x1x4xf32, #tpu.memory_space<vmem>>, vector<1x1x4xf32>
    %get3A_389 = arith.index_cast %get3A_384 : i32 to index
    %get3A_390 = arith.constant 0 : index
    %get3A_391 = arith.constant 0 : index
    %get3A_392 = vector.load %arg4[%get3A_389, %get3A_390, %get3A_391] : memref<10000x1x4xf32, #tpu.memory_space<vmem>>, vector<1x1x4xf32>
    %add3A_393 = arith.addf %get3A_388, %get3A_392 : vector<1x1x4xf32>
    %ge3A_394 = arith.constant 0.000000e+00 : f32
    %ge3A_395 = vector.broadcast %ge3A_394 : f32 to vector<1x1x4xf32>
    %ge3A_396 = arith.cmpf oge, %add3A_393, %ge3A_395 : vector<1x1x4xf32>
    %mul3A_397 = arith.constant 2.000000e-01 : f32
    %mul3A_398 = vector.broadcast %mul3A_397 : f32 to vector<1x1x4xf32>
    %mul3A_399 = arith.mulf %mul3A_398, %add3A_393 : vector<1x1x4xf32>
    %select_n3A_400 = arith.select %ge3A_396, %add3A_393, %mul3A_399 : vector<1x1x4xi1>, vector<1x1x4xf32>
    %exp3A_401 = math.exp %select_n3A_400 : vector<1x1x4xf32>
    %swap3A_402 = arith.constant 10 : index
    %swap3A_403 = arith.constant 0 : index
    %swap3A_404 = arith.constant 0 : index
    %swap3A_405 = vector.load %arg5[%swap3A_402, %swap3A_403, %swap3A_404] : memref<16x1x4xf32, #tpu.memory_space<vmem>>, vector<1x1x4xf32>
    tpu.vector_store %arg5[%swap3A_402, %swap3A_403, %swap3A_404], %exp3A_401 {strides = array<i32>} : memref<16x1x4xf32, #tpu.memory_space<vmem>>, vector<1x1x4xf32>,
    %get3A_406 = arith.index_cast %get3A_384 : i32 to index
    %get3A_407 = arith.constant 0 : index
    %get3A_408 = arith.constant 0 : index
    %get3A_409 = vector.load %arg6[%get3A_406, %get3A_407, %get3A_408] : memref<10000x1x4xf32, #tpu.memory_space<vmem>>, vector<1x1x4xf32>
    %add3A_410 = arith.addf %get3A_409, %exp3A_401 : vector<1x1x4xf32>
    %swap3A_411 = arith.index_cast %get3A_384 : i32 to index
    %swap3A_412 = arith.constant 0 : index
    %swap3A_413 = arith.constant 0 : index
    %swap3A_414 = vector.load %arg6[%swap3A_411, %swap3A_412, %swap3A_413] : memref<10000x1x4xf32, #tpu.memory_space<vmem>>, vector<1x1x4xf32>
    tpu.vector_store %arg6[%swap3A_411, %swap3A_412, %swap3A_413], %add3A_410 {strides = array<i32>} : memref<10000x1x4xf32, #tpu.memory_space<vmem>>, vector<1x1x4xf32>,
    %add3A_415 = arith.constant 11 : i32
    %add3A_416 = arith.addi %mul3A_2, %add3A_415 : i32
    %get3A_417 = arith.index_cast %add3A_416 : i32 to index
    %get3A_418 = memref.load %arg1[%get3A_417] : memref<80000xi32, #tpu.memory_space<smem>>
    %add3A_419 = arith.constant 11 : i32
    %add3A_420 = arith.addi %mul3A_2, %add3A_419 : i32
    %get3A_421 = arith.index_cast %add3A_420 : i32 to index
    %get3A_422 = memref.load %arg2[%get3A_421] : memref<80000xi32, #tpu.memory_space<smem>>
    %get3A_423 = arith.index_cast %get3A_418 : i32 to index
    %get3A_424 = arith.constant 0 : index
    %get3A_425 = arith.constant 0 : index
    %get3A_426 = vector.load %arg3[%get3A_423, %get3A_424, %get3A_425] : memref<10000x1x4xf32, #tpu.memory_space<vmem>>, vector<1x1x4xf32>
    %get3A_427 = arith.index_cast %get3A_422 : i32 to index
    %get3A_428 = arith.constant 0 : index
    %get3A_429 = arith.constant 0 : index
    %get3A_430 = vector.load %arg4[%get3A_427, %get3A_428, %get3A_429] : memref<10000x1x4xf32, #tpu.memory_space<vmem>>, vector<1x1x4xf32>
    %add3A_431 = arith.addf %get3A_426, %get3A_430 : vector<1x1x4xf32>
    %ge3A_432 = arith.constant 0.000000e+00 : f32
    %ge3A_433 = vector.broadcast %ge3A_432 : f32 to vector<1x1x4xf32>
    %ge3A_434 = arith.cmpf oge, %add3A_431, %ge3A_433 : vector<1x1x4xf32>
    %mul3A_435 = arith.constant 2.000000e-01 : f32
    %mul3A_436 = vector.broadcast %mul3A_435 : f32 to vector<1x1x4xf32>
    %mul3A_437 = arith.mulf %mul3A_436, %add3A_431 : vector<1x1x4xf32>
    %select_n3A_438 = arith.select %ge3A_434, %add3A_431, %mul3A_437 : vector<1x1x4xi1>, vector<1x1x4xf32>
    %exp3A_439 = math.exp %select_n3A_438 : vector<1x1x4xf32>
    %swap3A_440 = arith.constant 11 : index
    %swap3A_441 = arith.constant 0 : index
    %swap3A_442 = arith.constant 0 : index
    %swap3A_443 = vector.load %arg5[%swap3A_440, %swap3A_441, %swap3A_442] : memref<16x1x4xf32, #tpu.memory_space<vmem>>, vector<1x1x4xf32>
    tpu.vector_store %arg5[%swap3A_440, %swap3A_441, %swap3A_442], %exp3A_439 {strides = array<i32>} : memref<16x1x4xf32, #tpu.memory_space<vmem>>, vector<1x1x4xf32>,
    %get3A_444 = arith.index_cast %get3A_422 : i32 to index
    %get3A_445 = arith.constant 0 : index
    %get3A_446 = arith.constant 0 : index
    %get3A_447 = vector.load %arg6[%get3A_444, %get3A_445, %get3A_446] : memref<10000x1x4xf32, #tpu.memory_space<vmem>>, vector<1x1x4xf32>
    %add3A_448 = arith.addf %get3A_447, %exp3A_439 : vector<1x1x4xf32>
    %swap3A_449 = arith.index_cast %get3A_422 : i32 to index
    %swap3A_450 = arith.constant 0 : index
    %swap3A_451 = arith.constant 0 : index
    %swap3A_452 = vector.load %arg6[%swap3A_449, %swap3A_450, %swap3A_451] : memref<10000x1x4xf32, #tpu.memory_space<vmem>>, vector<1x1x4xf32>
    tpu.vector_store %arg6[%swap3A_449, %swap3A_450, %swap3A_451], %add3A_448 {strides = array<i32>} : memref<10000x1x4xf32, #tpu.memory_space<vmem>>, vector<1x1x4xf32>,
    %add3A_453 = arith.constant 12 : i32
    %add3A_454 = arith.addi %mul3A_2, %add3A_453 : i32
    %get3A_455 = arith.index_cast %add3A_454 : i32 to index
    %get3A_456 = memref.load %arg1[%get3A_455] : memref<80000xi32, #tpu.memory_space<smem>>
    %add3A_457 = arith.constant 12 : i32
    %add3A_458 = arith.addi %mul3A_2, %add3A_457 : i32
    %get3A_459 = arith.index_cast %add3A_458 : i32 to index
    %get3A_460 = memref.load %arg2[%get3A_459] : memref<80000xi32, #tpu.memory_space<smem>>
    %get3A_461 = arith.index_cast %get3A_456 : i32 to index
    %get3A_462 = arith.constant 0 : index
    %get3A_463 = arith.constant 0 : index
    %get3A_464 = vector.load %arg3[%get3A_461, %get3A_462, %get3A_463] : memref<10000x1x4xf32, #tpu.memory_space<vmem>>, vector<1x1x4xf32>
    %get3A_465 = arith.index_cast %get3A_460 : i32 to index
    %get3A_466 = arith.constant 0 : index
    %get3A_467 = arith.constant 0 : index
    %get3A_468 = vector.load %arg4[%get3A_465, %get3A_466, %get3A_467] : memref<10000x1x4xf32, #tpu.memory_space<vmem>>, vector<1x1x4xf32>
    %add3A_469 = arith.addf %get3A_464, %get3A_468 : vector<1x1x4xf32>
    %ge3A_470 = arith.constant 0.000000e+00 : f32
    %ge3A_471 = vector.broadcast %ge3A_470 : f32 to vector<1x1x4xf32>
    %ge3A_472 = arith.cmpf oge, %add3A_469, %ge3A_471 : vector<1x1x4xf32>
    %mul3A_473 = arith.constant 2.000000e-01 : f32
    %mul3A_474 = vector.broadcast %mul3A_473 : f32 to vector<1x1x4xf32>
    %mul3A_475 = arith.mulf %mul3A_474, %add3A_469 : vector<1x1x4xf32>
    %select_n3A_476 = arith.select %ge3A_472, %add3A_469, %mul3A_475 : vector<1x1x4xi1>, vector<1x1x4xf32>
    %exp3A_477 = math.exp %select_n3A_476 : vector<1x1x4xf32>
    %swap3A_478 = arith.constant 12 : index
    %swap3A_479 = arith.constant 0 : index
    %swap3A_480 = arith.constant 0 : index
    %swap3A_481 = vector.load %arg5[%swap3A_478, %swap3A_479, %swap3A_480] : memref<16x1x4xf32, #tpu.memory_space<vmem>>, vector<1x1x4xf32>
    tpu.vector_store %arg5[%swap3A_478, %swap3A_479, %swap3A_480], %exp3A_477 {strides = array<i32>} : memref<16x1x4xf32, #tpu.memory_space<vmem>>, vector<1x1x4xf32>,
    %get3A_482 = arith.index_cast %get3A_460 : i32 to index
    %get3A_483 = arith.constant 0 : index
    %get3A_484 = arith.constant 0 : index
    %get3A_485 = vector.load %arg6[%get3A_482, %get3A_483, %get3A_484] : memref<10000x1x4xf32, #tpu.memory_space<vmem>>, vector<1x1x4xf32>
    %add3A_486 = arith.addf %get3A_485, %exp3A_477 : vector<1x1x4xf32>
    %swap3A_487 = arith.index_cast %get3A_460 : i32 to index
    %swap3A_488 = arith.constant 0 : index
    %swap3A_489 = arith.constant 0 : index
    %swap3A_490 = vector.load %arg6[%swap3A_487, %swap3A_488, %swap3A_489] : memref<10000x1x4xf32, #tpu.memory_space<vmem>>, vector<1x1x4xf32>
    tpu.vector_store %arg6[%swap3A_487, %swap3A_488, %swap3A_489], %add3A_486 {strides = array<i32>} : memref<10000x1x4xf32, #tpu.memory_space<vmem>>, vector<1x1x4xf32>,
    %add3A_491 = arith.constant 13 : i32
    %add3A_492 = arith.addi %mul3A_2, %add3A_491 : i32
    %get3A_493 = arith.index_cast %add3A_492 : i32 to index
    %get3A_494 = memref.load %arg1[%get3A_493] : memref<80000xi32, #tpu.memory_space<smem>>
    %add3A_495 = arith.constant 13 : i32
    %add3A_496 = arith.addi %mul3A_2, %add3A_495 : i32
    %get3A_497 = arith.index_cast %add3A_496 : i32 to index
    %get3A_498 = memref.load %arg2[%get3A_497] : memref<80000xi32, #tpu.memory_space<smem>>
    %get3A_499 = arith.index_cast %get3A_494 : i32 to index
    %get3A_500 = arith.constant 0 : index
    %get3A_501 = arith.constant 0 : index
    %get3A_502 = vector.load %arg3[%get3A_499, %get3A_500, %get3A_501] : memref<10000x1x4xf32, #tpu.memory_space<vmem>>, vector<1x1x4xf32>
    %get3A_503 = arith.index_cast %get3A_498 : i32 to index
    %get3A_504 = arith.constant 0 : index
    %get3A_505 = arith.constant 0 : index
    %get3A_506 = vector.load %arg4[%get3A_503, %get3A_504, %get3A_505] : memref<10000x1x4xf32, #tpu.memory_space<vmem>>, vector<1x1x4xf32>
    %add3A_507 = arith.addf %get3A_502, %get3A_506 : vector<1x1x4xf32>
    %ge3A_508 = arith.constant 0.000000e+00 : f32
    %ge3A_509 = vector.broadcast %ge3A_508 : f32 to vector<1x1x4xf32>
    %ge3A_510 = arith.cmpf oge, %add3A_507, %ge3A_509 : vector<1x1x4xf32>
    %mul3A_511 = arith.constant 2.000000e-01 : f32
    %mul3A_512 = vector.broadcast %mul3A_511 : f32 to vector<1x1x4xf32>
    %mul3A_513 = arith.mulf %mul3A_512, %add3A_507 : vector<1x1x4xf32>
    %select_n3A_514 = arith.select %ge3A_510, %add3A_507, %mul3A_513 : vector<1x1x4xi1>, vector<1x1x4xf32>
    %exp3A_515 = math.exp %select_n3A_514 : vector<1x1x4xf32>
    %swap3A_516 = arith.constant 13 : index
    %swap3A_517 = arith.constant 0 : index
    %swap3A_518 = arith.constant 0 : index
    %swap3A_519 = vector.load %arg5[%swap3A_516, %swap3A_517, %swap3A_518] : memref<16x1x4xf32, #tpu.memory_space<vmem>>, vector<1x1x4xf32>
    tpu.vector_store %arg5[%swap3A_516, %swap3A_517, %swap3A_518], %exp3A_515 {strides = array<i32>} : memref<16x1x4xf32, #tpu.memory_space<vmem>>, vector<1x1x4xf32>,
    %get3A_520 = arith.index_cast %get3A_498 : i32 to index
    %get3A_521 = arith.constant 0 : index
    %get3A_522 = arith.constant 0 : index
    %get3A_523 = vector.load %arg6[%get3A_520, %get3A_521, %get3A_522] : memref<10000x1x4xf32, #tpu.memory_space<vmem>>, vector<1x1x4xf32>
    %add3A_524 = arith.addf %get3A_523, %exp3A_515 : vector<1x1x4xf32>
    %swap3A_525 = arith.index_cast %get3A_498 : i32 to index
    %swap3A_526 = arith.constant 0 : index
    %swap3A_527 = arith.constant 0 : index
    %swap3A_528 = vector.load %arg6[%swap3A_525, %swap3A_526, %swap3A_527] : memref<10000x1x4xf32, #tpu.memory_space<vmem>>, vector<1x1x4xf32>
    tpu.vector_store %arg6[%swap3A_525, %swap3A_526, %swap3A_527], %add3A_524 {strides = array<i32>} : memref<10000x1x4xf32, #tpu.memory_space<vmem>>, vector<1x1x4xf32>,
    %add3A_529 = arith.constant 14 : i32
    %add3A_530 = arith.addi %mul3A_2, %add3A_529 : i32
    %get3A_531 = arith.index_cast %add3A_530 : i32 to index
    %get3A_532 = memref.load %arg1[%get3A_531] : memref<80000xi32, #tpu.memory_space<smem>>
    %add3A_533 = arith.constant 14 : i32
    %add3A_534 = arith.addi %mul3A_2, %add3A_533 : i32
    %get3A_535 = arith.index_cast %add3A_534 : i32 to index
    %get3A_536 = memref.load %arg2[%get3A_535] : memref<80000xi32, #tpu.memory_space<smem>>
    %get3A_537 = arith.index_cast %get3A_532 : i32 to index
    %get3A_538 = arith.constant 0 : index
    %get3A_539 = arith.constant 0 : index
    %get3A_540 = vector.load %arg3[%get3A_537, %get3A_538, %get3A_539] : memref<10000x1x4xf32, #tpu.memory_space<vmem>>, vector<1x1x4xf32>
    %get3A_541 = arith.index_cast %get3A_536 : i32 to index
    %get3A_542 = arith.constant 0 : index
    %get3A_543 = arith.constant 0 : index
    %get3A_544 = vector.load %arg4[%get3A_541, %get3A_542, %get3A_543] : memref<10000x1x4xf32, #tpu.memory_space<vmem>>, vector<1x1x4xf32>
    %add3A_545 = arith.addf %get3A_540, %get3A_544 : vector<1x1x4xf32>
    %ge3A_546 = arith.constant 0.000000e+00 : f32
    %ge3A_547 = vector.broadcast %ge3A_546 : f32 to vector<1x1x4xf32>
    %ge3A_548 = arith.cmpf oge, %add3A_545, %ge3A_547 : vector<1x1x4xf32>
    %mul3A_549 = arith.constant 2.000000e-01 : f32
    %mul3A_550 = vector.broadcast %mul3A_549 : f32 to vector<1x1x4xf32>
    %mul3A_551 = arith.mulf %mul3A_550, %add3A_545 : vector<1x1x4xf32>
    %select_n3A_552 = arith.select %ge3A_548, %add3A_545, %mul3A_551 : vector<1x1x4xi1>, vector<1x1x4xf32>
    %exp3A_553 = math.exp %select_n3A_552 : vector<1x1x4xf32>
    %swap3A_554 = arith.constant 14 : index
    %swap3A_555 = arith.constant 0 : index
    %swap3A_556 = arith.constant 0 : index
    %swap3A_557 = vector.load %arg5[%swap3A_554, %swap3A_555, %swap3A_556] : memref<16x1x4xf32, #tpu.memory_space<vmem>>, vector<1x1x4xf32>
    tpu.vector_store %arg5[%swap3A_554, %swap3A_555, %swap3A_556], %exp3A_553 {strides = array<i32>} : memref<16x1x4xf32, #tpu.memory_space<vmem>>, vector<1x1x4xf32>,
    %get3A_558 = arith.index_cast %get3A_536 : i32 to index
    %get3A_559 = arith.constant 0 : index
    %get3A_560 = arith.constant 0 : index
    %get3A_561 = vector.load %arg6[%get3A_558, %get3A_559, %get3A_560] : memref<10000x1x4xf32, #tpu.memory_space<vmem>>, vector<1x1x4xf32>
    %add3A_562 = arith.addf %get3A_561, %exp3A_553 : vector<1x1x4xf32>
    %swap3A_563 = arith.index_cast %get3A_536 : i32 to index
    %swap3A_564 = arith.constant 0 : index
    %swap3A_565 = arith.constant 0 : index
    %swap3A_566 = vector.load %arg6[%swap3A_563, %swap3A_564, %swap3A_565] : memref<10000x1x4xf32, #tpu.memory_space<vmem>>, vector<1x1x4xf32>
    tpu.vector_store %arg6[%swap3A_563, %swap3A_564, %swap3A_565], %add3A_562 {strides = array<i32>} : memref<10000x1x4xf32, #tpu.memory_space<vmem>>, vector<1x1x4xf32>,
    %add3A_567 = arith.constant 15 : i32
    %add3A_568 = arith.addi %mul3A_2, %add3A_567 : i32
    %get3A_569 = arith.index_cast %add3A_568 : i32 to index
    %get3A_570 = memref.load %arg1[%get3A_569] : memref<80000xi32, #tpu.memory_space<smem>>
    %add3A_571 = arith.constant 15 : i32
    %add3A_572 = arith.addi %mul3A_2, %add3A_571 : i32
    %get3A_573 = arith.index_cast %add3A_572 : i32 to index
    %get3A_574 = memref.load %arg2[%get3A_573] : memref<80000xi32, #tpu.memory_space<smem>>
    %get3A_575 = arith.index_cast %get3A_570 : i32 to index
    %get3A_576 = arith.constant 0 : index
    %get3A_577 = arith.constant 0 : index
    %get3A_578 = vector.load %arg3[%get3A_575, %get3A_576, %get3A_577] : memref<10000x1x4xf32, #tpu.memory_space<vmem>>, vector<1x1x4xf32>
    %get3A_579 = arith.index_cast %get3A_574 : i32 to index
    %get3A_580 = arith.constant 0 : index
    %get3A_581 = arith.constant 0 : index
    %get3A_582 = vector.load %arg4[%get3A_579, %get3A_580, %get3A_581] : memref<10000x1x4xf32, #tpu.memory_space<vmem>>, vector<1x1x4xf32>
    %add3A_583 = arith.addf %get3A_578, %get3A_582 : vector<1x1x4xf32>
    %ge3A_584 = arith.constant 0.000000e+00 : f32
    %ge3A_585 = vector.broadcast %ge3A_584 : f32 to vector<1x1x4xf32>
    %ge3A_586 = arith.cmpf oge, %add3A_583, %ge3A_585 : vector<1x1x4xf32>
    %mul3A_587 = arith.constant 2.000000e-01 : f32
    %mul3A_588 = vector.broadcast %mul3A_587 : f32 to vector<1x1x4xf32>
    %mul3A_589 = arith.mulf %mul3A_588, %add3A_583 : vector<1x1x4xf32>
    %select_n3A_590 = arith.select %ge3A_586, %add3A_583, %mul3A_589 : vector<1x1x4xi1>, vector<1x1x4xf32>
    %exp3A_591 = math.exp %select_n3A_590 : vector<1x1x4xf32>
    %swap3A_592 = arith.constant 15 : index
    %swap3A_593 = arith.constant 0 : index
    %swap3A_594 = arith.constant 0 : index
    %swap3A_595 = vector.load %arg5[%swap3A_592, %swap3A_593, %swap3A_594] : memref<16x1x4xf32, #tpu.memory_space<vmem>>, vector<1x1x4xf32>
    tpu.vector_store %arg5[%swap3A_592, %swap3A_593, %swap3A_594], %exp3A_591 {strides = array<i32>} : memref<16x1x4xf32, #tpu.memory_space<vmem>>, vector<1x1x4xf32>,
    %get3A_596 = arith.index_cast %get3A_574 : i32 to index
    %get3A_597 = arith.constant 0 : index
    %get3A_598 = arith.constant 0 : index
    %get3A_599 = vector.load %arg6[%get3A_596, %get3A_597, %get3A_598] : memref<10000x1x4xf32, #tpu.memory_space<vmem>>, vector<1x1x4xf32>
    %add3A_600 = arith.addf %get3A_599, %exp3A_591 : vector<1x1x4xf32>
    %swap3A_601 = arith.index_cast %get3A_574 : i32 to index
    %swap3A_602 = arith.constant 0 : index
    %swap3A_603 = arith.constant 0 : index
    %swap3A_604 = vector.load %arg6[%swap3A_601, %swap3A_602, %swap3A_603] : memref<10000x1x4xf32, #tpu.memory_space<vmem>>, vector<1x1x4xf32>
    tpu.vector_store %arg6[%swap3A_601, %swap3A_602, %swap3A_603], %add3A_600 {strides = array<i32>} : memref<10000x1x4xf32, #tpu.memory_space<vmem>>, vector<1x1x4xf32>,
    return
  }
  func.func @transform_0(%arg0: i32) -> i32 {
    %c0_i32 = arith.constant 0 : i32
    %c0_i32_0 = arith.constant 0 : i32
    return %c0_i32 : i32
  }
  func.func @transform_1(%arg0: i32) -> i32 {
    %c0_i32 = arith.constant 0 : i32
    %c0_i32_0 = arith.constant 0 : i32
    return %c0_i32 : i32
  }
  func.func @transform_2(%arg0: i32) -> (i32, i32, i32) {
    %c0_i32 = arith.constant 0 : i32
    %c0_i32_0 = arith.constant 0 : i32
    %c0_i32_1 = arith.constant 0 : i32
    %c0_i32_2 = arith.constant 0 : i32
    return %c0_i32, %c0_i32_0, %c0_i32_1 : i32, i32, i32
  }
  func.func @transform_3(%arg0: i32) -> (i32, i32, i32) {
    %c0_i32 = arith.constant 0 : i32
    %c0_i32_0 = arith.constant 0 : i32
    %c0_i32_1 = arith.constant 0 : i32
    %c0_i32_2 = arith.constant 0 : i32
    return %c0_i32, %c0_i32_0, %c0_i32_1 : i32, i32, i32
  }
  func.func @transform_4(%arg0: i32) -> (i32, i32, i32) {
    %c0_i32 = arith.constant 0 : i32
    %c0_i32_0 = arith.constant 0 : i32
    %c0_i32_1 = arith.constant 0 : i32
    return %arg0, %c0_i32, %c0_i32_0 : i32, i32, i32
  }
  func.func @transform_5(%arg0: i32) -> (i32, i32, i32) {
    %c0_i32 = arith.constant 0 : i32
    %c0_i32_0 = arith.constant 0 : i32
    %c0_i32_1 = arith.constant 0 : i32
    %c0_i32_2 = arith.constant 0 : i32
    return %c0_i32, %c0_i32_0, %c0_i32_1 : i32, i32, i32
  }
}

module attributes {stable_mosaic.version = 14 : i64} {
  func.func @_add4_body(%arg0: memref<10000x1x4xf32, #tpu.memory_space<vmem>>, %arg1: memref<10000x1x4xf32, #tpu.memory_space<vmem>>, %arg2: memref<10000x1x4xf32, #tpu.memory_space<vmem>>, %arg3: memref<10000x1x4xf32, #tpu.memory_space<vmem>>, %arg4: memref<10000x1x4xf32, #tpu.memory_space<vmem>>) attributes {dimension_semantics = [], scalar_prefetch = 0 : i64, scratch_operands = 0 : i64, tpu.core_type = #tpu.core_type<tc>} {
    %get3A = arith.constant 0 : index
    %get3A_0 = arith.constant 0 : index
    %get3A_1 = arith.constant 0 : index
    %get3A_2 = vector.load %arg0[%get3A, %get3A_0, %get3A_1] : memref<10000x1x4xf32, #tpu.memory_space<vmem>>, vector<10000x1x4xf32>
    %get3A_3 = arith.constant 0 : index
    %get3A_4 = arith.constant 0 : index
    %get3A_5 = arith.constant 0 : index
    %get3A_6 = vector.load %arg1[%get3A_3, %get3A_4, %get3A_5] : memref<10000x1x4xf32, #tpu.memory_space<vmem>>, vector<10000x1x4xf32>
    %add3A = arith.addf %get3A_2, %get3A_6 : vector<10000x1x4xf32>
    %get3A_7 = arith.constant 0 : index
    %get3A_8 = arith.constant 0 : index
    %get3A_9 = arith.constant 0 : index
    %get3A_10 = vector.load %arg2[%get3A_7, %get3A_8, %get3A_9] : memref<10000x1x4xf32, #tpu.memory_space<vmem>>, vector<10000x1x4xf32>
    %add3A_11 = arith.addf %add3A, %get3A_10 : vector<10000x1x4xf32>
    %get3A_12 = arith.constant 0 : index
    %get3A_13 = arith.constant 0 : index
    %get3A_14 = arith.constant 0 : index
    %get3A_15 = vector.load %arg3[%get3A_12, %get3A_13, %get3A_14] : memref<10000x1x4xf32, #tpu.memory_space<vmem>>, vector<10000x1x4xf32>
    %add3A_16 = arith.addf %add3A_11, %get3A_15 : vector<10000x1x4xf32>
    %swap3A = arith.constant 0 : index
    %swap3A_17 = arith.constant 0 : index
    %swap3A_18 = arith.constant 0 : index
    %swap3A_19 = vector.load %arg4[%swap3A, %swap3A_17, %swap3A_18] : memref<10000x1x4xf32, #tpu.memory_space<vmem>>, vector<10000x1x4xf32>
    tpu.vector_store %arg4[%swap3A, %swap3A_17, %swap3A_18], %add3A_16 {strides = array<i32>} : memref<10000x1x4xf32, #tpu.memory_space<vmem>>, vector<10000x1x4xf32>,
    return
  }
}

module attributes {stable_mosaic.version = 14 : i64} {
  func.func @_edge_agg_body(%arg0: i32, %arg1: memref<80000xi32, #tpu.memory_space<smem>>, %arg2: memref<1x8x128xf32, #tpu.memory_space<vmem>>, %arg3: memref<1x8x128xf32, #tpu.memory_space<vmem>>, %arg4: memref<1x8x128xf32, #tpu.memory_space<vmem>>, %arg5: memref<1x8x128xf32, #tpu.memory_space<vmem>>, %arg6: memref<1x8x128xf32, #tpu.memory_space<vmem>>, %arg7: memref<1x8x128xf32, #tpu.memory_space<vmem>>, %arg8: memref<1x8x128xf32, #tpu.memory_space<vmem>>, %arg9: memref<1x8x128xf32, #tpu.memory_space<vmem>>, %arg10: memref<80000xi32, #tpu.memory_space<smem>>, %arg11: memref<8x1x4xf32, #tpu.memory_space<vmem>>, %arg12: memref<10000x1x4xf32, #tpu.memory_space<vmem>>, %arg13: memref<8x1x4xf32, #tpu.memory_space<vmem>>, %arg14: memref<10000x8x128xf32, #tpu.memory_space<vmem>>) attributes {dimension_semantics = [#tpu.dimension_semantics<arbitrary>], iteration_bounds = array<i64: 10000>, scalar_prefetch = 1 : i64, scratch_operands = 0 : i64, tpu.core_type = #tpu.core_type<tc>, window_params = [{transform_indices = @transform_0, window_bounds = array<i64: 1, 8, 128>}, {transform_indices = @transform_1, window_bounds = array<i64: 1, 8, 128>}, {transform_indices = @transform_2, window_bounds = array<i64: 1, 8, 128>}, {transform_indices = @transform_3, window_bounds = array<i64: 1, 8, 128>}, {transform_indices = @transform_4, window_bounds = array<i64: 1, 8, 128>}, {transform_indices = @transform_5, window_bounds = array<i64: 1, 8, 128>}, {transform_indices = @transform_6, window_bounds = array<i64: 1, 8, 128>}, {transform_indices = @transform_7, window_bounds = array<i64: 1, 8, 128>}, {transform_indices = @transform_8, window_bounds = array<i64: 80000>}, {transform_indices = @transform_9, window_bounds = array<i64: 8, 1, 4>}, {pipeline_mode = #tpu.pipeline_mode<synchronous>, transform_indices = @transform_10, window_bounds = array<i64: 10000, 1, 4>}, {transform_indices = @transform_11, window_bounds = array<i64: 8, 1, 4>}, {pipeline_mode = #tpu.pipeline_mode<synchronous>, transform_indices = @transform_12, window_bounds = array<i64: 10000, 8, 128>}]} {
    %eq3A = arith.constant 0 : i32
    %eq3A_0 = arith.cmpi eq, %arg0, %eq3A : i32
    %convert_element_type3A = arith.extui %eq3A_0 : i1 to i32
    %cond3A = arith.constant 0 : i32
    %cond3A_1 = arith.cmpi ne, %convert_element_type3A, %cond3A : i32
    scf.if %cond3A_1 {
      %broadcast_in_dim3A = arith.constant 0.000000e+00 : f32
      %broadcast_in_dim3A_670 = vector.broadcast %broadcast_in_dim3A : f32 to vector<10000x8x128xf32>
      %swap3A_671 = arith.constant 0 : index
      %swap3A_672 = arith.constant 0 : index
      %swap3A_673 = arith.constant 0 : index
      %swap3A_674 = vector.load %arg14[%swap3A_671, %swap3A_672, %swap3A_673] : memref<10000x8x128xf32, #tpu.memory_space<vmem>>, vector<10000x8x128xf32>
      tpu.vector_store %arg14[%swap3A_671, %swap3A_672, %swap3A_673], %broadcast_in_dim3A_670 {strides = array<i32>} : memref<10000x8x128xf32, #tpu.memory_space<vmem>>, vector<10000x8x128xf32>,
    } else {
    }
    %mul3A = arith.constant 8 : i32
    %mul3A_2 = arith.muli %arg0, %mul3A : i32
    %add3A = arith.constant 0 : i32
    %add3A_3 = arith.addi %mul3A_2, %add3A : i32
    %get3A = arith.index_cast %add3A_3 : i32 to index
    %get3A_4 = memref.load %arg10[%get3A] : memref<80000xi32, #tpu.memory_space<smem>>
    %get3A_5 = arith.constant 0 : index
    %get3A_6 = arith.constant 0 : index
    %get3A_7 = arith.constant 0 : index
    %get3A_8 = vector.load %arg11[%get3A_5, %get3A_6, %get3A_7] : memref<8x1x4xf32, #tpu.memory_space<vmem>>, vector<1x1x4xf32>
    %get3A_9 = arith.index_cast %get3A_4 : i32 to index
    %get3A_10 = arith.constant 0 : index
    %get3A_11 = arith.constant 0 : index
    %get3A_12 = vector.load %arg12[%get3A_9, %get3A_10, %get3A_11] : memref<10000x1x4xf32, #tpu.memory_space<vmem>>, vector<1x1x4xf32>
    %add3A_13 = arith.constant 1.000000e-16 : f32
    %add3A_14 = vector.broadcast %add3A_13 : f32 to vector<1x1x4xf32>
    %add3A_15 = arith.addf %get3A_12, %add3A_14 : vector<1x1x4xf32>
    %div3A = arith.divf %get3A_8, %add3A_15 : vector<1x1x4xf32>
    %swap3A = arith.constant 0 : index
    %swap3A_16 = arith.constant 0 : index
    %swap3A_17 = arith.constant 0 : index
    %swap3A_18 = vector.load %arg13[%swap3A, %swap3A_16, %swap3A_17] : memref<8x1x4xf32, #tpu.memory_space<vmem>>, vector<1x1x4xf32>
    tpu.vector_store %arg13[%swap3A, %swap3A_16, %swap3A_17], %div3A {strides = array<i32>} : memref<8x1x4xf32, #tpu.memory_space<vmem>>, vector<1x1x4xf32>,
    %get3A_19 = arith.constant 0 : index
    %get3A_20 = arith.constant 0 : index
    %get3A_21 = arith.constant 0 : index
    %get3A_22 = vector.load %arg2[%get3A_19, %get3A_20, %get3A_21] : memref<1x8x128xf32, #tpu.memory_space<vmem>>, vector<1x2x128xf32>
    %slice3A = vector.extract_strided_slice %div3A {offsets = [0, 0, 0], sizes = [1, 1, 1], strides = [1, 1, 1]} : vector<1x1x4xf32> to vector<1x1x1xf32>
    %mul3A_23 = vector.broadcast %slice3A : vector<1x1x1xf32> to vector<1x2x128xf32>
    %mul3A_24 = arith.mulf %get3A_22, %mul3A_23 : vector<1x2x128xf32>
    %get3A_25 = arith.index_cast %get3A_4 : i32 to index
    %get3A_26 = arith.constant 0 : index
    %get3A_27 = arith.constant 0 : index
    %get3A_28 = vector.load %arg14[%get3A_25, %get3A_26, %get3A_27] : memref<10000x8x128xf32, #tpu.memory_space<vmem>>, vector<1x2x128xf32>
    %add3A_29 = arith.addf %get3A_28, %mul3A_24 : vector<1x2x128xf32>
    %swap3A_30 = arith.index_cast %get3A_4 : i32 to index
    %swap3A_31 = arith.constant 0 : index
    %swap3A_32 = arith.constant 0 : index
    %swap3A_33 = vector.load %arg14[%swap3A_30, %swap3A_31, %swap3A_32] : memref<10000x8x128xf32, #tpu.memory_space<vmem>>, vector<1x2x128xf32>
    tpu.vector_store %arg14[%swap3A_30, %swap3A_31, %swap3A_32], %add3A_29 {strides = array<i32>} : memref<10000x8x128xf32, #tpu.memory_space<vmem>>, vector<1x2x128xf32>,
    %get3A_34 = arith.constant 0 : index
    %get3A_35 = arith.constant 2 : index
    %get3A_36 = arith.constant 0 : index
    %get3A_37 = vector.load %arg2[%get3A_34, %get3A_35, %get3A_36] : memref<1x8x128xf32, #tpu.memory_space<vmem>>, vector<1x2x128xf32>
    %slice3A_38 = vector.extract_strided_slice %div3A {offsets = [0, 0, 1], sizes = [1, 1, 1], strides = [1, 1, 1]} : vector<1x1x4xf32> to vector<1x1x1xf32>
    %mul3A_39 = vector.broadcast %slice3A_38 : vector<1x1x1xf32> to vector<1x2x128xf32>
    %mul3A_40 = arith.mulf %get3A_37, %mul3A_39 : vector<1x2x128xf32>
    %get3A_41 = arith.index_cast %get3A_4 : i32 to index
    %get3A_42 = arith.constant 2 : index
    %get3A_43 = arith.constant 0 : index
    %get3A_44 = vector.load %arg14[%get3A_41, %get3A_42, %get3A_43] : memref<10000x8x128xf32, #tpu.memory_space<vmem>>, vector<1x2x128xf32>
    %add3A_45 = arith.addf %get3A_44, %mul3A_40 : vector<1x2x128xf32>
    %swap3A_46 = arith.index_cast %get3A_4 : i32 to index
    %swap3A_47 = arith.constant 2 : index
    %swap3A_48 = arith.constant 0 : index
    %swap3A_49 = vector.load %arg14[%swap3A_46, %swap3A_47, %swap3A_48] : memref<10000x8x128xf32, #tpu.memory_space<vmem>>, vector<1x2x128xf32>
    tpu.vector_store %arg14[%swap3A_46, %swap3A_47, %swap3A_48], %add3A_45 {strides = array<i32>} : memref<10000x8x128xf32, #tpu.memory_space<vmem>>, vector<1x2x128xf32>,
    %get3A_50 = arith.constant 0 : index
    %get3A_51 = arith.constant 4 : index
    %get3A_52 = arith.constant 0 : index
    %get3A_53 = vector.load %arg2[%get3A_50, %get3A_51, %get3A_52] : memref<1x8x128xf32, #tpu.memory_space<vmem>>, vector<1x2x128xf32>
    %slice3A_54 = vector.extract_strided_slice %div3A {offsets = [0, 0, 2], sizes = [1, 1, 1], strides = [1, 1, 1]} : vector<1x1x4xf32> to vector<1x1x1xf32>
    %mul3A_55 = vector.broadcast %slice3A_54 : vector<1x1x1xf32> to vector<1x2x128xf32>
    %mul3A_56 = arith.mulf %get3A_53, %mul3A_55 : vector<1x2x128xf32>
    %get3A_57 = arith.index_cast %get3A_4 : i32 to index
    %get3A_58 = arith.constant 4 : index
    %get3A_59 = arith.constant 0 : index
    %get3A_60 = vector.load %arg14[%get3A_57, %get3A_58, %get3A_59] : memref<10000x8x128xf32, #tpu.memory_space<vmem>>, vector<1x2x128xf32>
    %add3A_61 = arith.addf %get3A_60, %mul3A_56 : vector<1x2x128xf32>
    %swap3A_62 = arith.index_cast %get3A_4 : i32 to index
    %swap3A_63 = arith.constant 4 : index
    %swap3A_64 = arith.constant 0 : index
    %swap3A_65 = vector.load %arg14[%swap3A_62, %swap3A_63, %swap3A_64] : memref<10000x8x128xf32, #tpu.memory_space<vmem>>, vector<1x2x128xf32>
    tpu.vector_store %arg14[%swap3A_62, %swap3A_63, %swap3A_64], %add3A_61 {strides = array<i32>} : memref<10000x8x128xf32, #tpu.memory_space<vmem>>, vector<1x2x128xf32>,
    %get3A_66 = arith.constant 0 : index
    %get3A_67 = arith.constant 6 : index
    %get3A_68 = arith.constant 0 : index
    %get3A_69 = vector.load %arg2[%get3A_66, %get3A_67, %get3A_68] : memref<1x8x128xf32, #tpu.memory_space<vmem>>, vector<1x2x128xf32>
    %slice3A_70 = vector.extract_strided_slice %div3A {offsets = [0, 0, 3], sizes = [1, 1, 1], strides = [1, 1, 1]} : vector<1x1x4xf32> to vector<1x1x1xf32>
    %mul3A_71 = vector.broadcast %slice3A_70 : vector<1x1x1xf32> to vector<1x2x128xf32>
    %mul3A_72 = arith.mulf %get3A_69, %mul3A_71 : vector<1x2x128xf32>
    %get3A_73 = arith.index_cast %get3A_4 : i32 to index
    %get3A_74 = arith.constant 6 : index
    %get3A_75 = arith.constant 0 : index
    %get3A_76 = vector.load %arg14[%get3A_73, %get3A_74, %get3A_75] : memref<10000x8x128xf32, #tpu.memory_space<vmem>>, vector<1x2x128xf32>
    %add3A_77 = arith.addf %get3A_76, %mul3A_72 : vector<1x2x128xf32>
    %swap3A_78 = arith.index_cast %get3A_4 : i32 to index
    %swap3A_79 = arith.constant 6 : index
    %swap3A_80 = arith.constant 0 : index
    %swap3A_81 = vector.load %arg14[%swap3A_78, %swap3A_79, %swap3A_80] : memref<10000x8x128xf32, #tpu.memory_space<vmem>>, vector<1x2x128xf32>
    tpu.vector_store %arg14[%swap3A_78, %swap3A_79, %swap3A_80], %add3A_77 {strides = array<i32>} : memref<10000x8x128xf32, #tpu.memory_space<vmem>>, vector<1x2x128xf32>,
    %add3A_82 = arith.constant 1 : i32
    %add3A_83 = arith.addi %mul3A_2, %add3A_82 : i32
    %get3A_84 = arith.index_cast %add3A_83 : i32 to index
    %get3A_85 = memref.load %arg10[%get3A_84] : memref<80000xi32, #tpu.memory_space<smem>>
    %get3A_86 = arith.constant 1 : index
    %get3A_87 = arith.constant 0 : index
    %get3A_88 = arith.constant 0 : index
    %get3A_89 = vector.load %arg11[%get3A_86, %get3A_87, %get3A_88] : memref<8x1x4xf32, #tpu.memory_space<vmem>>, vector<1x1x4xf32>
    %get3A_90 = arith.index_cast %get3A_85 : i32 to index
    %get3A_91 = arith.constant 0 : index
    %get3A_92 = arith.constant 0 : index
    %get3A_93 = vector.load %arg12[%get3A_90, %get3A_91, %get3A_92] : memref<10000x1x4xf32, #tpu.memory_space<vmem>>, vector<1x1x4xf32>
    %add3A_94 = arith.constant 1.000000e-16 : f32
    %add3A_95 = vector.broadcast %add3A_94 : f32 to vector<1x1x4xf32>
    %add3A_96 = arith.addf %get3A_93, %add3A_95 : vector<1x1x4xf32>
    %div3A_97 = arith.divf %get3A_89, %add3A_96 : vector<1x1x4xf32>
    %swap3A_98 = arith.constant 1 : index
    %swap3A_99 = arith.constant 0 : index
    %swap3A_100 = arith.constant 0 : index
    %swap3A_101 = vector.load %arg13[%swap3A_98, %swap3A_99, %swap3A_100] : memref<8x1x4xf32, #tpu.memory_space<vmem>>, vector<1x1x4xf32>
    tpu.vector_store %arg13[%swap3A_98, %swap3A_99, %swap3A_100], %div3A_97 {strides = array<i32>} : memref<8x1x4xf32, #tpu.memory_space<vmem>>, vector<1x1x4xf32>,
    %get3A_102 = arith.constant 0 : index
    %get3A_103 = arith.constant 0 : index
    %get3A_104 = arith.constant 0 : index
    %get3A_105 = vector.load %arg3[%get3A_102, %get3A_103, %get3A_104] : memref<1x8x128xf32, #tpu.memory_space<vmem>>, vector<1x2x128xf32>
    %slice3A_106 = vector.extract_strided_slice %div3A_97 {offsets = [0, 0, 0], sizes = [1, 1, 1], strides = [1, 1, 1]} : vector<1x1x4xf32> to vector<1x1x1xf32>
    %mul3A_107 = vector.broadcast %slice3A_106 : vector<1x1x1xf32> to vector<1x2x128xf32>
    %mul3A_108 = arith.mulf %get3A_105, %mul3A_107 : vector<1x2x128xf32>
    %get3A_109 = arith.index_cast %get3A_85 : i32 to index
    %get3A_110 = arith.constant 0 : index
    %get3A_111 = arith.constant 0 : index
    %get3A_112 = vector.load %arg14[%get3A_109, %get3A_110, %get3A_111] : memref<10000x8x128xf32, #tpu.memory_space<vmem>>, vector<1x2x128xf32>
    %add3A_113 = arith.addf %get3A_112, %mul3A_108 : vector<1x2x128xf32>
    %swap3A_114 = arith.index_cast %get3A_85 : i32 to index
    %swap3A_115 = arith.constant 0 : index
    %swap3A_116 = arith.constant 0 : index
    %swap3A_117 = vector.load %arg14[%swap3A_114, %swap3A_115, %swap3A_116] : memref<10000x8x128xf32, #tpu.memory_space<vmem>>, vector<1x2x128xf32>
    tpu.vector_store %arg14[%swap3A_114, %swap3A_115, %swap3A_116], %add3A_113 {strides = array<i32>} : memref<10000x8x128xf32, #tpu.memory_space<vmem>>, vector<1x2x128xf32>,
    %get3A_118 = arith.constant 0 : index
    %get3A_119 = arith.constant 2 : index
    %get3A_120 = arith.constant 0 : index
    %get3A_121 = vector.load %arg3[%get3A_118, %get3A_119, %get3A_120] : memref<1x8x128xf32, #tpu.memory_space<vmem>>, vector<1x2x128xf32>
    %slice3A_122 = vector.extract_strided_slice %div3A_97 {offsets = [0, 0, 1], sizes = [1, 1, 1], strides = [1, 1, 1]} : vector<1x1x4xf32> to vector<1x1x1xf32>
    %mul3A_123 = vector.broadcast %slice3A_122 : vector<1x1x1xf32> to vector<1x2x128xf32>
    %mul3A_124 = arith.mulf %get3A_121, %mul3A_123 : vector<1x2x128xf32>
    %get3A_125 = arith.index_cast %get3A_85 : i32 to index
    %get3A_126 = arith.constant 2 : index
    %get3A_127 = arith.constant 0 : index
    %get3A_128 = vector.load %arg14[%get3A_125, %get3A_126, %get3A_127] : memref<10000x8x128xf32, #tpu.memory_space<vmem>>, vector<1x2x128xf32>
    %add3A_129 = arith.addf %get3A_128, %mul3A_124 : vector<1x2x128xf32>
    %swap3A_130 = arith.index_cast %get3A_85 : i32 to index
    %swap3A_131 = arith.constant 2 : index
    %swap3A_132 = arith.constant 0 : index
    %swap3A_133 = vector.load %arg14[%swap3A_130, %swap3A_131, %swap3A_132] : memref<10000x8x128xf32, #tpu.memory_space<vmem>>, vector<1x2x128xf32>
    tpu.vector_store %arg14[%swap3A_130, %swap3A_131, %swap3A_132], %add3A_129 {strides = array<i32>} : memref<10000x8x128xf32, #tpu.memory_space<vmem>>, vector<1x2x128xf32>,
    %get3A_134 = arith.constant 0 : index
    %get3A_135 = arith.constant 4 : index
    %get3A_136 = arith.constant 0 : index
    %get3A_137 = vector.load %arg3[%get3A_134, %get3A_135, %get3A_136] : memref<1x8x128xf32, #tpu.memory_space<vmem>>, vector<1x2x128xf32>
    %slice3A_138 = vector.extract_strided_slice %div3A_97 {offsets = [0, 0, 2], sizes = [1, 1, 1], strides = [1, 1, 1]} : vector<1x1x4xf32> to vector<1x1x1xf32>
    %mul3A_139 = vector.broadcast %slice3A_138 : vector<1x1x1xf32> to vector<1x2x128xf32>
    %mul3A_140 = arith.mulf %get3A_137, %mul3A_139 : vector<1x2x128xf32>
    %get3A_141 = arith.index_cast %get3A_85 : i32 to index
    %get3A_142 = arith.constant 4 : index
    %get3A_143 = arith.constant 0 : index
    %get3A_144 = vector.load %arg14[%get3A_141, %get3A_142, %get3A_143] : memref<10000x8x128xf32, #tpu.memory_space<vmem>>, vector<1x2x128xf32>
    %add3A_145 = arith.addf %get3A_144, %mul3A_140 : vector<1x2x128xf32>
    %swap3A_146 = arith.index_cast %get3A_85 : i32 to index
    %swap3A_147 = arith.constant 4 : index
    %swap3A_148 = arith.constant 0 : index
    %swap3A_149 = vector.load %arg14[%swap3A_146, %swap3A_147, %swap3A_148] : memref<10000x8x128xf32, #tpu.memory_space<vmem>>, vector<1x2x128xf32>
    tpu.vector_store %arg14[%swap3A_146, %swap3A_147, %swap3A_148], %add3A_145 {strides = array<i32>} : memref<10000x8x128xf32, #tpu.memory_space<vmem>>, vector<1x2x128xf32>,
    %get3A_150 = arith.constant 0 : index
    %get3A_151 = arith.constant 6 : index
    %get3A_152 = arith.constant 0 : index
    %get3A_153 = vector.load %arg3[%get3A_150, %get3A_151, %get3A_152] : memref<1x8x128xf32, #tpu.memory_space<vmem>>, vector<1x2x128xf32>
    %slice3A_154 = vector.extract_strided_slice %div3A_97 {offsets = [0, 0, 3], sizes = [1, 1, 1], strides = [1, 1, 1]} : vector<1x1x4xf32> to vector<1x1x1xf32>
    %mul3A_155 = vector.broadcast %slice3A_154 : vector<1x1x1xf32> to vector<1x2x128xf32>
    %mul3A_156 = arith.mulf %get3A_153, %mul3A_155 : vector<1x2x128xf32>
    %get3A_157 = arith.index_cast %get3A_85 : i32 to index
    %get3A_158 = arith.constant 6 : index
    %get3A_159 = arith.constant 0 : index
    %get3A_160 = vector.load %arg14[%get3A_157, %get3A_158, %get3A_159] : memref<10000x8x128xf32, #tpu.memory_space<vmem>>, vector<1x2x128xf32>
    %add3A_161 = arith.addf %get3A_160, %mul3A_156 : vector<1x2x128xf32>
    %swap3A_162 = arith.index_cast %get3A_85 : i32 to index
    %swap3A_163 = arith.constant 6 : index
    %swap3A_164 = arith.constant 0 : index
    %swap3A_165 = vector.load %arg14[%swap3A_162, %swap3A_163, %swap3A_164] : memref<10000x8x128xf32, #tpu.memory_space<vmem>>, vector<1x2x128xf32>
    tpu.vector_store %arg14[%swap3A_162, %swap3A_163, %swap3A_164], %add3A_161 {strides = array<i32>} : memref<10000x8x128xf32, #tpu.memory_space<vmem>>, vector<1x2x128xf32>,
    %add3A_166 = arith.constant 2 : i32
    %add3A_167 = arith.addi %mul3A_2, %add3A_166 : i32
    %get3A_168 = arith.index_cast %add3A_167 : i32 to index
    %get3A_169 = memref.load %arg10[%get3A_168] : memref<80000xi32, #tpu.memory_space<smem>>
    %get3A_170 = arith.constant 2 : index
    %get3A_171 = arith.constant 0 : index
    %get3A_172 = arith.constant 0 : index
    %get3A_173 = vector.load %arg11[%get3A_170, %get3A_171, %get3A_172] : memref<8x1x4xf32, #tpu.memory_space<vmem>>, vector<1x1x4xf32>
    %get3A_174 = arith.index_cast %get3A_169 : i32 to index
    %get3A_175 = arith.constant 0 : index
    %get3A_176 = arith.constant 0 : index
    %get3A_177 = vector.load %arg12[%get3A_174, %get3A_175, %get3A_176] : memref<10000x1x4xf32, #tpu.memory_space<vmem>>, vector<1x1x4xf32>
    %add3A_178 = arith.constant 1.000000e-16 : f32
    %add3A_179 = vector.broadcast %add3A_178 : f32 to vector<1x1x4xf32>
    %add3A_180 = arith.addf %get3A_177, %add3A_179 : vector<1x1x4xf32>
    %div3A_181 = arith.divf %get3A_173, %add3A_180 : vector<1x1x4xf32>
    %swap3A_182 = arith.constant 2 : index
    %swap3A_183 = arith.constant 0 : index
    %swap3A_184 = arith.constant 0 : index
    %swap3A_185 = vector.load %arg13[%swap3A_182, %swap3A_183, %swap3A_184] : memref<8x1x4xf32, #tpu.memory_space<vmem>>, vector<1x1x4xf32>
    tpu.vector_store %arg13[%swap3A_182, %swap3A_183, %swap3A_184], %div3A_181 {strides = array<i32>} : memref<8x1x4xf32, #tpu.memory_space<vmem>>, vector<1x1x4xf32>,
    %get3A_186 = arith.constant 0 : index
    %get3A_187 = arith.constant 0 : index
    %get3A_188 = arith.constant 0 : index
    %get3A_189 = vector.load %arg4[%get3A_186, %get3A_187, %get3A_188] : memref<1x8x128xf32, #tpu.memory_space<vmem>>, vector<1x2x128xf32>
    %slice3A_190 = vector.extract_strided_slice %div3A_181 {offsets = [0, 0, 0], sizes = [1, 1, 1], strides = [1, 1, 1]} : vector<1x1x4xf32> to vector<1x1x1xf32>
    %mul3A_191 = vector.broadcast %slice3A_190 : vector<1x1x1xf32> to vector<1x2x128xf32>
    %mul3A_192 = arith.mulf %get3A_189, %mul3A_191 : vector<1x2x128xf32>
    %get3A_193 = arith.index_cast %get3A_169 : i32 to index
    %get3A_194 = arith.constant 0 : index
    %get3A_195 = arith.constant 0 : index
    %get3A_196 = vector.load %arg14[%get3A_193, %get3A_194, %get3A_195] : memref<10000x8x128xf32, #tpu.memory_space<vmem>>, vector<1x2x128xf32>
    %add3A_197 = arith.addf %get3A_196, %mul3A_192 : vector<1x2x128xf32>
    %swap3A_198 = arith.index_cast %get3A_169 : i32 to index
    %swap3A_199 = arith.constant 0 : index
    %swap3A_200 = arith.constant 0 : index
    %swap3A_201 = vector.load %arg14[%swap3A_198, %swap3A_199, %swap3A_200] : memref<10000x8x128xf32, #tpu.memory_space<vmem>>, vector<1x2x128xf32>
    tpu.vector_store %arg14[%swap3A_198, %swap3A_199, %swap3A_200], %add3A_197 {strides = array<i32>} : memref<10000x8x128xf32, #tpu.memory_space<vmem>>, vector<1x2x128xf32>,
    %get3A_202 = arith.constant 0 : index
    %get3A_203 = arith.constant 2 : index
    %get3A_204 = arith.constant 0 : index
    %get3A_205 = vector.load %arg4[%get3A_202, %get3A_203, %get3A_204] : memref<1x8x128xf32, #tpu.memory_space<vmem>>, vector<1x2x128xf32>
    %slice3A_206 = vector.extract_strided_slice %div3A_181 {offsets = [0, 0, 1], sizes = [1, 1, 1], strides = [1, 1, 1]} : vector<1x1x4xf32> to vector<1x1x1xf32>
    %mul3A_207 = vector.broadcast %slice3A_206 : vector<1x1x1xf32> to vector<1x2x128xf32>
    %mul3A_208 = arith.mulf %get3A_205, %mul3A_207 : vector<1x2x128xf32>
    %get3A_209 = arith.index_cast %get3A_169 : i32 to index
    %get3A_210 = arith.constant 2 : index
    %get3A_211 = arith.constant 0 : index
    %get3A_212 = vector.load %arg14[%get3A_209, %get3A_210, %get3A_211] : memref<10000x8x128xf32, #tpu.memory_space<vmem>>, vector<1x2x128xf32>
    %add3A_213 = arith.addf %get3A_212, %mul3A_208 : vector<1x2x128xf32>
    %swap3A_214 = arith.index_cast %get3A_169 : i32 to index
    %swap3A_215 = arith.constant 2 : index
    %swap3A_216 = arith.constant 0 : index
    %swap3A_217 = vector.load %arg14[%swap3A_214, %swap3A_215, %swap3A_216] : memref<10000x8x128xf32, #tpu.memory_space<vmem>>, vector<1x2x128xf32>
    tpu.vector_store %arg14[%swap3A_214, %swap3A_215, %swap3A_216], %add3A_213 {strides = array<i32>} : memref<10000x8x128xf32, #tpu.memory_space<vmem>>, vector<1x2x128xf32>,
    %get3A_218 = arith.constant 0 : index
    %get3A_219 = arith.constant 4 : index
    %get3A_220 = arith.constant 0 : index
    %get3A_221 = vector.load %arg4[%get3A_218, %get3A_219, %get3A_220] : memref<1x8x128xf32, #tpu.memory_space<vmem>>, vector<1x2x128xf32>
    %slice3A_222 = vector.extract_strided_slice %div3A_181 {offsets = [0, 0, 2], sizes = [1, 1, 1], strides = [1, 1, 1]} : vector<1x1x4xf32> to vector<1x1x1xf32>
    %mul3A_223 = vector.broadcast %slice3A_222 : vector<1x1x1xf32> to vector<1x2x128xf32>
    %mul3A_224 = arith.mulf %get3A_221, %mul3A_223 : vector<1x2x128xf32>
    %get3A_225 = arith.index_cast %get3A_169 : i32 to index
    %get3A_226 = arith.constant 4 : index
    %get3A_227 = arith.constant 0 : index
    %get3A_228 = vector.load %arg14[%get3A_225, %get3A_226, %get3A_227] : memref<10000x8x128xf32, #tpu.memory_space<vmem>>, vector<1x2x128xf32>
    %add3A_229 = arith.addf %get3A_228, %mul3A_224 : vector<1x2x128xf32>
    %swap3A_230 = arith.index_cast %get3A_169 : i32 to index
    %swap3A_231 = arith.constant 4 : index
    %swap3A_232 = arith.constant 0 : index
    %swap3A_233 = vector.load %arg14[%swap3A_230, %swap3A_231, %swap3A_232] : memref<10000x8x128xf32, #tpu.memory_space<vmem>>, vector<1x2x128xf32>
    tpu.vector_store %arg14[%swap3A_230, %swap3A_231, %swap3A_232], %add3A_229 {strides = array<i32>} : memref<10000x8x128xf32, #tpu.memory_space<vmem>>, vector<1x2x128xf32>,
    %get3A_234 = arith.constant 0 : index
    %get3A_235 = arith.constant 6 : index
    %get3A_236 = arith.constant 0 : index
    %get3A_237 = vector.load %arg4[%get3A_234, %get3A_235, %get3A_236] : memref<1x8x128xf32, #tpu.memory_space<vmem>>, vector<1x2x128xf32>
    %slice3A_238 = vector.extract_strided_slice %div3A_181 {offsets = [0, 0, 3], sizes = [1, 1, 1], strides = [1, 1, 1]} : vector<1x1x4xf32> to vector<1x1x1xf32>
    %mul3A_239 = vector.broadcast %slice3A_238 : vector<1x1x1xf32> to vector<1x2x128xf32>
    %mul3A_240 = arith.mulf %get3A_237, %mul3A_239 : vector<1x2x128xf32>
    %get3A_241 = arith.index_cast %get3A_169 : i32 to index
    %get3A_242 = arith.constant 6 : index
    %get3A_243 = arith.constant 0 : index
    %get3A_244 = vector.load %arg14[%get3A_241, %get3A_242, %get3A_243] : memref<10000x8x128xf32, #tpu.memory_space<vmem>>, vector<1x2x128xf32>
    %add3A_245 = arith.addf %get3A_244, %mul3A_240 : vector<1x2x128xf32>
    %swap3A_246 = arith.index_cast %get3A_169 : i32 to index
    %swap3A_247 = arith.constant 6 : index
    %swap3A_248 = arith.constant 0 : index
    %swap3A_249 = vector.load %arg14[%swap3A_246, %swap3A_247, %swap3A_248] : memref<10000x8x128xf32, #tpu.memory_space<vmem>>, vector<1x2x128xf32>
    tpu.vector_store %arg14[%swap3A_246, %swap3A_247, %swap3A_248], %add3A_245 {strides = array<i32>} : memref<10000x8x128xf32, #tpu.memory_space<vmem>>, vector<1x2x128xf32>,
    %add3A_250 = arith.constant 3 : i32
    %add3A_251 = arith.addi %mul3A_2, %add3A_250 : i32
    %get3A_252 = arith.index_cast %add3A_251 : i32 to index
    %get3A_253 = memref.load %arg10[%get3A_252] : memref<80000xi32, #tpu.memory_space<smem>>
    %get3A_254 = arith.constant 3 : index
    %get3A_255 = arith.constant 0 : index
    %get3A_256 = arith.constant 0 : index
    %get3A_257 = vector.load %arg11[%get3A_254, %get3A_255, %get3A_256] : memref<8x1x4xf32, #tpu.memory_space<vmem>>, vector<1x1x4xf32>
    %get3A_258 = arith.index_cast %get3A_253 : i32 to index
    %get3A_259 = arith.constant 0 : index
    %get3A_260 = arith.constant 0 : index
    %get3A_261 = vector.load %arg12[%get3A_258, %get3A_259, %get3A_260] : memref<10000x1x4xf32, #tpu.memory_space<vmem>>, vector<1x1x4xf32>
    %add3A_262 = arith.constant 1.000000e-16 : f32
    %add3A_263 = vector.broadcast %add3A_262 : f32 to vector<1x1x4xf32>
    %add3A_264 = arith.addf %get3A_261, %add3A_263 : vector<1x1x4xf32>
    %div3A_265 = arith.divf %get3A_257, %add3A_264 : vector<1x1x4xf32>
    %swap3A_266 = arith.constant 3 : index
    %swap3A_267 = arith.constant 0 : index
    %swap3A_268 = arith.constant 0 : index
    %swap3A_269 = vector.load %arg13[%swap3A_266, %swap3A_267, %swap3A_268] : memref<8x1x4xf32, #tpu.memory_space<vmem>>, vector<1x1x4xf32>
    tpu.vector_store %arg13[%swap3A_266, %swap3A_267, %swap3A_268], %div3A_265 {strides = array<i32>} : memref<8x1x4xf32, #tpu.memory_space<vmem>>, vector<1x1x4xf32>,
    %get3A_270 = arith.constant 0 : index
    %get3A_271 = arith.constant 0 : index
    %get3A_272 = arith.constant 0 : index
    %get3A_273 = vector.load %arg5[%get3A_270, %get3A_271, %get3A_272] : memref<1x8x128xf32, #tpu.memory_space<vmem>>, vector<1x2x128xf32>
    %slice3A_274 = vector.extract_strided_slice %div3A_265 {offsets = [0, 0, 0], sizes = [1, 1, 1], strides = [1, 1, 1]} : vector<1x1x4xf32> to vector<1x1x1xf32>
    %mul3A_275 = vector.broadcast %slice3A_274 : vector<1x1x1xf32> to vector<1x2x128xf32>
    %mul3A_276 = arith.mulf %get3A_273, %mul3A_275 : vector<1x2x128xf32>
    %get3A_277 = arith.index_cast %get3A_253 : i32 to index
    %get3A_278 = arith.constant 0 : index
    %get3A_279 = arith.constant 0 : index
    %get3A_280 = vector.load %arg14[%get3A_277, %get3A_278, %get3A_279] : memref<10000x8x128xf32, #tpu.memory_space<vmem>>, vector<1x2x128xf32>
    %add3A_281 = arith.addf %get3A_280, %mul3A_276 : vector<1x2x128xf32>
    %swap3A_282 = arith.index_cast %get3A_253 : i32 to index
    %swap3A_283 = arith.constant 0 : index
    %swap3A_284 = arith.constant 0 : index
    %swap3A_285 = vector.load %arg14[%swap3A_282, %swap3A_283, %swap3A_284] : memref<10000x8x128xf32, #tpu.memory_space<vmem>>, vector<1x2x128xf32>
    tpu.vector_store %arg14[%swap3A_282, %swap3A_283, %swap3A_284], %add3A_281 {strides = array<i32>} : memref<10000x8x128xf32, #tpu.memory_space<vmem>>, vector<1x2x128xf32>,
    %get3A_286 = arith.constant 0 : index
    %get3A_287 = arith.constant 2 : index
    %get3A_288 = arith.constant 0 : index
    %get3A_289 = vector.load %arg5[%get3A_286, %get3A_287, %get3A_288] : memref<1x8x128xf32, #tpu.memory_space<vmem>>, vector<1x2x128xf32>
    %slice3A_290 = vector.extract_strided_slice %div3A_265 {offsets = [0, 0, 1], sizes = [1, 1, 1], strides = [1, 1, 1]} : vector<1x1x4xf32> to vector<1x1x1xf32>
    %mul3A_291 = vector.broadcast %slice3A_290 : vector<1x1x1xf32> to vector<1x2x128xf32>
    %mul3A_292 = arith.mulf %get3A_289, %mul3A_291 : vector<1x2x128xf32>
    %get3A_293 = arith.index_cast %get3A_253 : i32 to index
    %get3A_294 = arith.constant 2 : index
    %get3A_295 = arith.constant 0 : index
    %get3A_296 = vector.load %arg14[%get3A_293, %get3A_294, %get3A_295] : memref<10000x8x128xf32, #tpu.memory_space<vmem>>, vector<1x2x128xf32>
    %add3A_297 = arith.addf %get3A_296, %mul3A_292 : vector<1x2x128xf32>
    %swap3A_298 = arith.index_cast %get3A_253 : i32 to index
    %swap3A_299 = arith.constant 2 : index
    %swap3A_300 = arith.constant 0 : index
    %swap3A_301 = vector.load %arg14[%swap3A_298, %swap3A_299, %swap3A_300] : memref<10000x8x128xf32, #tpu.memory_space<vmem>>, vector<1x2x128xf32>
    tpu.vector_store %arg14[%swap3A_298, %swap3A_299, %swap3A_300], %add3A_297 {strides = array<i32>} : memref<10000x8x128xf32, #tpu.memory_space<vmem>>, vector<1x2x128xf32>,
    %get3A_302 = arith.constant 0 : index
    %get3A_303 = arith.constant 4 : index
    %get3A_304 = arith.constant 0 : index
    %get3A_305 = vector.load %arg5[%get3A_302, %get3A_303, %get3A_304] : memref<1x8x128xf32, #tpu.memory_space<vmem>>, vector<1x2x128xf32>
    %slice3A_306 = vector.extract_strided_slice %div3A_265 {offsets = [0, 0, 2], sizes = [1, 1, 1], strides = [1, 1, 1]} : vector<1x1x4xf32> to vector<1x1x1xf32>
    %mul3A_307 = vector.broadcast %slice3A_306 : vector<1x1x1xf32> to vector<1x2x128xf32>
    %mul3A_308 = arith.mulf %get3A_305, %mul3A_307 : vector<1x2x128xf32>
    %get3A_309 = arith.index_cast %get3A_253 : i32 to index
    %get3A_310 = arith.constant 4 : index
    %get3A_311 = arith.constant 0 : index
    %get3A_312 = vector.load %arg14[%get3A_309, %get3A_310, %get3A_311] : memref<10000x8x128xf32, #tpu.memory_space<vmem>>, vector<1x2x128xf32>
    %add3A_313 = arith.addf %get3A_312, %mul3A_308 : vector<1x2x128xf32>
    %swap3A_314 = arith.index_cast %get3A_253 : i32 to index
    %swap3A_315 = arith.constant 4 : index
    %swap3A_316 = arith.constant 0 : index
    %swap3A_317 = vector.load %arg14[%swap3A_314, %swap3A_315, %swap3A_316] : memref<10000x8x128xf32, #tpu.memory_space<vmem>>, vector<1x2x128xf32>
    tpu.vector_store %arg14[%swap3A_314, %swap3A_315, %swap3A_316], %add3A_313 {strides = array<i32>} : memref<10000x8x128xf32, #tpu.memory_space<vmem>>, vector<1x2x128xf32>,
    %get3A_318 = arith.constant 0 : index
    %get3A_319 = arith.constant 6 : index
    %get3A_320 = arith.constant 0 : index
    %get3A_321 = vector.load %arg5[%get3A_318, %get3A_319, %get3A_320] : memref<1x8x128xf32, #tpu.memory_space<vmem>>, vector<1x2x128xf32>
    %slice3A_322 = vector.extract_strided_slice %div3A_265 {offsets = [0, 0, 3], sizes = [1, 1, 1], strides = [1, 1, 1]} : vector<1x1x4xf32> to vector<1x1x1xf32>
    %mul3A_323 = vector.broadcast %slice3A_322 : vector<1x1x1xf32> to vector<1x2x128xf32>
    %mul3A_324 = arith.mulf %get3A_321, %mul3A_323 : vector<1x2x128xf32>
    %get3A_325 = arith.index_cast %get3A_253 : i32 to index
    %get3A_326 = arith.constant 6 : index
    %get3A_327 = arith.constant 0 : index
    %get3A_328 = vector.load %arg14[%get3A_325, %get3A_326, %get3A_327] : memref<10000x8x128xf32, #tpu.memory_space<vmem>>, vector<1x2x128xf32>
    %add3A_329 = arith.addf %get3A_328, %mul3A_324 : vector<1x2x128xf32>
    %swap3A_330 = arith.index_cast %get3A_253 : i32 to index
    %swap3A_331 = arith.constant 6 : index
    %swap3A_332 = arith.constant 0 : index
    %swap3A_333 = vector.load %arg14[%swap3A_330, %swap3A_331, %swap3A_332] : memref<10000x8x128xf32, #tpu.memory_space<vmem>>, vector<1x2x128xf32>
    tpu.vector_store %arg14[%swap3A_330, %swap3A_331, %swap3A_332], %add3A_329 {strides = array<i32>} : memref<10000x8x128xf32, #tpu.memory_space<vmem>>, vector<1x2x128xf32>,
    %add3A_334 = arith.constant 4 : i32
    %add3A_335 = arith.addi %mul3A_2, %add3A_334 : i32
    %get3A_336 = arith.index_cast %add3A_335 : i32 to index
    %get3A_337 = memref.load %arg10[%get3A_336] : memref<80000xi32, #tpu.memory_space<smem>>
    %get3A_338 = arith.constant 4 : index
    %get3A_339 = arith.constant 0 : index
    %get3A_340 = arith.constant 0 : index
    %get3A_341 = vector.load %arg11[%get3A_338, %get3A_339, %get3A_340] : memref<8x1x4xf32, #tpu.memory_space<vmem>>, vector<1x1x4xf32>
    %get3A_342 = arith.index_cast %get3A_337 : i32 to index
    %get3A_343 = arith.constant 0 : index
    %get3A_344 = arith.constant 0 : index
    %get3A_345 = vector.load %arg12[%get3A_342, %get3A_343, %get3A_344] : memref<10000x1x4xf32, #tpu.memory_space<vmem>>, vector<1x1x4xf32>
    %add3A_346 = arith.constant 1.000000e-16 : f32
    %add3A_347 = vector.broadcast %add3A_346 : f32 to vector<1x1x4xf32>
    %add3A_348 = arith.addf %get3A_345, %add3A_347 : vector<1x1x4xf32>
    %div3A_349 = arith.divf %get3A_341, %add3A_348 : vector<1x1x4xf32>
    %swap3A_350 = arith.constant 4 : index
    %swap3A_351 = arith.constant 0 : index
    %swap3A_352 = arith.constant 0 : index
    %swap3A_353 = vector.load %arg13[%swap3A_350, %swap3A_351, %swap3A_352] : memref<8x1x4xf32, #tpu.memory_space<vmem>>, vector<1x1x4xf32>
    tpu.vector_store %arg13[%swap3A_350, %swap3A_351, %swap3A_352], %div3A_349 {strides = array<i32>} : memref<8x1x4xf32, #tpu.memory_space<vmem>>, vector<1x1x4xf32>,
    %get3A_354 = arith.constant 0 : index
    %get3A_355 = arith.constant 0 : index
    %get3A_356 = arith.constant 0 : index
    %get3A_357 = vector.load %arg6[%get3A_354, %get3A_355, %get3A_356] : memref<1x8x128xf32, #tpu.memory_space<vmem>>, vector<1x2x128xf32>
    %slice3A_358 = vector.extract_strided_slice %div3A_349 {offsets = [0, 0, 0], sizes = [1, 1, 1], strides = [1, 1, 1]} : vector<1x1x4xf32> to vector<1x1x1xf32>
    %mul3A_359 = vector.broadcast %slice3A_358 : vector<1x1x1xf32> to vector<1x2x128xf32>
    %mul3A_360 = arith.mulf %get3A_357, %mul3A_359 : vector<1x2x128xf32>
    %get3A_361 = arith.index_cast %get3A_337 : i32 to index
    %get3A_362 = arith.constant 0 : index
    %get3A_363 = arith.constant 0 : index
    %get3A_364 = vector.load %arg14[%get3A_361, %get3A_362, %get3A_363] : memref<10000x8x128xf32, #tpu.memory_space<vmem>>, vector<1x2x128xf32>
    %add3A_365 = arith.addf %get3A_364, %mul3A_360 : vector<1x2x128xf32>
    %swap3A_366 = arith.index_cast %get3A_337 : i32 to index
    %swap3A_367 = arith.constant 0 : index
    %swap3A_368 = arith.constant 0 : index
    %swap3A_369 = vector.load %arg14[%swap3A_366, %swap3A_367, %swap3A_368] : memref<10000x8x128xf32, #tpu.memory_space<vmem>>, vector<1x2x128xf32>
    tpu.vector_store %arg14[%swap3A_366, %swap3A_367, %swap3A_368], %add3A_365 {strides = array<i32>} : memref<10000x8x128xf32, #tpu.memory_space<vmem>>, vector<1x2x128xf32>,
    %get3A_370 = arith.constant 0 : index
    %get3A_371 = arith.constant 2 : index
    %get3A_372 = arith.constant 0 : index
    %get3A_373 = vector.load %arg6[%get3A_370, %get3A_371, %get3A_372] : memref<1x8x128xf32, #tpu.memory_space<vmem>>, vector<1x2x128xf32>
    %slice3A_374 = vector.extract_strided_slice %div3A_349 {offsets = [0, 0, 1], sizes = [1, 1, 1], strides = [1, 1, 1]} : vector<1x1x4xf32> to vector<1x1x1xf32>
    %mul3A_375 = vector.broadcast %slice3A_374 : vector<1x1x1xf32> to vector<1x2x128xf32>
    %mul3A_376 = arith.mulf %get3A_373, %mul3A_375 : vector<1x2x128xf32>
    %get3A_377 = arith.index_cast %get3A_337 : i32 to index
    %get3A_378 = arith.constant 2 : index
    %get3A_379 = arith.constant 0 : index
    %get3A_380 = vector.load %arg14[%get3A_377, %get3A_378, %get3A_379] : memref<10000x8x128xf32, #tpu.memory_space<vmem>>, vector<1x2x128xf32>
    %add3A_381 = arith.addf %get3A_380, %mul3A_376 : vector<1x2x128xf32>
    %swap3A_382 = arith.index_cast %get3A_337 : i32 to index
    %swap3A_383 = arith.constant 2 : index
    %swap3A_384 = arith.constant 0 : index
    %swap3A_385 = vector.load %arg14[%swap3A_382, %swap3A_383, %swap3A_384] : memref<10000x8x128xf32, #tpu.memory_space<vmem>>, vector<1x2x128xf32>
    tpu.vector_store %arg14[%swap3A_382, %swap3A_383, %swap3A_384], %add3A_381 {strides = array<i32>} : memref<10000x8x128xf32, #tpu.memory_space<vmem>>, vector<1x2x128xf32>,
    %get3A_386 = arith.constant 0 : index
    %get3A_387 = arith.constant 4 : index
    %get3A_388 = arith.constant 0 : index
    %get3A_389 = vector.load %arg6[%get3A_386, %get3A_387, %get3A_388] : memref<1x8x128xf32, #tpu.memory_space<vmem>>, vector<1x2x128xf32>
    %slice3A_390 = vector.extract_strided_slice %div3A_349 {offsets = [0, 0, 2], sizes = [1, 1, 1], strides = [1, 1, 1]} : vector<1x1x4xf32> to vector<1x1x1xf32>
    %mul3A_391 = vector.broadcast %slice3A_390 : vector<1x1x1xf32> to vector<1x2x128xf32>
    %mul3A_392 = arith.mulf %get3A_389, %mul3A_391 : vector<1x2x128xf32>
    %get3A_393 = arith.index_cast %get3A_337 : i32 to index
    %get3A_394 = arith.constant 4 : index
    %get3A_395 = arith.constant 0 : index
    %get3A_396 = vector.load %arg14[%get3A_393, %get3A_394, %get3A_395] : memref<10000x8x128xf32, #tpu.memory_space<vmem>>, vector<1x2x128xf32>
    %add3A_397 = arith.addf %get3A_396, %mul3A_392 : vector<1x2x128xf32>
    %swap3A_398 = arith.index_cast %get3A_337 : i32 to index
    %swap3A_399 = arith.constant 4 : index
    %swap3A_400 = arith.constant 0 : index
    %swap3A_401 = vector.load %arg14[%swap3A_398, %swap3A_399, %swap3A_400] : memref<10000x8x128xf32, #tpu.memory_space<vmem>>, vector<1x2x128xf32>
    tpu.vector_store %arg14[%swap3A_398, %swap3A_399, %swap3A_400], %add3A_397 {strides = array<i32>} : memref<10000x8x128xf32, #tpu.memory_space<vmem>>, vector<1x2x128xf32>,
    %get3A_402 = arith.constant 0 : index
    %get3A_403 = arith.constant 6 : index
    %get3A_404 = arith.constant 0 : index
    %get3A_405 = vector.load %arg6[%get3A_402, %get3A_403, %get3A_404] : memref<1x8x128xf32, #tpu.memory_space<vmem>>, vector<1x2x128xf32>
    %slice3A_406 = vector.extract_strided_slice %div3A_349 {offsets = [0, 0, 3], sizes = [1, 1, 1], strides = [1, 1, 1]} : vector<1x1x4xf32> to vector<1x1x1xf32>
    %mul3A_407 = vector.broadcast %slice3A_406 : vector<1x1x1xf32> to vector<1x2x128xf32>
    %mul3A_408 = arith.mulf %get3A_405, %mul3A_407 : vector<1x2x128xf32>
    %get3A_409 = arith.index_cast %get3A_337 : i32 to index
    %get3A_410 = arith.constant 6 : index
    %get3A_411 = arith.constant 0 : index
    %get3A_412 = vector.load %arg14[%get3A_409, %get3A_410, %get3A_411] : memref<10000x8x128xf32, #tpu.memory_space<vmem>>, vector<1x2x128xf32>
    %add3A_413 = arith.addf %get3A_412, %mul3A_408 : vector<1x2x128xf32>
    %swap3A_414 = arith.index_cast %get3A_337 : i32 to index
    %swap3A_415 = arith.constant 6 : index
    %swap3A_416 = arith.constant 0 : index
    %swap3A_417 = vector.load %arg14[%swap3A_414, %swap3A_415, %swap3A_416] : memref<10000x8x128xf32, #tpu.memory_space<vmem>>, vector<1x2x128xf32>
    tpu.vector_store %arg14[%swap3A_414, %swap3A_415, %swap3A_416], %add3A_413 {strides = array<i32>} : memref<10000x8x128xf32, #tpu.memory_space<vmem>>, vector<1x2x128xf32>,
    %add3A_418 = arith.constant 5 : i32
    %add3A_419 = arith.addi %mul3A_2, %add3A_418 : i32
    %get3A_420 = arith.index_cast %add3A_419 : i32 to index
    %get3A_421 = memref.load %arg10[%get3A_420] : memref<80000xi32, #tpu.memory_space<smem>>
    %get3A_422 = arith.constant 5 : index
    %get3A_423 = arith.constant 0 : index
    %get3A_424 = arith.constant 0 : index
    %get3A_425 = vector.load %arg11[%get3A_422, %get3A_423, %get3A_424] : memref<8x1x4xf32, #tpu.memory_space<vmem>>, vector<1x1x4xf32>
    %get3A_426 = arith.index_cast %get3A_421 : i32 to index
    %get3A_427 = arith.constant 0 : index
    %get3A_428 = arith.constant 0 : index
    %get3A_429 = vector.load %arg12[%get3A_426, %get3A_427, %get3A_428] : memref<10000x1x4xf32, #tpu.memory_space<vmem>>, vector<1x1x4xf32>
    %add3A_430 = arith.constant 1.000000e-16 : f32
    %add3A_431 = vector.broadcast %add3A_430 : f32 to vector<1x1x4xf32>
    %add3A_432 = arith.addf %get3A_429, %add3A_431 : vector<1x1x4xf32>
    %div3A_433 = arith.divf %get3A_425, %add3A_432 : vector<1x1x4xf32>
    %swap3A_434 = arith.constant 5 : index
    %swap3A_435 = arith.constant 0 : index
    %swap3A_436 = arith.constant 0 : index
    %swap3A_437 = vector.load %arg13[%swap3A_434, %swap3A_435, %swap3A_436] : memref<8x1x4xf32, #tpu.memory_space<vmem>>, vector<1x1x4xf32>
    tpu.vector_store %arg13[%swap3A_434, %swap3A_435, %swap3A_436], %div3A_433 {strides = array<i32>} : memref<8x1x4xf32, #tpu.memory_space<vmem>>, vector<1x1x4xf32>,
    %get3A_438 = arith.constant 0 : index
    %get3A_439 = arith.constant 0 : index
    %get3A_440 = arith.constant 0 : index
    %get3A_441 = vector.load %arg7[%get3A_438, %get3A_439, %get3A_440] : memref<1x8x128xf32, #tpu.memory_space<vmem>>, vector<1x2x128xf32>
    %slice3A_442 = vector.extract_strided_slice %div3A_433 {offsets = [0, 0, 0], sizes = [1, 1, 1], strides = [1, 1, 1]} : vector<1x1x4xf32> to vector<1x1x1xf32>
    %mul3A_443 = vector.broadcast %slice3A_442 : vector<1x1x1xf32> to vector<1x2x128xf32>
    %mul3A_444 = arith.mulf %get3A_441, %mul3A_443 : vector<1x2x128xf32>
    %get3A_445 = arith.index_cast %get3A_421 : i32 to index
    %get3A_446 = arith.constant 0 : index
    %get3A_447 = arith.constant 0 : index
    %get3A_448 = vector.load %arg14[%get3A_445, %get3A_446, %get3A_447] : memref<10000x8x128xf32, #tpu.memory_space<vmem>>, vector<1x2x128xf32>
    %add3A_449 = arith.addf %get3A_448, %mul3A_444 : vector<1x2x128xf32>
    %swap3A_450 = arith.index_cast %get3A_421 : i32 to index
    %swap3A_451 = arith.constant 0 : index
    %swap3A_452 = arith.constant 0 : index
    %swap3A_453 = vector.load %arg14[%swap3A_450, %swap3A_451, %swap3A_452] : memref<10000x8x128xf32, #tpu.memory_space<vmem>>, vector<1x2x128xf32>
    tpu.vector_store %arg14[%swap3A_450, %swap3A_451, %swap3A_452], %add3A_449 {strides = array<i32>} : memref<10000x8x128xf32, #tpu.memory_space<vmem>>, vector<1x2x128xf32>,
    %get3A_454 = arith.constant 0 : index
    %get3A_455 = arith.constant 2 : index
    %get3A_456 = arith.constant 0 : index
    %get3A_457 = vector.load %arg7[%get3A_454, %get3A_455, %get3A_456] : memref<1x8x128xf32, #tpu.memory_space<vmem>>, vector<1x2x128xf32>
    %slice3A_458 = vector.extract_strided_slice %div3A_433 {offsets = [0, 0, 1], sizes = [1, 1, 1], strides = [1, 1, 1]} : vector<1x1x4xf32> to vector<1x1x1xf32>
    %mul3A_459 = vector.broadcast %slice3A_458 : vector<1x1x1xf32> to vector<1x2x128xf32>
    %mul3A_460 = arith.mulf %get3A_457, %mul3A_459 : vector<1x2x128xf32>
    %get3A_461 = arith.index_cast %get3A_421 : i32 to index
    %get3A_462 = arith.constant 2 : index
    %get3A_463 = arith.constant 0 : index
    %get3A_464 = vector.load %arg14[%get3A_461, %get3A_462, %get3A_463] : memref<10000x8x128xf32, #tpu.memory_space<vmem>>, vector<1x2x128xf32>
    %add3A_465 = arith.addf %get3A_464, %mul3A_460 : vector<1x2x128xf32>
    %swap3A_466 = arith.index_cast %get3A_421 : i32 to index
    %swap3A_467 = arith.constant 2 : index
    %swap3A_468 = arith.constant 0 : index
    %swap3A_469 = vector.load %arg14[%swap3A_466, %swap3A_467, %swap3A_468] : memref<10000x8x128xf32, #tpu.memory_space<vmem>>, vector<1x2x128xf32>
    tpu.vector_store %arg14[%swap3A_466, %swap3A_467, %swap3A_468], %add3A_465 {strides = array<i32>} : memref<10000x8x128xf32, #tpu.memory_space<vmem>>, vector<1x2x128xf32>,
    %get3A_470 = arith.constant 0 : index
    %get3A_471 = arith.constant 4 : index
    %get3A_472 = arith.constant 0 : index
    %get3A_473 = vector.load %arg7[%get3A_470, %get3A_471, %get3A_472] : memref<1x8x128xf32, #tpu.memory_space<vmem>>, vector<1x2x128xf32>
    %slice3A_474 = vector.extract_strided_slice %div3A_433 {offsets = [0, 0, 2], sizes = [1, 1, 1], strides = [1, 1, 1]} : vector<1x1x4xf32> to vector<1x1x1xf32>
    %mul3A_475 = vector.broadcast %slice3A_474 : vector<1x1x1xf32> to vector<1x2x128xf32>
    %mul3A_476 = arith.mulf %get3A_473, %mul3A_475 : vector<1x2x128xf32>
    %get3A_477 = arith.index_cast %get3A_421 : i32 to index
    %get3A_478 = arith.constant 4 : index
    %get3A_479 = arith.constant 0 : index
    %get3A_480 = vector.load %arg14[%get3A_477, %get3A_478, %get3A_479] : memref<10000x8x128xf32, #tpu.memory_space<vmem>>, vector<1x2x128xf32>
    %add3A_481 = arith.addf %get3A_480, %mul3A_476 : vector<1x2x128xf32>
    %swap3A_482 = arith.index_cast %get3A_421 : i32 to index
    %swap3A_483 = arith.constant 4 : index
    %swap3A_484 = arith.constant 0 : index
    %swap3A_485 = vector.load %arg14[%swap3A_482, %swap3A_483, %swap3A_484] : memref<10000x8x128xf32, #tpu.memory_space<vmem>>, vector<1x2x128xf32>
    tpu.vector_store %arg14[%swap3A_482, %swap3A_483, %swap3A_484], %add3A_481 {strides = array<i32>} : memref<10000x8x128xf32, #tpu.memory_space<vmem>>, vector<1x2x128xf32>,
    %get3A_486 = arith.constant 0 : index
    %get3A_487 = arith.constant 6 : index
    %get3A_488 = arith.constant 0 : index
    %get3A_489 = vector.load %arg7[%get3A_486, %get3A_487, %get3A_488] : memref<1x8x128xf32, #tpu.memory_space<vmem>>, vector<1x2x128xf32>
    %slice3A_490 = vector.extract_strided_slice %div3A_433 {offsets = [0, 0, 3], sizes = [1, 1, 1], strides = [1, 1, 1]} : vector<1x1x4xf32> to vector<1x1x1xf32>
    %mul3A_491 = vector.broadcast %slice3A_490 : vector<1x1x1xf32> to vector<1x2x128xf32>
    %mul3A_492 = arith.mulf %get3A_489, %mul3A_491 : vector<1x2x128xf32>
    %get3A_493 = arith.index_cast %get3A_421 : i32 to index
    %get3A_494 = arith.constant 6 : index
    %get3A_495 = arith.constant 0 : index
    %get3A_496 = vector.load %arg14[%get3A_493, %get3A_494, %get3A_495] : memref<10000x8x128xf32, #tpu.memory_space<vmem>>, vector<1x2x128xf32>
    %add3A_497 = arith.addf %get3A_496, %mul3A_492 : vector<1x2x128xf32>
    %swap3A_498 = arith.index_cast %get3A_421 : i32 to index
    %swap3A_499 = arith.constant 6 : index
    %swap3A_500 = arith.constant 0 : index
    %swap3A_501 = vector.load %arg14[%swap3A_498, %swap3A_499, %swap3A_500] : memref<10000x8x128xf32, #tpu.memory_space<vmem>>, vector<1x2x128xf32>
    tpu.vector_store %arg14[%swap3A_498, %swap3A_499, %swap3A_500], %add3A_497 {strides = array<i32>} : memref<10000x8x128xf32, #tpu.memory_space<vmem>>, vector<1x2x128xf32>,
    %add3A_502 = arith.constant 6 : i32
    %add3A_503 = arith.addi %mul3A_2, %add3A_502 : i32
    %get3A_504 = arith.index_cast %add3A_503 : i32 to index
    %get3A_505 = memref.load %arg10[%get3A_504] : memref<80000xi32, #tpu.memory_space<smem>>
    %get3A_506 = arith.constant 6 : index
    %get3A_507 = arith.constant 0 : index
    %get3A_508 = arith.constant 0 : index
    %get3A_509 = vector.load %arg11[%get3A_506, %get3A_507, %get3A_508] : memref<8x1x4xf32, #tpu.memory_space<vmem>>, vector<1x1x4xf32>
    %get3A_510 = arith.index_cast %get3A_505 : i32 to index
    %get3A_511 = arith.constant 0 : index
    %get3A_512 = arith.constant 0 : index
    %get3A_513 = vector.load %arg12[%get3A_510, %get3A_511, %get3A_512] : memref<10000x1x4xf32, #tpu.memory_space<vmem>>, vector<1x1x4xf32>
    %add3A_514 = arith.constant 1.000000e-16 : f32
    %add3A_515 = vector.broadcast %add3A_514 : f32 to vector<1x1x4xf32>
    %add3A_516 = arith.addf %get3A_513, %add3A_515 : vector<1x1x4xf32>
    %div3A_517 = arith.divf %get3A_509, %add3A_516 : vector<1x1x4xf32>
    %swap3A_518 = arith.constant 6 : index
    %swap3A_519 = arith.constant 0 : index
    %swap3A_520 = arith.constant 0 : index
    %swap3A_521 = vector.load %arg13[%swap3A_518, %swap3A_519, %swap3A_520] : memref<8x1x4xf32, #tpu.memory_space<vmem>>, vector<1x1x4xf32>
    tpu.vector_store %arg13[%swap3A_518, %swap3A_519, %swap3A_520], %div3A_517 {strides = array<i32>} : memref<8x1x4xf32, #tpu.memory_space<vmem>>, vector<1x1x4xf32>,
    %get3A_522 = arith.constant 0 : index
    %get3A_523 = arith.constant 0 : index
    %get3A_524 = arith.constant 0 : index
    %get3A_525 = vector.load %arg8[%get3A_522, %get3A_523, %get3A_524] : memref<1x8x128xf32, #tpu.memory_space<vmem>>, vector<1x2x128xf32>
    %slice3A_526 = vector.extract_strided_slice %div3A_517 {offsets = [0, 0, 0], sizes = [1, 1, 1], strides = [1, 1, 1]} : vector<1x1x4xf32> to vector<1x1x1xf32>
    %mul3A_527 = vector.broadcast %slice3A_526 : vector<1x1x1xf32> to vector<1x2x128xf32>
    %mul3A_528 = arith.mulf %get3A_525, %mul3A_527 : vector<1x2x128xf32>
    %get3A_529 = arith.index_cast %get3A_505 : i32 to index
    %get3A_530 = arith.constant 0 : index
    %get3A_531 = arith.constant 0 : index
    %get3A_532 = vector.load %arg14[%get3A_529, %get3A_530, %get3A_531] : memref<10000x8x128xf32, #tpu.memory_space<vmem>>, vector<1x2x128xf32>
    %add3A_533 = arith.addf %get3A_532, %mul3A_528 : vector<1x2x128xf32>
    %swap3A_534 = arith.index_cast %get3A_505 : i32 to index
    %swap3A_535 = arith.constant 0 : index
    %swap3A_536 = arith.constant 0 : index
    %swap3A_537 = vector.load %arg14[%swap3A_534, %swap3A_535, %swap3A_536] : memref<10000x8x128xf32, #tpu.memory_space<vmem>>, vector<1x2x128xf32>
    tpu.vector_store %arg14[%swap3A_534, %swap3A_535, %swap3A_536], %add3A_533 {strides = array<i32>} : memref<10000x8x128xf32, #tpu.memory_space<vmem>>, vector<1x2x128xf32>,
    %get3A_538 = arith.constant 0 : index
    %get3A_539 = arith.constant 2 : index
    %get3A_540 = arith.constant 0 : index
    %get3A_541 = vector.load %arg8[%get3A_538, %get3A_539, %get3A_540] : memref<1x8x128xf32, #tpu.memory_space<vmem>>, vector<1x2x128xf32>
    %slice3A_542 = vector.extract_strided_slice %div3A_517 {offsets = [0, 0, 1], sizes = [1, 1, 1], strides = [1, 1, 1]} : vector<1x1x4xf32> to vector<1x1x1xf32>
    %mul3A_543 = vector.broadcast %slice3A_542 : vector<1x1x1xf32> to vector<1x2x128xf32>
    %mul3A_544 = arith.mulf %get3A_541, %mul3A_543 : vector<1x2x128xf32>
    %get3A_545 = arith.index_cast %get3A_505 : i32 to index
    %get3A_546 = arith.constant 2 : index
    %get3A_547 = arith.constant 0 : index
    %get3A_548 = vector.load %arg14[%get3A_545, %get3A_546, %get3A_547] : memref<10000x8x128xf32, #tpu.memory_space<vmem>>, vector<1x2x128xf32>
    %add3A_549 = arith.addf %get3A_548, %mul3A_544 : vector<1x2x128xf32>
    %swap3A_550 = arith.index_cast %get3A_505 : i32 to index
    %swap3A_551 = arith.constant 2 : index
    %swap3A_552 = arith.constant 0 : index
    %swap3A_553 = vector.load %arg14[%swap3A_550, %swap3A_551, %swap3A_552] : memref<10000x8x128xf32, #tpu.memory_space<vmem>>, vector<1x2x128xf32>
    tpu.vector_store %arg14[%swap3A_550, %swap3A_551, %swap3A_552], %add3A_549 {strides = array<i32>} : memref<10000x8x128xf32, #tpu.memory_space<vmem>>, vector<1x2x128xf32>,
    %get3A_554 = arith.constant 0 : index
    %get3A_555 = arith.constant 4 : index
    %get3A_556 = arith.constant 0 : index
    %get3A_557 = vector.load %arg8[%get3A_554, %get3A_555, %get3A_556] : memref<1x8x128xf32, #tpu.memory_space<vmem>>, vector<1x2x128xf32>
    %slice3A_558 = vector.extract_strided_slice %div3A_517 {offsets = [0, 0, 2], sizes = [1, 1, 1], strides = [1, 1, 1]} : vector<1x1x4xf32> to vector<1x1x1xf32>
    %mul3A_559 = vector.broadcast %slice3A_558 : vector<1x1x1xf32> to vector<1x2x128xf32>
    %mul3A_560 = arith.mulf %get3A_557, %mul3A_559 : vector<1x2x128xf32>
    %get3A_561 = arith.index_cast %get3A_505 : i32 to index
    %get3A_562 = arith.constant 4 : index
    %get3A_563 = arith.constant 0 : index
    %get3A_564 = vector.load %arg14[%get3A_561, %get3A_562, %get3A_563] : memref<10000x8x128xf32, #tpu.memory_space<vmem>>, vector<1x2x128xf32>
    %add3A_565 = arith.addf %get3A_564, %mul3A_560 : vector<1x2x128xf32>
    %swap3A_566 = arith.index_cast %get3A_505 : i32 to index
    %swap3A_567 = arith.constant 4 : index
    %swap3A_568 = arith.constant 0 : index
    %swap3A_569 = vector.load %arg14[%swap3A_566, %swap3A_567, %swap3A_568] : memref<10000x8x128xf32, #tpu.memory_space<vmem>>, vector<1x2x128xf32>
    tpu.vector_store %arg14[%swap3A_566, %swap3A_567, %swap3A_568], %add3A_565 {strides = array<i32>} : memref<10000x8x128xf32, #tpu.memory_space<vmem>>, vector<1x2x128xf32>,
    %get3A_570 = arith.constant 0 : index
    %get3A_571 = arith.constant 6 : index
    %get3A_572 = arith.constant 0 : index
    %get3A_573 = vector.load %arg8[%get3A_570, %get3A_571, %get3A_572] : memref<1x8x128xf32, #tpu.memory_space<vmem>>, vector<1x2x128xf32>
    %slice3A_574 = vector.extract_strided_slice %div3A_517 {offsets = [0, 0, 3], sizes = [1, 1, 1], strides = [1, 1, 1]} : vector<1x1x4xf32> to vector<1x1x1xf32>
    %mul3A_575 = vector.broadcast %slice3A_574 : vector<1x1x1xf32> to vector<1x2x128xf32>
    %mul3A_576 = arith.mulf %get3A_573, %mul3A_575 : vector<1x2x128xf32>
    %get3A_577 = arith.index_cast %get3A_505 : i32 to index
    %get3A_578 = arith.constant 6 : index
    %get3A_579 = arith.constant 0 : index
    %get3A_580 = vector.load %arg14[%get3A_577, %get3A_578, %get3A_579] : memref<10000x8x128xf32, #tpu.memory_space<vmem>>, vector<1x2x128xf32>
    %add3A_581 = arith.addf %get3A_580, %mul3A_576 : vector<1x2x128xf32>
    %swap3A_582 = arith.index_cast %get3A_505 : i32 to index
    %swap3A_583 = arith.constant 6 : index
    %swap3A_584 = arith.constant 0 : index
    %swap3A_585 = vector.load %arg14[%swap3A_582, %swap3A_583, %swap3A_584] : memref<10000x8x128xf32, #tpu.memory_space<vmem>>, vector<1x2x128xf32>
    tpu.vector_store %arg14[%swap3A_582, %swap3A_583, %swap3A_584], %add3A_581 {strides = array<i32>} : memref<10000x8x128xf32, #tpu.memory_space<vmem>>, vector<1x2x128xf32>,
    %add3A_586 = arith.constant 7 : i32
    %add3A_587 = arith.addi %mul3A_2, %add3A_586 : i32
    %get3A_588 = arith.index_cast %add3A_587 : i32 to index
    %get3A_589 = memref.load %arg10[%get3A_588] : memref<80000xi32, #tpu.memory_space<smem>>
    %get3A_590 = arith.constant 7 : index
    %get3A_591 = arith.constant 0 : index
    %get3A_592 = arith.constant 0 : index
    %get3A_593 = vector.load %arg11[%get3A_590, %get3A_591, %get3A_592] : memref<8x1x4xf32, #tpu.memory_space<vmem>>, vector<1x1x4xf32>
    %get3A_594 = arith.index_cast %get3A_589 : i32 to index
    %get3A_595 = arith.constant 0 : index
    %get3A_596 = arith.constant 0 : index
    %get3A_597 = vector.load %arg12[%get3A_594, %get3A_595, %get3A_596] : memref<10000x1x4xf32, #tpu.memory_space<vmem>>, vector<1x1x4xf32>
    %add3A_598 = arith.constant 1.000000e-16 : f32
    %add3A_599 = vector.broadcast %add3A_598 : f32 to vector<1x1x4xf32>
    %add3A_600 = arith.addf %get3A_597, %add3A_599 : vector<1x1x4xf32>
    %div3A_601 = arith.divf %get3A_593, %add3A_600 : vector<1x1x4xf32>
    %swap3A_602 = arith.constant 7 : index
    %swap3A_603 = arith.constant 0 : index
    %swap3A_604 = arith.constant 0 : index
    %swap3A_605 = vector.load %arg13[%swap3A_602, %swap3A_603, %swap3A_604] : memref<8x1x4xf32, #tpu.memory_space<vmem>>, vector<1x1x4xf32>
    tpu.vector_store %arg13[%swap3A_602, %swap3A_603, %swap3A_604], %div3A_601 {strides = array<i32>} : memref<8x1x4xf32, #tpu.memory_space<vmem>>, vector<1x1x4xf32>,
    %get3A_606 = arith.constant 0 : index
    %get3A_607 = arith.constant 0 : index
    %get3A_608 = arith.constant 0 : index
    %get3A_609 = vector.load %arg9[%get3A_606, %get3A_607, %get3A_608] : memref<1x8x128xf32, #tpu.memory_space<vmem>>, vector<1x2x128xf32>
    %slice3A_610 = vector.extract_strided_slice %div3A_601 {offsets = [0, 0, 0], sizes = [1, 1, 1], strides = [1, 1, 1]} : vector<1x1x4xf32> to vector<1x1x1xf32>
    %mul3A_611 = vector.broadcast %slice3A_610 : vector<1x1x1xf32> to vector<1x2x128xf32>
    %mul3A_612 = arith.mulf %get3A_609, %mul3A_611 : vector<1x2x128xf32>
    %get3A_613 = arith.index_cast %get3A_589 : i32 to index
    %get3A_614 = arith.constant 0 : index
    %get3A_615 = arith.constant 0 : index
    %get3A_616 = vector.load %arg14[%get3A_613, %get3A_614, %get3A_615] : memref<10000x8x128xf32, #tpu.memory_space<vmem>>, vector<1x2x128xf32>
    %add3A_617 = arith.addf %get3A_616, %mul3A_612 : vector<1x2x128xf32>
    %swap3A_618 = arith.index_cast %get3A_589 : i32 to index
    %swap3A_619 = arith.constant 0 : index
    %swap3A_620 = arith.constant 0 : index
    %swap3A_621 = vector.load %arg14[%swap3A_618, %swap3A_619, %swap3A_620] : memref<10000x8x128xf32, #tpu.memory_space<vmem>>, vector<1x2x128xf32>
    tpu.vector_store %arg14[%swap3A_618, %swap3A_619, %swap3A_620], %add3A_617 {strides = array<i32>} : memref<10000x8x128xf32, #tpu.memory_space<vmem>>, vector<1x2x128xf32>,
    %get3A_622 = arith.constant 0 : index
    %get3A_623 = arith.constant 2 : index
    %get3A_624 = arith.constant 0 : index
    %get3A_625 = vector.load %arg9[%get3A_622, %get3A_623, %get3A_624] : memref<1x8x128xf32, #tpu.memory_space<vmem>>, vector<1x2x128xf32>
    %slice3A_626 = vector.extract_strided_slice %div3A_601 {offsets = [0, 0, 1], sizes = [1, 1, 1], strides = [1, 1, 1]} : vector<1x1x4xf32> to vector<1x1x1xf32>
    %mul3A_627 = vector.broadcast %slice3A_626 : vector<1x1x1xf32> to vector<1x2x128xf32>
    %mul3A_628 = arith.mulf %get3A_625, %mul3A_627 : vector<1x2x128xf32>
    %get3A_629 = arith.index_cast %get3A_589 : i32 to index
    %get3A_630 = arith.constant 2 : index
    %get3A_631 = arith.constant 0 : index
    %get3A_632 = vector.load %arg14[%get3A_629, %get3A_630, %get3A_631] : memref<10000x8x128xf32, #tpu.memory_space<vmem>>, vector<1x2x128xf32>
    %add3A_633 = arith.addf %get3A_632, %mul3A_628 : vector<1x2x128xf32>
    %swap3A_634 = arith.index_cast %get3A_589 : i32 to index
    %swap3A_635 = arith.constant 2 : index
    %swap3A_636 = arith.constant 0 : index
    %swap3A_637 = vector.load %arg14[%swap3A_634, %swap3A_635, %swap3A_636] : memref<10000x8x128xf32, #tpu.memory_space<vmem>>, vector<1x2x128xf32>
    tpu.vector_store %arg14[%swap3A_634, %swap3A_635, %swap3A_636], %add3A_633 {strides = array<i32>} : memref<10000x8x128xf32, #tpu.memory_space<vmem>>, vector<1x2x128xf32>,
    %get3A_638 = arith.constant 0 : index
    %get3A_639 = arith.constant 4 : index
    %get3A_640 = arith.constant 0 : index
    %get3A_641 = vector.load %arg9[%get3A_638, %get3A_639, %get3A_640] : memref<1x8x128xf32, #tpu.memory_space<vmem>>, vector<1x2x128xf32>
    %slice3A_642 = vector.extract_strided_slice %div3A_601 {offsets = [0, 0, 2], sizes = [1, 1, 1], strides = [1, 1, 1]} : vector<1x1x4xf32> to vector<1x1x1xf32>
    %mul3A_643 = vector.broadcast %slice3A_642 : vector<1x1x1xf32> to vector<1x2x128xf32>
    %mul3A_644 = arith.mulf %get3A_641, %mul3A_643 : vector<1x2x128xf32>
    %get3A_645 = arith.index_cast %get3A_589 : i32 to index
    %get3A_646 = arith.constant 4 : index
    %get3A_647 = arith.constant 0 : index
    %get3A_648 = vector.load %arg14[%get3A_645, %get3A_646, %get3A_647] : memref<10000x8x128xf32, #tpu.memory_space<vmem>>, vector<1x2x128xf32>
    %add3A_649 = arith.addf %get3A_648, %mul3A_644 : vector<1x2x128xf32>
    %swap3A_650 = arith.index_cast %get3A_589 : i32 to index
    %swap3A_651 = arith.constant 4 : index
    %swap3A_652 = arith.constant 0 : index
    %swap3A_653 = vector.load %arg14[%swap3A_650, %swap3A_651, %swap3A_652] : memref<10000x8x128xf32, #tpu.memory_space<vmem>>, vector<1x2x128xf32>
    tpu.vector_store %arg14[%swap3A_650, %swap3A_651, %swap3A_652], %add3A_649 {strides = array<i32>} : memref<10000x8x128xf32, #tpu.memory_space<vmem>>, vector<1x2x128xf32>,
    %get3A_654 = arith.constant 0 : index
    %get3A_655 = arith.constant 6 : index
    %get3A_656 = arith.constant 0 : index
    %get3A_657 = vector.load %arg9[%get3A_654, %get3A_655, %get3A_656] : memref<1x8x128xf32, #tpu.memory_space<vmem>>, vector<1x2x128xf32>
    %slice3A_658 = vector.extract_strided_slice %div3A_601 {offsets = [0, 0, 3], sizes = [1, 1, 1], strides = [1, 1, 1]} : vector<1x1x4xf32> to vector<1x1x1xf32>
    %mul3A_659 = vector.broadcast %slice3A_658 : vector<1x1x1xf32> to vector<1x2x128xf32>
    %mul3A_660 = arith.mulf %get3A_657, %mul3A_659 : vector<1x2x128xf32>
    %get3A_661 = arith.index_cast %get3A_589 : i32 to index
    %get3A_662 = arith.constant 6 : index
    %get3A_663 = arith.constant 0 : index
    %get3A_664 = vector.load %arg14[%get3A_661, %get3A_662, %get3A_663] : memref<10000x8x128xf32, #tpu.memory_space<vmem>>, vector<1x2x128xf32>
    %add3A_665 = arith.addf %get3A_664, %mul3A_660 : vector<1x2x128xf32>
    %swap3A_666 = arith.index_cast %get3A_589 : i32 to index
    %swap3A_667 = arith.constant 6 : index
    %swap3A_668 = arith.constant 0 : index
    %swap3A_669 = vector.load %arg14[%swap3A_666, %swap3A_667, %swap3A_668] : memref<10000x8x128xf32, #tpu.memory_space<vmem>>, vector<1x2x128xf32>
    tpu.vector_store %arg14[%swap3A_666, %swap3A_667, %swap3A_668], %add3A_665 {strides = array<i32>} : memref<10000x8x128xf32, #tpu.memory_space<vmem>>, vector<1x2x128xf32>,
    return
  }
  func.func @transform_0(%arg0: i32, %arg1: memref<80000xi32, #tpu.memory_space<smem>>) -> (i32, i32, i32) {
    %mul3A = arith.constant 8 : i32
    %mul3A_0 = arith.muli %arg0, %mul3A : i32
    %add3A = arith.constant 0 : i32
    %add3A_1 = arith.addi %mul3A_0, %add3A : i32
    %get3A = arith.index_cast %add3A_1 : i32 to index
    %get3A_2 = memref.load %arg1[%get3A] : memref<80000xi32, #tpu.memory_space<smem>>
    %c0_i32 = arith.constant 0 : i32
    %c0_i32_3 = arith.constant 0 : i32
    %c0_i32_4 = arith.constant 0 : i32
    return %get3A_2, %c0_i32, %c0_i32_3 : i32, i32, i32
  }
  func.func @transform_1(%arg0: i32, %arg1: memref<80000xi32, #tpu.memory_space<smem>>) -> (i32, i32, i32) {
    %mul3A = arith.constant 8 : i32
    %mul3A_0 = arith.muli %arg0, %mul3A : i32
    %add3A = arith.constant 1 : i32
    %add3A_1 = arith.addi %mul3A_0, %add3A : i32
    %get3A = arith.index_cast %add3A_1 : i32 to index
    %get3A_2 = memref.load %arg1[%get3A] : memref<80000xi32, #tpu.memory_space<smem>>
    %c0_i32 = arith.constant 0 : i32
    %c0_i32_3 = arith.constant 0 : i32
    %c0_i32_4 = arith.constant 0 : i32
    return %get3A_2, %c0_i32, %c0_i32_3 : i32, i32, i32
  }
  func.func @transform_2(%arg0: i32, %arg1: memref<80000xi32, #tpu.memory_space<smem>>) -> (i32, i32, i32) {
    %mul3A = arith.constant 8 : i32
    %mul3A_0 = arith.muli %arg0, %mul3A : i32
    %add3A = arith.constant 2 : i32
    %add3A_1 = arith.addi %mul3A_0, %add3A : i32
    %get3A = arith.index_cast %add3A_1 : i32 to index
    %get3A_2 = memref.load %arg1[%get3A] : memref<80000xi32, #tpu.memory_space<smem>>
    %c0_i32 = arith.constant 0 : i32
    %c0_i32_3 = arith.constant 0 : i32
    %c0_i32_4 = arith.constant 0 : i32
    return %get3A_2, %c0_i32, %c0_i32_3 : i32, i32, i32
  }
  func.func @transform_3(%arg0: i32, %arg1: memref<80000xi32, #tpu.memory_space<smem>>) -> (i32, i32, i32) {
    %mul3A = arith.constant 8 : i32
    %mul3A_0 = arith.muli %arg0, %mul3A : i32
    %add3A = arith.constant 3 : i32
    %add3A_1 = arith.addi %mul3A_0, %add3A : i32
    %get3A = arith.index_cast %add3A_1 : i32 to index
    %get3A_2 = memref.load %arg1[%get3A] : memref<80000xi32, #tpu.memory_space<smem>>
    %c0_i32 = arith.constant 0 : i32
    %c0_i32_3 = arith.constant 0 : i32
    %c0_i32_4 = arith.constant 0 : i32
    return %get3A_2, %c0_i32, %c0_i32_3 : i32, i32, i32
  }
  func.func @transform_4(%arg0: i32, %arg1: memref<80000xi32, #tpu.memory_space<smem>>) -> (i32, i32, i32) {
    %mul3A = arith.constant 8 : i32
    %mul3A_0 = arith.muli %arg0, %mul3A : i32
    %add3A = arith.constant 4 : i32
    %add3A_1 = arith.addi %mul3A_0, %add3A : i32
    %get3A = arith.index_cast %add3A_1 : i32 to index
    %get3A_2 = memref.load %arg1[%get3A] : memref<80000xi32, #tpu.memory_space<smem>>
    %c0_i32 = arith.constant 0 : i32
    %c0_i32_3 = arith.constant 0 : i32
    %c0_i32_4 = arith.constant 0 : i32
    return %get3A_2, %c0_i32, %c0_i32_3 : i32, i32, i32
  }
  func.func @transform_5(%arg0: i32, %arg1: memref<80000xi32, #tpu.memory_space<smem>>) -> (i32, i32, i32) {
    %mul3A = arith.constant 8 : i32
    %mul3A_0 = arith.muli %arg0, %mul3A : i32
    %add3A = arith.constant 5 : i32
    %add3A_1 = arith.addi %mul3A_0, %add3A : i32
    %get3A = arith.index_cast %add3A_1 : i32 to index
    %get3A_2 = memref.load %arg1[%get3A] : memref<80000xi32, #tpu.memory_space<smem>>
    %c0_i32 = arith.constant 0 : i32
    %c0_i32_3 = arith.constant 0 : i32
    %c0_i32_4 = arith.constant 0 : i32
    return %get3A_2, %c0_i32, %c0_i32_3 : i32, i32, i32
  }
  func.func @transform_6(%arg0: i32, %arg1: memref<80000xi32, #tpu.memory_space<smem>>) -> (i32, i32, i32) {
    %mul3A = arith.constant 8 : i32
    %mul3A_0 = arith.muli %arg0, %mul3A : i32
    %add3A = arith.constant 6 : i32
    %add3A_1 = arith.addi %mul3A_0, %add3A : i32
    %get3A = arith.index_cast %add3A_1 : i32 to index
    %get3A_2 = memref.load %arg1[%get3A] : memref<80000xi32, #tpu.memory_space<smem>>
    %c0_i32 = arith.constant 0 : i32
    %c0_i32_3 = arith.constant 0 : i32
    %c0_i32_4 = arith.constant 0 : i32
    return %get3A_2, %c0_i32, %c0_i32_3 : i32, i32, i32
  }
  func.func @transform_7(%arg0: i32, %arg1: memref<80000xi32, #tpu.memory_space<smem>>) -> (i32, i32, i32) {
    %mul3A = arith.constant 8 : i32
    %mul3A_0 = arith.muli %arg0, %mul3A : i32
    %add3A = arith.constant 7 : i32
    %add3A_1 = arith.addi %mul3A_0, %add3A : i32
    %get3A = arith.index_cast %add3A_1 : i32 to index
    %get3A_2 = memref.load %arg1[%get3A] : memref<80000xi32, #tpu.memory_space<smem>>
    %c0_i32 = arith.constant 0 : i32
    %c0_i32_3 = arith.constant 0 : i32
    %c0_i32_4 = arith.constant 0 : i32
    return %get3A_2, %c0_i32, %c0_i32_3 : i32, i32, i32
  }
  func.func @transform_8(%arg0: i32, %arg1: memref<80000xi32, #tpu.memory_space<smem>>) -> i32 {
    %c0_i32 = arith.constant 0 : i32
    %c0_i32_0 = arith.constant 0 : i32
    return %c0_i32 : i32
  }
  func.func @transform_9(%arg0: i32, %arg1: memref<80000xi32, #tpu.memory_space<smem>>) -> (i32, i32, i32) {
    %c0_i32 = arith.constant 0 : i32
    %c0_i32_0 = arith.constant 0 : i32
    %c0_i32_1 = arith.constant 0 : i32
    return %arg0, %c0_i32, %c0_i32_0 : i32, i32, i32
  }
  func.func @transform_10(%arg0: i32, %arg1: memref<80000xi32, #tpu.memory_space<smem>>) -> (i32, i32, i32) {
    %c0_i32 = arith.constant 0 : i32
    %c0_i32_0 = arith.constant 0 : i32
    %c0_i32_1 = arith.constant 0 : i32
    %c0_i32_2 = arith.constant 0 : i32
    return %c0_i32, %c0_i32_0, %c0_i32_1 : i32, i32, i32
  }
  func.func @transform_11(%arg0: i32, %arg1: memref<80000xi32, #tpu.memory_space<smem>>) -> (i32, i32, i32) {
    %c0_i32 = arith.constant 0 : i32
    %c0_i32_0 = arith.constant 0 : i32
    %c0_i32_1 = arith.constant 0 : i32
    return %arg0, %c0_i32, %c0_i32_0 : i32, i32, i32
  }
  func.func @transform_12(%arg0: i32, %arg1: memref<80000xi32, #tpu.memory_space<smem>>) -> (i32, i32, i32) {
    %c0_i32 = arith.constant 0 : i32
    %c0_i32_0 = arith.constant 0 : i32
    %c0_i32_1 = arith.constant 0 : i32
    %c0_i32_2 = arith.constant 0 : i32
    return %c0_i32, %c0_i32_0, %c0_i32_1 : i32, i32, i32
  }
}

module attributes {stable_mosaic.version = 14 : i64} {
  func.func @_dense2_body(%arg0: i32, %arg1: memref<400x1024xf32, #tpu.memory_space<vmem>>, %arg2: memref<400x1024xf32, #tpu.memory_space<vmem>>, %arg3: memref<400x1024xf32, #tpu.memory_space<vmem>>, %arg4: memref<400x1024xf32, #tpu.memory_space<vmem>>, %arg5: memref<400x1024xf32, #tpu.memory_space<vmem>>, %arg6: memref<1024x256xf32, #tpu.memory_space<vmem>>, %arg7: memref<1024x256xf32, #tpu.memory_space<vmem>>, %arg8: memref<1x256xf32, #tpu.memory_space<vmem>>, %arg9: memref<1x256xf32, #tpu.memory_space<vmem>>, %arg10: memref<1x256xf32, #tpu.memory_space<vmem>>, %arg11: memref<400x256xf32, #tpu.memory_space<vmem>>, %arg12: memref<400x1xf32, #tpu.memory_space<vmem>>, %arg13: memref<400x1xf32, #tpu.memory_space<vmem>>, %arg14: memref<400x256xf32, #tpu.memory_space<vmem>>) attributes {dimension_semantics = [#tpu.dimension_semantics<arbitrary>], iteration_bounds = array<i64: 25>, scalar_prefetch = 0 : i64, scratch_operands = 0 : i64, tpu.core_type = #tpu.core_type<tc>, window_params = [{transform_indices = @transform_0, window_bounds = array<i64: 400, 1024>}, {transform_indices = @transform_1, window_bounds = array<i64: 400, 1024>}, {transform_indices = @transform_2, window_bounds = array<i64: 400, 1024>}, {transform_indices = @transform_3, window_bounds = array<i64: 400, 1024>}, {transform_indices = @transform_4, window_bounds = array<i64: 400, 1024>}, {pipeline_mode = #tpu.pipeline_mode<synchronous>, transform_indices = @transform_5, window_bounds = array<i64: 1024, 256>}, {pipeline_mode = #tpu.pipeline_mode<synchronous>, transform_indices = @transform_6, window_bounds = array<i64: 1024, 256>}, {pipeline_mode = #tpu.pipeline_mode<synchronous>, transform_indices = @transform_7, window_bounds = array<i64: 1, 256>}, {pipeline_mode = #tpu.pipeline_mode<synchronous>, transform_indices = @transform_8, window_bounds = array<i64: 1, 256>}, {pipeline_mode = #tpu.pipeline_mode<synchronous>, transform_indices = @transform_9, window_bounds = array<i64: 1, 256>}, {transform_indices = @transform_10, window_bounds = array<i64: 400, 256>}, {transform_indices = @transform_11, window_bounds = array<i64: 400, 1>}, {transform_indices = @transform_12, window_bounds = array<i64: 400, 1>}, {transform_indices = @transform_13, window_bounds = array<i64: 400, 256>}]} {
    %get3A = arith.constant 0 : index
    %get3A_0 = arith.constant 0 : index
    %get3A_1 = vector.load %arg1[%get3A, %get3A_0] : memref<400x1024xf32, #tpu.memory_space<vmem>>, vector<400x1024xf32>
    %get3A_2 = arith.constant 0 : index
    %get3A_3 = arith.constant 0 : index
    %get3A_4 = vector.load %arg2[%get3A_2, %get3A_3] : memref<400x1024xf32, #tpu.memory_space<vmem>>, vector<400x1024xf32>
    %add3A = arith.addf %get3A_1, %get3A_4 : vector<400x1024xf32>
    %get3A_5 = arith.constant 0 : index
    %get3A_6 = arith.constant 0 : index
    %get3A_7 = vector.load %arg3[%get3A_5, %get3A_6] : memref<400x1024xf32, #tpu.memory_space<vmem>>, vector<400x1024xf32>
    %add3A_8 = arith.addf %add3A, %get3A_7 : vector<400x1024xf32>
    %get3A_9 = arith.constant 0 : index
    %get3A_10 = arith.constant 0 : index
    %get3A_11 = vector.load %arg4[%get3A_9, %get3A_10] : memref<400x1024xf32, #tpu.memory_space<vmem>>, vector<400x1024xf32>
    %add3A_12 = arith.addf %add3A_8, %get3A_11 : vector<400x1024xf32>
    %get3A_13 = arith.constant 0 : index
    %get3A_14 = arith.constant 0 : index
    %get3A_15 = vector.load %arg5[%get3A_13, %get3A_14] : memref<400x1024xf32, #tpu.memory_space<vmem>>, vector<400x1024xf32>
    %add3A_16 = arith.addf %add3A_12, %get3A_15 : vector<400x1024xf32>
    %gt3A = arith.constant 0.000000e+00 : f32
    %gt3A_17 = vector.broadcast %gt3A : f32 to vector<400x1024xf32>
    %gt3A_18 = arith.cmpf ogt, %add3A_16, %gt3A_17 : vector<400x1024xf32>
    %min3A = arith.constant 0.000000e+00 : f32
    %min3A_19 = vector.broadcast %min3A : f32 to vector<400x1024xf32>
    %min3A_20 = arith.minimumf %add3A_16, %min3A_19 : vector<400x1024xf32>
    %exp3A = math.exp %min3A_20 : vector<400x1024xf32>
    %sub3A = arith.constant 1.000000e+00 : f32
    %sub3A_21 = vector.broadcast %sub3A : f32 to vector<400x1024xf32>
    %sub3A_22 = arith.subf %exp3A, %sub3A_21 : vector<400x1024xf32>
    %select_n3A = arith.select %gt3A_18, %add3A_16, %sub3A_22 : vector<400x1024xi1>, vector<400x1024xf32>
    %get3A_23 = arith.constant 0 : index
    %get3A_24 = arith.constant 0 : index
    %get3A_25 = vector.load %arg6[%get3A_23, %get3A_24] : memref<1024x256xf32, #tpu.memory_space<vmem>>, vector<1024x256xf32>
    %dot_general3A = arith.constant dense<0.000000e+00> : vector<400x256xf32>
    %dot_general3A_26 = tpu.matmul %select_n3A, %get3A_25, %dot_general3A {dimension_numbers = #tpu.dot_dimension_numbers<[1], [0], [0], [1], [0, 0, 1, 1], [], []>, transpose_lhs_hint = false} : vector<400x1024xf32>, vector<1024x256xf32>, vector<400x256xf32> -> vector<400x256xf32>
    %swap3A = arith.constant 0 : index
    %swap3A_27 = arith.constant 0 : index
    %swap3A_28 = vector.load %arg11[%swap3A, %swap3A_27] : memref<400x256xf32, #tpu.memory_space<vmem>>, vector<400x256xf32>
    tpu.vector_store %arg11[%swap3A, %swap3A_27], %dot_general3A_26 {strides = array<i32>} : memref<400x256xf32, #tpu.memory_space<vmem>>, vector<400x256xf32>,
    %get3A_29 = arith.constant 0 : index
    %get3A_30 = arith.constant 0 : index
    %get3A_31 = vector.load %arg7[%get3A_29, %get3A_30] : memref<1024x256xf32, #tpu.memory_space<vmem>>, vector<1024x256xf32>
    %dot_general3A_32 = arith.constant dense<0.000000e+00> : vector<400x256xf32>
    %dot_general3A_33 = tpu.matmul %select_n3A, %get3A_31, %dot_general3A_32 {dimension_numbers = #tpu.dot_dimension_numbers<[1], [0], [0], [1], [0, 0, 1, 1], [], []>, transpose_lhs_hint = false} : vector<400x1024xf32>, vector<1024x256xf32>, vector<400x256xf32> -> vector<400x256xf32>
    %get3A_34 = arith.constant 0 : index
    %get3A_35 = arith.constant 0 : index
    %get3A_36 = vector.load %arg10[%get3A_34, %get3A_35] : memref<1x256xf32, #tpu.memory_space<vmem>>, vector<1x256xf32>
    %add3A_37 = vector.broadcast %get3A_36 : vector<1x256xf32> to vector<400x256xf32>
    %add3A_38 = arith.addf %dot_general3A_33, %add3A_37 : vector<400x256xf32>
    %swap3A_39 = arith.constant 0 : index
    %swap3A_40 = arith.constant 0 : index
    %swap3A_41 = vector.load %arg14[%swap3A_39, %swap3A_40] : memref<400x256xf32, #tpu.memory_space<vmem>>, vector<400x256xf32>
    tpu.vector_store %arg14[%swap3A_39, %swap3A_40], %add3A_38 {strides = array<i32>} : memref<400x256xf32, #tpu.memory_space<vmem>>, vector<400x256xf32>,
    %get3A_42 = arith.constant 0 : index
    %get3A_43 = arith.constant 0 : index
    %get3A_44 = vector.load %arg8[%get3A_42, %get3A_43] : memref<1x256xf32, #tpu.memory_space<vmem>>, vector<1x256xf32>
    %mul3A = vector.broadcast %get3A_44 : vector<1x256xf32> to vector<400x256xf32>
    %mul3A_45 = arith.mulf %dot_general3A_26, %mul3A : vector<400x256xf32>
    %reduce_sum3A = arith.constant dense<0.000000e+00> : vector<400xf32>
    %reduce_sum3A_46 = vector.multi_reduction <add>, %mul3A_45, %reduce_sum3A [1] : vector<400x256xf32> to vector<400xf32>
    %broadcast_in_dim3A = vector.shape_cast %reduce_sum3A_46 : vector<400xf32> to vector<400x1xf32>
    %swap3A_47 = arith.constant 0 : index
    %swap3A_48 = arith.constant 0 : index
    %swap3A_49 = vector.load %arg12[%swap3A_47, %swap3A_48] : memref<400x1xf32, #tpu.memory_space<vmem>>, vector<400x1xf32>
    tpu.vector_store %arg12[%swap3A_47, %swap3A_48], %broadcast_in_dim3A {strides = array<i32>} : memref<400x1xf32, #tpu.memory_space<vmem>>, vector<400x1xf32>,
    %get3A_50 = arith.constant 0 : index
    %get3A_51 = arith.constant 0 : index
    %get3A_52 = vector.load %arg9[%get3A_50, %get3A_51] : memref<1x256xf32, #tpu.memory_space<vmem>>, vector<1x256xf32>
    %mul3A_53 = vector.broadcast %get3A_52 : vector<1x256xf32> to vector<400x256xf32>
    %mul3A_54 = arith.mulf %dot_general3A_26, %mul3A_53 : vector<400x256xf32>
    %reduce_sum3A_55 = arith.constant dense<0.000000e+00> : vector<400xf32>
    %reduce_sum3A_56 = vector.multi_reduction <add>, %mul3A_54, %reduce_sum3A_55 [1] : vector<400x256xf32> to vector<400xf32>
    %broadcast_in_dim3A_57 = vector.shape_cast %reduce_sum3A_56 : vector<400xf32> to vector<400x1xf32>
    %swap3A_58 = arith.constant 0 : index
    %swap3A_59 = arith.constant 0 : index
    %swap3A_60 = vector.load %arg13[%swap3A_58, %swap3A_59] : memref<400x1xf32, #tpu.memory_space<vmem>>, vector<400x1xf32>
    tpu.vector_store %arg13[%swap3A_58, %swap3A_59], %broadcast_in_dim3A_57 {strides = array<i32>} : memref<400x1xf32, #tpu.memory_space<vmem>>, vector<400x1xf32>,
    return
  }
  func.func @transform_0(%arg0: i32) -> (i32, i32) {
    %c0_i32 = arith.constant 0 : i32
    %c0_i32_0 = arith.constant 0 : i32
    return %arg0, %c0_i32 : i32, i32
  }
  func.func @transform_1(%arg0: i32) -> (i32, i32) {
    %c0_i32 = arith.constant 0 : i32
    %c0_i32_0 = arith.constant 0 : i32
    return %arg0, %c0_i32 : i32, i32
  }
  func.func @transform_2(%arg0: i32) -> (i32, i32) {
    %c0_i32 = arith.constant 0 : i32
    %c0_i32_0 = arith.constant 0 : i32
    return %arg0, %c0_i32 : i32, i32
  }
  func.func @transform_3(%arg0: i32) -> (i32, i32) {
    %c0_i32 = arith.constant 0 : i32
    %c0_i32_0 = arith.constant 0 : i32
    return %arg0, %c0_i32 : i32, i32
  }
  func.func @transform_4(%arg0: i32) -> (i32, i32) {
    %c0_i32 = arith.constant 0 : i32
    %c0_i32_0 = arith.constant 0 : i32
    return %arg0, %c0_i32 : i32, i32
  }
  func.func @transform_5(%arg0: i32) -> (i32, i32) {
    %c0_i32 = arith.constant 0 : i32
    %c0_i32_0 = arith.constant 0 : i32
    %c0_i32_1 = arith.constant 0 : i32
    return %c0_i32, %c0_i32_0 : i32, i32
  }
  func.func @transform_6(%arg0: i32) -> (i32, i32) {
    %c0_i32 = arith.constant 0 : i32
    %c0_i32_0 = arith.constant 0 : i32
    %c0_i32_1 = arith.constant 0 : i32
    return %c0_i32, %c0_i32_0 : i32, i32
  }
  func.func @transform_7(%arg0: i32) -> (i32, i32) {
    %c0_i32 = arith.constant 0 : i32
    %c0_i32_0 = arith.constant 0 : i32
    %c0_i32_1 = arith.constant 0 : i32
    return %c0_i32, %c0_i32_0 : i32, i32
  }
  func.func @transform_8(%arg0: i32) -> (i32, i32) {
    %c0_i32 = arith.constant 0 : i32
    %c0_i32_0 = arith.constant 0 : i32
    %c0_i32_1 = arith.constant 0 : i32
    return %c0_i32, %c0_i32_0 : i32, i32
  }
  func.func @transform_9(%arg0: i32) -> (i32, i32) {
    %c0_i32 = arith.constant 0 : i32
    %c0_i32_0 = arith.constant 0 : i32
    %c0_i32_1 = arith.constant 0 : i32
    return %c0_i32, %c0_i32_0 : i32, i32
  }
  func.func @transform_10(%arg0: i32) -> (i32, i32) {
    %c0_i32 = arith.constant 0 : i32
    %c0_i32_0 = arith.constant 0 : i32
    return %arg0, %c0_i32 : i32, i32
  }
  func.func @transform_11(%arg0: i32) -> (i32, i32) {
    %c0_i32 = arith.constant 0 : i32
    %c0_i32_0 = arith.constant 0 : i32
    return %arg0, %c0_i32 : i32, i32
  }
  func.func @transform_12(%arg0: i32) -> (i32, i32) {
    %c0_i32 = arith.constant 0 : i32
    %c0_i32_0 = arith.constant 0 : i32
    return %arg0, %c0_i32 : i32, i32
  }
  func.func @transform_13(%arg0: i32) -> (i32, i32) {
    %c0_i32 = arith.constant 0 : i32
    %c0_i32_0 = arith.constant 0 : i32
    return %arg0, %c0_i32 : i32, i32
  }
}

module attributes {stable_mosaic.version = 14 : i64} {
  func.func @_edge_weight_body(%arg0: i32, %arg1: memref<80000xi32, #tpu.memory_space<smem>>, %arg2: memref<80000xi32, #tpu.memory_space<smem>>, %arg3: memref<10000x1x1xf32, #tpu.memory_space<vmem>>, %arg4: memref<10000x1x1xf32, #tpu.memory_space<vmem>>, %arg5: memref<16x1x1xf32, #tpu.memory_space<vmem>>, %arg6: memref<10000x1x1xf32, #tpu.memory_space<vmem>>) attributes {dimension_semantics = [#tpu.dimension_semantics<arbitrary>], iteration_bounds = array<i64: 5000>, scalar_prefetch = 0 : i64, scratch_operands = 0 : i64, tpu.core_type = #tpu.core_type<tc>, window_params = [{transform_indices = @transform_0, window_bounds = array<i64: 80000>}, {transform_indices = @transform_1, window_bounds = array<i64: 80000>}, {pipeline_mode = #tpu.pipeline_mode<synchronous>, transform_indices = @transform_2, window_bounds = array<i64: 10000, 1, 1>}, {pipeline_mode = #tpu.pipeline_mode<synchronous>, transform_indices = @transform_3, window_bounds = array<i64: 10000, 1, 1>}, {transform_indices = @transform_4, window_bounds = array<i64: 16, 1, 1>}, {pipeline_mode = #tpu.pipeline_mode<synchronous>, transform_indices = @transform_5, window_bounds = array<i64: 10000, 1, 1>}]} {
    %eq3A = arith.constant 0 : i32
    %eq3A_0 = arith.cmpi eq, %arg0, %eq3A : i32
    %convert_element_type3A = arith.extui %eq3A_0 : i1 to i32
    %cond3A = arith.constant 0 : i32
    %cond3A_1 = arith.cmpi ne, %convert_element_type3A, %cond3A : i32
    scf.if %cond3A_1 {
      %broadcast_in_dim3A = arith.constant 0.000000e+00 : f32
      %broadcast_in_dim3A_605 = vector.broadcast %broadcast_in_dim3A : f32 to vector<10000x1x1xf32>
      %swap3A_606 = arith.constant 0 : index
      %swap3A_607 = arith.constant 0 : index
      %swap3A_608 = arith.constant 0 : index
      %swap3A_609 = vector.load %arg6[%swap3A_606, %swap3A_607, %swap3A_608] : memref<10000x1x1xf32, #tpu.memory_space<vmem>>, vector<10000x1x1xf32>
      tpu.vector_store %arg6[%swap3A_606, %swap3A_607, %swap3A_608], %broadcast_in_dim3A_605 {strides = array<i32>} : memref<10000x1x1xf32, #tpu.memory_space<vmem>>, vector<10000x1x1xf32>,
    } else {
    }
    %mul3A = arith.constant 16 : i32
    %mul3A_2 = arith.muli %arg0, %mul3A : i32
    %add3A = arith.constant 0 : i32
    %add3A_3 = arith.addi %mul3A_2, %add3A : i32
    %get3A = arith.index_cast %add3A_3 : i32 to index
    %get3A_4 = memref.load %arg1[%get3A] : memref<80000xi32, #tpu.memory_space<smem>>
    %add3A_5 = arith.constant 0 : i32
    %add3A_6 = arith.addi %mul3A_2, %add3A_5 : i32
    %get3A_7 = arith.index_cast %add3A_6 : i32 to index
    %get3A_8 = memref.load %arg2[%get3A_7] : memref<80000xi32, #tpu.memory_space<smem>>
    %get3A_9 = arith.index_cast %get3A_4 : i32 to index
    %get3A_10 = arith.constant 0 : index
    %get3A_11 = arith.constant 0 : index
    %get3A_12 = vector.load %arg3[%get3A_9, %get3A_10, %get3A_11] : memref<10000x1x1xf32, #tpu.memory_space<vmem>>, vector<1x1x1xf32>
    %get3A_13 = arith.index_cast %get3A_8 : i32 to index
    %get3A_14 = arith.constant 0 : index
    %get3A_15 = arith.constant 0 : index
    %get3A_16 = vector.load %arg4[%get3A_13, %get3A_14, %get3A_15] : memref<10000x1x1xf32, #tpu.memory_space<vmem>>, vector<1x1x1xf32>
    %add3A_17 = arith.addf %get3A_12, %get3A_16 : vector<1x1x1xf32>
    %ge3A = arith.constant 0.000000e+00 : f32
    %ge3A_18 = vector.broadcast %ge3A : f32 to vector<1x1x1xf32>
    %ge3A_19 = arith.cmpf oge, %add3A_17, %ge3A_18 : vector<1x1x1xf32>
    %mul3A_20 = arith.constant 2.000000e-01 : f32
    %mul3A_21 = vector.broadcast %mul3A_20 : f32 to vector<1x1x1xf32>
    %mul3A_22 = arith.mulf %mul3A_21, %add3A_17 : vector<1x1x1xf32>
    %select_n3A = arith.select %ge3A_19, %add3A_17, %mul3A_22 : vector<1x1x1xi1>, vector<1x1x1xf32>
    %exp3A = math.exp %select_n3A : vector<1x1x1xf32>
    %swap3A = arith.constant 0 : index
    %swap3A_23 = arith.constant 0 : index
    %swap3A_24 = arith.constant 0 : index
    %swap3A_25 = vector.load %arg5[%swap3A, %swap3A_23, %swap3A_24] : memref<16x1x1xf32, #tpu.memory_space<vmem>>, vector<1x1x1xf32>
    tpu.vector_store %arg5[%swap3A, %swap3A_23, %swap3A_24], %exp3A {strides = array<i32>} : memref<16x1x1xf32, #tpu.memory_space<vmem>>, vector<1x1x1xf32>,
    %get3A_26 = arith.index_cast %get3A_8 : i32 to index
    %get3A_27 = arith.constant 0 : index
    %get3A_28 = arith.constant 0 : index
    %get3A_29 = vector.load %arg6[%get3A_26, %get3A_27, %get3A_28] : memref<10000x1x1xf32, #tpu.memory_space<vmem>>, vector<1x1x1xf32>
    %add3A_30 = arith.addf %get3A_29, %exp3A : vector<1x1x1xf32>
    %swap3A_31 = arith.index_cast %get3A_8 : i32 to index
    %swap3A_32 = arith.constant 0 : index
    %swap3A_33 = arith.constant 0 : index
    %swap3A_34 = vector.load %arg6[%swap3A_31, %swap3A_32, %swap3A_33] : memref<10000x1x1xf32, #tpu.memory_space<vmem>>, vector<1x1x1xf32>
    tpu.vector_store %arg6[%swap3A_31, %swap3A_32, %swap3A_33], %add3A_30 {strides = array<i32>} : memref<10000x1x1xf32, #tpu.memory_space<vmem>>, vector<1x1x1xf32>,
    %add3A_35 = arith.constant 1 : i32
    %add3A_36 = arith.addi %mul3A_2, %add3A_35 : i32
    %get3A_37 = arith.index_cast %add3A_36 : i32 to index
    %get3A_38 = memref.load %arg1[%get3A_37] : memref<80000xi32, #tpu.memory_space<smem>>
    %add3A_39 = arith.constant 1 : i32
    %add3A_40 = arith.addi %mul3A_2, %add3A_39 : i32
    %get3A_41 = arith.index_cast %add3A_40 : i32 to index
    %get3A_42 = memref.load %arg2[%get3A_41] : memref<80000xi32, #tpu.memory_space<smem>>
    %get3A_43 = arith.index_cast %get3A_38 : i32 to index
    %get3A_44 = arith.constant 0 : index
    %get3A_45 = arith.constant 0 : index
    %get3A_46 = vector.load %arg3[%get3A_43, %get3A_44, %get3A_45] : memref<10000x1x1xf32, #tpu.memory_space<vmem>>, vector<1x1x1xf32>
    %get3A_47 = arith.index_cast %get3A_42 : i32 to index
    %get3A_48 = arith.constant 0 : index
    %get3A_49 = arith.constant 0 : index
    %get3A_50 = vector.load %arg4[%get3A_47, %get3A_48, %get3A_49] : memref<10000x1x1xf32, #tpu.memory_space<vmem>>, vector<1x1x1xf32>
    %add3A_51 = arith.addf %get3A_46, %get3A_50 : vector<1x1x1xf32>
    %ge3A_52 = arith.constant 0.000000e+00 : f32
    %ge3A_53 = vector.broadcast %ge3A_52 : f32 to vector<1x1x1xf32>
    %ge3A_54 = arith.cmpf oge, %add3A_51, %ge3A_53 : vector<1x1x1xf32>
    %mul3A_55 = arith.constant 2.000000e-01 : f32
    %mul3A_56 = vector.broadcast %mul3A_55 : f32 to vector<1x1x1xf32>
    %mul3A_57 = arith.mulf %mul3A_56, %add3A_51 : vector<1x1x1xf32>
    %select_n3A_58 = arith.select %ge3A_54, %add3A_51, %mul3A_57 : vector<1x1x1xi1>, vector<1x1x1xf32>
    %exp3A_59 = math.exp %select_n3A_58 : vector<1x1x1xf32>
    %swap3A_60 = arith.constant 1 : index
    %swap3A_61 = arith.constant 0 : index
    %swap3A_62 = arith.constant 0 : index
    %swap3A_63 = vector.load %arg5[%swap3A_60, %swap3A_61, %swap3A_62] : memref<16x1x1xf32, #tpu.memory_space<vmem>>, vector<1x1x1xf32>
    tpu.vector_store %arg5[%swap3A_60, %swap3A_61, %swap3A_62], %exp3A_59 {strides = array<i32>} : memref<16x1x1xf32, #tpu.memory_space<vmem>>, vector<1x1x1xf32>,
    %get3A_64 = arith.index_cast %get3A_42 : i32 to index
    %get3A_65 = arith.constant 0 : index
    %get3A_66 = arith.constant 0 : index
    %get3A_67 = vector.load %arg6[%get3A_64, %get3A_65, %get3A_66] : memref<10000x1x1xf32, #tpu.memory_space<vmem>>, vector<1x1x1xf32>
    %add3A_68 = arith.addf %get3A_67, %exp3A_59 : vector<1x1x1xf32>
    %swap3A_69 = arith.index_cast %get3A_42 : i32 to index
    %swap3A_70 = arith.constant 0 : index
    %swap3A_71 = arith.constant 0 : index
    %swap3A_72 = vector.load %arg6[%swap3A_69, %swap3A_70, %swap3A_71] : memref<10000x1x1xf32, #tpu.memory_space<vmem>>, vector<1x1x1xf32>
    tpu.vector_store %arg6[%swap3A_69, %swap3A_70, %swap3A_71], %add3A_68 {strides = array<i32>} : memref<10000x1x1xf32, #tpu.memory_space<vmem>>, vector<1x1x1xf32>,
    %add3A_73 = arith.constant 2 : i32
    %add3A_74 = arith.addi %mul3A_2, %add3A_73 : i32
    %get3A_75 = arith.index_cast %add3A_74 : i32 to index
    %get3A_76 = memref.load %arg1[%get3A_75] : memref<80000xi32, #tpu.memory_space<smem>>
    %add3A_77 = arith.constant 2 : i32
    %add3A_78 = arith.addi %mul3A_2, %add3A_77 : i32
    %get3A_79 = arith.index_cast %add3A_78 : i32 to index
    %get3A_80 = memref.load %arg2[%get3A_79] : memref<80000xi32, #tpu.memory_space<smem>>
    %get3A_81 = arith.index_cast %get3A_76 : i32 to index
    %get3A_82 = arith.constant 0 : index
    %get3A_83 = arith.constant 0 : index
    %get3A_84 = vector.load %arg3[%get3A_81, %get3A_82, %get3A_83] : memref<10000x1x1xf32, #tpu.memory_space<vmem>>, vector<1x1x1xf32>
    %get3A_85 = arith.index_cast %get3A_80 : i32 to index
    %get3A_86 = arith.constant 0 : index
    %get3A_87 = arith.constant 0 : index
    %get3A_88 = vector.load %arg4[%get3A_85, %get3A_86, %get3A_87] : memref<10000x1x1xf32, #tpu.memory_space<vmem>>, vector<1x1x1xf32>
    %add3A_89 = arith.addf %get3A_84, %get3A_88 : vector<1x1x1xf32>
    %ge3A_90 = arith.constant 0.000000e+00 : f32
    %ge3A_91 = vector.broadcast %ge3A_90 : f32 to vector<1x1x1xf32>
    %ge3A_92 = arith.cmpf oge, %add3A_89, %ge3A_91 : vector<1x1x1xf32>
    %mul3A_93 = arith.constant 2.000000e-01 : f32
    %mul3A_94 = vector.broadcast %mul3A_93 : f32 to vector<1x1x1xf32>
    %mul3A_95 = arith.mulf %mul3A_94, %add3A_89 : vector<1x1x1xf32>
    %select_n3A_96 = arith.select %ge3A_92, %add3A_89, %mul3A_95 : vector<1x1x1xi1>, vector<1x1x1xf32>
    %exp3A_97 = math.exp %select_n3A_96 : vector<1x1x1xf32>
    %swap3A_98 = arith.constant 2 : index
    %swap3A_99 = arith.constant 0 : index
    %swap3A_100 = arith.constant 0 : index
    %swap3A_101 = vector.load %arg5[%swap3A_98, %swap3A_99, %swap3A_100] : memref<16x1x1xf32, #tpu.memory_space<vmem>>, vector<1x1x1xf32>
    tpu.vector_store %arg5[%swap3A_98, %swap3A_99, %swap3A_100], %exp3A_97 {strides = array<i32>} : memref<16x1x1xf32, #tpu.memory_space<vmem>>, vector<1x1x1xf32>,
    %get3A_102 = arith.index_cast %get3A_80 : i32 to index
    %get3A_103 = arith.constant 0 : index
    %get3A_104 = arith.constant 0 : index
    %get3A_105 = vector.load %arg6[%get3A_102, %get3A_103, %get3A_104] : memref<10000x1x1xf32, #tpu.memory_space<vmem>>, vector<1x1x1xf32>
    %add3A_106 = arith.addf %get3A_105, %exp3A_97 : vector<1x1x1xf32>
    %swap3A_107 = arith.index_cast %get3A_80 : i32 to index
    %swap3A_108 = arith.constant 0 : index
    %swap3A_109 = arith.constant 0 : index
    %swap3A_110 = vector.load %arg6[%swap3A_107, %swap3A_108, %swap3A_109] : memref<10000x1x1xf32, #tpu.memory_space<vmem>>, vector<1x1x1xf32>
    tpu.vector_store %arg6[%swap3A_107, %swap3A_108, %swap3A_109], %add3A_106 {strides = array<i32>} : memref<10000x1x1xf32, #tpu.memory_space<vmem>>, vector<1x1x1xf32>,
    %add3A_111 = arith.constant 3 : i32
    %add3A_112 = arith.addi %mul3A_2, %add3A_111 : i32
    %get3A_113 = arith.index_cast %add3A_112 : i32 to index
    %get3A_114 = memref.load %arg1[%get3A_113] : memref<80000xi32, #tpu.memory_space<smem>>
    %add3A_115 = arith.constant 3 : i32
    %add3A_116 = arith.addi %mul3A_2, %add3A_115 : i32
    %get3A_117 = arith.index_cast %add3A_116 : i32 to index
    %get3A_118 = memref.load %arg2[%get3A_117] : memref<80000xi32, #tpu.memory_space<smem>>
    %get3A_119 = arith.index_cast %get3A_114 : i32 to index
    %get3A_120 = arith.constant 0 : index
    %get3A_121 = arith.constant 0 : index
    %get3A_122 = vector.load %arg3[%get3A_119, %get3A_120, %get3A_121] : memref<10000x1x1xf32, #tpu.memory_space<vmem>>, vector<1x1x1xf32>
    %get3A_123 = arith.index_cast %get3A_118 : i32 to index
    %get3A_124 = arith.constant 0 : index
    %get3A_125 = arith.constant 0 : index
    %get3A_126 = vector.load %arg4[%get3A_123, %get3A_124, %get3A_125] : memref<10000x1x1xf32, #tpu.memory_space<vmem>>, vector<1x1x1xf32>
    %add3A_127 = arith.addf %get3A_122, %get3A_126 : vector<1x1x1xf32>
    %ge3A_128 = arith.constant 0.000000e+00 : f32
    %ge3A_129 = vector.broadcast %ge3A_128 : f32 to vector<1x1x1xf32>
    %ge3A_130 = arith.cmpf oge, %add3A_127, %ge3A_129 : vector<1x1x1xf32>
    %mul3A_131 = arith.constant 2.000000e-01 : f32
    %mul3A_132 = vector.broadcast %mul3A_131 : f32 to vector<1x1x1xf32>
    %mul3A_133 = arith.mulf %mul3A_132, %add3A_127 : vector<1x1x1xf32>
    %select_n3A_134 = arith.select %ge3A_130, %add3A_127, %mul3A_133 : vector<1x1x1xi1>, vector<1x1x1xf32>
    %exp3A_135 = math.exp %select_n3A_134 : vector<1x1x1xf32>
    %swap3A_136 = arith.constant 3 : index
    %swap3A_137 = arith.constant 0 : index
    %swap3A_138 = arith.constant 0 : index
    %swap3A_139 = vector.load %arg5[%swap3A_136, %swap3A_137, %swap3A_138] : memref<16x1x1xf32, #tpu.memory_space<vmem>>, vector<1x1x1xf32>
    tpu.vector_store %arg5[%swap3A_136, %swap3A_137, %swap3A_138], %exp3A_135 {strides = array<i32>} : memref<16x1x1xf32, #tpu.memory_space<vmem>>, vector<1x1x1xf32>,
    %get3A_140 = arith.index_cast %get3A_118 : i32 to index
    %get3A_141 = arith.constant 0 : index
    %get3A_142 = arith.constant 0 : index
    %get3A_143 = vector.load %arg6[%get3A_140, %get3A_141, %get3A_142] : memref<10000x1x1xf32, #tpu.memory_space<vmem>>, vector<1x1x1xf32>
    %add3A_144 = arith.addf %get3A_143, %exp3A_135 : vector<1x1x1xf32>
    %swap3A_145 = arith.index_cast %get3A_118 : i32 to index
    %swap3A_146 = arith.constant 0 : index
    %swap3A_147 = arith.constant 0 : index
    %swap3A_148 = vector.load %arg6[%swap3A_145, %swap3A_146, %swap3A_147] : memref<10000x1x1xf32, #tpu.memory_space<vmem>>, vector<1x1x1xf32>
    tpu.vector_store %arg6[%swap3A_145, %swap3A_146, %swap3A_147], %add3A_144 {strides = array<i32>} : memref<10000x1x1xf32, #tpu.memory_space<vmem>>, vector<1x1x1xf32>,
    %add3A_149 = arith.constant 4 : i32
    %add3A_150 = arith.addi %mul3A_2, %add3A_149 : i32
    %get3A_151 = arith.index_cast %add3A_150 : i32 to index
    %get3A_152 = memref.load %arg1[%get3A_151] : memref<80000xi32, #tpu.memory_space<smem>>
    %add3A_153 = arith.constant 4 : i32
    %add3A_154 = arith.addi %mul3A_2, %add3A_153 : i32
    %get3A_155 = arith.index_cast %add3A_154 : i32 to index
    %get3A_156 = memref.load %arg2[%get3A_155] : memref<80000xi32, #tpu.memory_space<smem>>
    %get3A_157 = arith.index_cast %get3A_152 : i32 to index
    %get3A_158 = arith.constant 0 : index
    %get3A_159 = arith.constant 0 : index
    %get3A_160 = vector.load %arg3[%get3A_157, %get3A_158, %get3A_159] : memref<10000x1x1xf32, #tpu.memory_space<vmem>>, vector<1x1x1xf32>
    %get3A_161 = arith.index_cast %get3A_156 : i32 to index
    %get3A_162 = arith.constant 0 : index
    %get3A_163 = arith.constant 0 : index
    %get3A_164 = vector.load %arg4[%get3A_161, %get3A_162, %get3A_163] : memref<10000x1x1xf32, #tpu.memory_space<vmem>>, vector<1x1x1xf32>
    %add3A_165 = arith.addf %get3A_160, %get3A_164 : vector<1x1x1xf32>
    %ge3A_166 = arith.constant 0.000000e+00 : f32
    %ge3A_167 = vector.broadcast %ge3A_166 : f32 to vector<1x1x1xf32>
    %ge3A_168 = arith.cmpf oge, %add3A_165, %ge3A_167 : vector<1x1x1xf32>
    %mul3A_169 = arith.constant 2.000000e-01 : f32
    %mul3A_170 = vector.broadcast %mul3A_169 : f32 to vector<1x1x1xf32>
    %mul3A_171 = arith.mulf %mul3A_170, %add3A_165 : vector<1x1x1xf32>
    %select_n3A_172 = arith.select %ge3A_168, %add3A_165, %mul3A_171 : vector<1x1x1xi1>, vector<1x1x1xf32>
    %exp3A_173 = math.exp %select_n3A_172 : vector<1x1x1xf32>
    %swap3A_174 = arith.constant 4 : index
    %swap3A_175 = arith.constant 0 : index
    %swap3A_176 = arith.constant 0 : index
    %swap3A_177 = vector.load %arg5[%swap3A_174, %swap3A_175, %swap3A_176] : memref<16x1x1xf32, #tpu.memory_space<vmem>>, vector<1x1x1xf32>
    tpu.vector_store %arg5[%swap3A_174, %swap3A_175, %swap3A_176], %exp3A_173 {strides = array<i32>} : memref<16x1x1xf32, #tpu.memory_space<vmem>>, vector<1x1x1xf32>,
    %get3A_178 = arith.index_cast %get3A_156 : i32 to index
    %get3A_179 = arith.constant 0 : index
    %get3A_180 = arith.constant 0 : index
    %get3A_181 = vector.load %arg6[%get3A_178, %get3A_179, %get3A_180] : memref<10000x1x1xf32, #tpu.memory_space<vmem>>, vector<1x1x1xf32>
    %add3A_182 = arith.addf %get3A_181, %exp3A_173 : vector<1x1x1xf32>
    %swap3A_183 = arith.index_cast %get3A_156 : i32 to index
    %swap3A_184 = arith.constant 0 : index
    %swap3A_185 = arith.constant 0 : index
    %swap3A_186 = vector.load %arg6[%swap3A_183, %swap3A_184, %swap3A_185] : memref<10000x1x1xf32, #tpu.memory_space<vmem>>, vector<1x1x1xf32>
    tpu.vector_store %arg6[%swap3A_183, %swap3A_184, %swap3A_185], %add3A_182 {strides = array<i32>} : memref<10000x1x1xf32, #tpu.memory_space<vmem>>, vector<1x1x1xf32>,
    %add3A_187 = arith.constant 5 : i32
    %add3A_188 = arith.addi %mul3A_2, %add3A_187 : i32
    %get3A_189 = arith.index_cast %add3A_188 : i32 to index
    %get3A_190 = memref.load %arg1[%get3A_189] : memref<80000xi32, #tpu.memory_space<smem>>
    %add3A_191 = arith.constant 5 : i32
    %add3A_192 = arith.addi %mul3A_2, %add3A_191 : i32
    %get3A_193 = arith.index_cast %add3A_192 : i32 to index
    %get3A_194 = memref.load %arg2[%get3A_193] : memref<80000xi32, #tpu.memory_space<smem>>
    %get3A_195 = arith.index_cast %get3A_190 : i32 to index
    %get3A_196 = arith.constant 0 : index
    %get3A_197 = arith.constant 0 : index
    %get3A_198 = vector.load %arg3[%get3A_195, %get3A_196, %get3A_197] : memref<10000x1x1xf32, #tpu.memory_space<vmem>>, vector<1x1x1xf32>
    %get3A_199 = arith.index_cast %get3A_194 : i32 to index
    %get3A_200 = arith.constant 0 : index
    %get3A_201 = arith.constant 0 : index
    %get3A_202 = vector.load %arg4[%get3A_199, %get3A_200, %get3A_201] : memref<10000x1x1xf32, #tpu.memory_space<vmem>>, vector<1x1x1xf32>
    %add3A_203 = arith.addf %get3A_198, %get3A_202 : vector<1x1x1xf32>
    %ge3A_204 = arith.constant 0.000000e+00 : f32
    %ge3A_205 = vector.broadcast %ge3A_204 : f32 to vector<1x1x1xf32>
    %ge3A_206 = arith.cmpf oge, %add3A_203, %ge3A_205 : vector<1x1x1xf32>
    %mul3A_207 = arith.constant 2.000000e-01 : f32
    %mul3A_208 = vector.broadcast %mul3A_207 : f32 to vector<1x1x1xf32>
    %mul3A_209 = arith.mulf %mul3A_208, %add3A_203 : vector<1x1x1xf32>
    %select_n3A_210 = arith.select %ge3A_206, %add3A_203, %mul3A_209 : vector<1x1x1xi1>, vector<1x1x1xf32>
    %exp3A_211 = math.exp %select_n3A_210 : vector<1x1x1xf32>
    %swap3A_212 = arith.constant 5 : index
    %swap3A_213 = arith.constant 0 : index
    %swap3A_214 = arith.constant 0 : index
    %swap3A_215 = vector.load %arg5[%swap3A_212, %swap3A_213, %swap3A_214] : memref<16x1x1xf32, #tpu.memory_space<vmem>>, vector<1x1x1xf32>
    tpu.vector_store %arg5[%swap3A_212, %swap3A_213, %swap3A_214], %exp3A_211 {strides = array<i32>} : memref<16x1x1xf32, #tpu.memory_space<vmem>>, vector<1x1x1xf32>,
    %get3A_216 = arith.index_cast %get3A_194 : i32 to index
    %get3A_217 = arith.constant 0 : index
    %get3A_218 = arith.constant 0 : index
    %get3A_219 = vector.load %arg6[%get3A_216, %get3A_217, %get3A_218] : memref<10000x1x1xf32, #tpu.memory_space<vmem>>, vector<1x1x1xf32>
    %add3A_220 = arith.addf %get3A_219, %exp3A_211 : vector<1x1x1xf32>
    %swap3A_221 = arith.index_cast %get3A_194 : i32 to index
    %swap3A_222 = arith.constant 0 : index
    %swap3A_223 = arith.constant 0 : index
    %swap3A_224 = vector.load %arg6[%swap3A_221, %swap3A_222, %swap3A_223] : memref<10000x1x1xf32, #tpu.memory_space<vmem>>, vector<1x1x1xf32>
    tpu.vector_store %arg6[%swap3A_221, %swap3A_222, %swap3A_223], %add3A_220 {strides = array<i32>} : memref<10000x1x1xf32, #tpu.memory_space<vmem>>, vector<1x1x1xf32>,
    %add3A_225 = arith.constant 6 : i32
    %add3A_226 = arith.addi %mul3A_2, %add3A_225 : i32
    %get3A_227 = arith.index_cast %add3A_226 : i32 to index
    %get3A_228 = memref.load %arg1[%get3A_227] : memref<80000xi32, #tpu.memory_space<smem>>
    %add3A_229 = arith.constant 6 : i32
    %add3A_230 = arith.addi %mul3A_2, %add3A_229 : i32
    %get3A_231 = arith.index_cast %add3A_230 : i32 to index
    %get3A_232 = memref.load %arg2[%get3A_231] : memref<80000xi32, #tpu.memory_space<smem>>
    %get3A_233 = arith.index_cast %get3A_228 : i32 to index
    %get3A_234 = arith.constant 0 : index
    %get3A_235 = arith.constant 0 : index
    %get3A_236 = vector.load %arg3[%get3A_233, %get3A_234, %get3A_235] : memref<10000x1x1xf32, #tpu.memory_space<vmem>>, vector<1x1x1xf32>
    %get3A_237 = arith.index_cast %get3A_232 : i32 to index
    %get3A_238 = arith.constant 0 : index
    %get3A_239 = arith.constant 0 : index
    %get3A_240 = vector.load %arg4[%get3A_237, %get3A_238, %get3A_239] : memref<10000x1x1xf32, #tpu.memory_space<vmem>>, vector<1x1x1xf32>
    %add3A_241 = arith.addf %get3A_236, %get3A_240 : vector<1x1x1xf32>
    %ge3A_242 = arith.constant 0.000000e+00 : f32
    %ge3A_243 = vector.broadcast %ge3A_242 : f32 to vector<1x1x1xf32>
    %ge3A_244 = arith.cmpf oge, %add3A_241, %ge3A_243 : vector<1x1x1xf32>
    %mul3A_245 = arith.constant 2.000000e-01 : f32
    %mul3A_246 = vector.broadcast %mul3A_245 : f32 to vector<1x1x1xf32>
    %mul3A_247 = arith.mulf %mul3A_246, %add3A_241 : vector<1x1x1xf32>
    %select_n3A_248 = arith.select %ge3A_244, %add3A_241, %mul3A_247 : vector<1x1x1xi1>, vector<1x1x1xf32>
    %exp3A_249 = math.exp %select_n3A_248 : vector<1x1x1xf32>
    %swap3A_250 = arith.constant 6 : index
    %swap3A_251 = arith.constant 0 : index
    %swap3A_252 = arith.constant 0 : index
    %swap3A_253 = vector.load %arg5[%swap3A_250, %swap3A_251, %swap3A_252] : memref<16x1x1xf32, #tpu.memory_space<vmem>>, vector<1x1x1xf32>
    tpu.vector_store %arg5[%swap3A_250, %swap3A_251, %swap3A_252], %exp3A_249 {strides = array<i32>} : memref<16x1x1xf32, #tpu.memory_space<vmem>>, vector<1x1x1xf32>,
    %get3A_254 = arith.index_cast %get3A_232 : i32 to index
    %get3A_255 = arith.constant 0 : index
    %get3A_256 = arith.constant 0 : index
    %get3A_257 = vector.load %arg6[%get3A_254, %get3A_255, %get3A_256] : memref<10000x1x1xf32, #tpu.memory_space<vmem>>, vector<1x1x1xf32>
    %add3A_258 = arith.addf %get3A_257, %exp3A_249 : vector<1x1x1xf32>
    %swap3A_259 = arith.index_cast %get3A_232 : i32 to index
    %swap3A_260 = arith.constant 0 : index
    %swap3A_261 = arith.constant 0 : index
    %swap3A_262 = vector.load %arg6[%swap3A_259, %swap3A_260, %swap3A_261] : memref<10000x1x1xf32, #tpu.memory_space<vmem>>, vector<1x1x1xf32>
    tpu.vector_store %arg6[%swap3A_259, %swap3A_260, %swap3A_261], %add3A_258 {strides = array<i32>} : memref<10000x1x1xf32, #tpu.memory_space<vmem>>, vector<1x1x1xf32>,
    %add3A_263 = arith.constant 7 : i32
    %add3A_264 = arith.addi %mul3A_2, %add3A_263 : i32
    %get3A_265 = arith.index_cast %add3A_264 : i32 to index
    %get3A_266 = memref.load %arg1[%get3A_265] : memref<80000xi32, #tpu.memory_space<smem>>
    %add3A_267 = arith.constant 7 : i32
    %add3A_268 = arith.addi %mul3A_2, %add3A_267 : i32
    %get3A_269 = arith.index_cast %add3A_268 : i32 to index
    %get3A_270 = memref.load %arg2[%get3A_269] : memref<80000xi32, #tpu.memory_space<smem>>
    %get3A_271 = arith.index_cast %get3A_266 : i32 to index
    %get3A_272 = arith.constant 0 : index
    %get3A_273 = arith.constant 0 : index
    %get3A_274 = vector.load %arg3[%get3A_271, %get3A_272, %get3A_273] : memref<10000x1x1xf32, #tpu.memory_space<vmem>>, vector<1x1x1xf32>
    %get3A_275 = arith.index_cast %get3A_270 : i32 to index
    %get3A_276 = arith.constant 0 : index
    %get3A_277 = arith.constant 0 : index
    %get3A_278 = vector.load %arg4[%get3A_275, %get3A_276, %get3A_277] : memref<10000x1x1xf32, #tpu.memory_space<vmem>>, vector<1x1x1xf32>
    %add3A_279 = arith.addf %get3A_274, %get3A_278 : vector<1x1x1xf32>
    %ge3A_280 = arith.constant 0.000000e+00 : f32
    %ge3A_281 = vector.broadcast %ge3A_280 : f32 to vector<1x1x1xf32>
    %ge3A_282 = arith.cmpf oge, %add3A_279, %ge3A_281 : vector<1x1x1xf32>
    %mul3A_283 = arith.constant 2.000000e-01 : f32
    %mul3A_284 = vector.broadcast %mul3A_283 : f32 to vector<1x1x1xf32>
    %mul3A_285 = arith.mulf %mul3A_284, %add3A_279 : vector<1x1x1xf32>
    %select_n3A_286 = arith.select %ge3A_282, %add3A_279, %mul3A_285 : vector<1x1x1xi1>, vector<1x1x1xf32>
    %exp3A_287 = math.exp %select_n3A_286 : vector<1x1x1xf32>
    %swap3A_288 = arith.constant 7 : index
    %swap3A_289 = arith.constant 0 : index
    %swap3A_290 = arith.constant 0 : index
    %swap3A_291 = vector.load %arg5[%swap3A_288, %swap3A_289, %swap3A_290] : memref<16x1x1xf32, #tpu.memory_space<vmem>>, vector<1x1x1xf32>
    tpu.vector_store %arg5[%swap3A_288, %swap3A_289, %swap3A_290], %exp3A_287 {strides = array<i32>} : memref<16x1x1xf32, #tpu.memory_space<vmem>>, vector<1x1x1xf32>,
    %get3A_292 = arith.index_cast %get3A_270 : i32 to index
    %get3A_293 = arith.constant 0 : index
    %get3A_294 = arith.constant 0 : index
    %get3A_295 = vector.load %arg6[%get3A_292, %get3A_293, %get3A_294] : memref<10000x1x1xf32, #tpu.memory_space<vmem>>, vector<1x1x1xf32>
    %add3A_296 = arith.addf %get3A_295, %exp3A_287 : vector<1x1x1xf32>
    %swap3A_297 = arith.index_cast %get3A_270 : i32 to index
    %swap3A_298 = arith.constant 0 : index
    %swap3A_299 = arith.constant 0 : index
    %swap3A_300 = vector.load %arg6[%swap3A_297, %swap3A_298, %swap3A_299] : memref<10000x1x1xf32, #tpu.memory_space<vmem>>, vector<1x1x1xf32>
    tpu.vector_store %arg6[%swap3A_297, %swap3A_298, %swap3A_299], %add3A_296 {strides = array<i32>} : memref<10000x1x1xf32, #tpu.memory_space<vmem>>, vector<1x1x1xf32>,
    %add3A_301 = arith.constant 8 : i32
    %add3A_302 = arith.addi %mul3A_2, %add3A_301 : i32
    %get3A_303 = arith.index_cast %add3A_302 : i32 to index
    %get3A_304 = memref.load %arg1[%get3A_303] : memref<80000xi32, #tpu.memory_space<smem>>
    %add3A_305 = arith.constant 8 : i32
    %add3A_306 = arith.addi %mul3A_2, %add3A_305 : i32
    %get3A_307 = arith.index_cast %add3A_306 : i32 to index
    %get3A_308 = memref.load %arg2[%get3A_307] : memref<80000xi32, #tpu.memory_space<smem>>
    %get3A_309 = arith.index_cast %get3A_304 : i32 to index
    %get3A_310 = arith.constant 0 : index
    %get3A_311 = arith.constant 0 : index
    %get3A_312 = vector.load %arg3[%get3A_309, %get3A_310, %get3A_311] : memref<10000x1x1xf32, #tpu.memory_space<vmem>>, vector<1x1x1xf32>
    %get3A_313 = arith.index_cast %get3A_308 : i32 to index
    %get3A_314 = arith.constant 0 : index
    %get3A_315 = arith.constant 0 : index
    %get3A_316 = vector.load %arg4[%get3A_313, %get3A_314, %get3A_315] : memref<10000x1x1xf32, #tpu.memory_space<vmem>>, vector<1x1x1xf32>
    %add3A_317 = arith.addf %get3A_312, %get3A_316 : vector<1x1x1xf32>
    %ge3A_318 = arith.constant 0.000000e+00 : f32
    %ge3A_319 = vector.broadcast %ge3A_318 : f32 to vector<1x1x1xf32>
    %ge3A_320 = arith.cmpf oge, %add3A_317, %ge3A_319 : vector<1x1x1xf32>
    %mul3A_321 = arith.constant 2.000000e-01 : f32
    %mul3A_322 = vector.broadcast %mul3A_321 : f32 to vector<1x1x1xf32>
    %mul3A_323 = arith.mulf %mul3A_322, %add3A_317 : vector<1x1x1xf32>
    %select_n3A_324 = arith.select %ge3A_320, %add3A_317, %mul3A_323 : vector<1x1x1xi1>, vector<1x1x1xf32>
    %exp3A_325 = math.exp %select_n3A_324 : vector<1x1x1xf32>
    %swap3A_326 = arith.constant 8 : index
    %swap3A_327 = arith.constant 0 : index
    %swap3A_328 = arith.constant 0 : index
    %swap3A_329 = vector.load %arg5[%swap3A_326, %swap3A_327, %swap3A_328] : memref<16x1x1xf32, #tpu.memory_space<vmem>>, vector<1x1x1xf32>
    tpu.vector_store %arg5[%swap3A_326, %swap3A_327, %swap3A_328], %exp3A_325 {strides = array<i32>} : memref<16x1x1xf32, #tpu.memory_space<vmem>>, vector<1x1x1xf32>,
    %get3A_330 = arith.index_cast %get3A_308 : i32 to index
    %get3A_331 = arith.constant 0 : index
    %get3A_332 = arith.constant 0 : index
    %get3A_333 = vector.load %arg6[%get3A_330, %get3A_331, %get3A_332] : memref<10000x1x1xf32, #tpu.memory_space<vmem>>, vector<1x1x1xf32>
    %add3A_334 = arith.addf %get3A_333, %exp3A_325 : vector<1x1x1xf32>
    %swap3A_335 = arith.index_cast %get3A_308 : i32 to index
    %swap3A_336 = arith.constant 0 : index
    %swap3A_337 = arith.constant 0 : index
    %swap3A_338 = vector.load %arg6[%swap3A_335, %swap3A_336, %swap3A_337] : memref<10000x1x1xf32, #tpu.memory_space<vmem>>, vector<1x1x1xf32>
    tpu.vector_store %arg6[%swap3A_335, %swap3A_336, %swap3A_337], %add3A_334 {strides = array<i32>} : memref<10000x1x1xf32, #tpu.memory_space<vmem>>, vector<1x1x1xf32>,
    %add3A_339 = arith.constant 9 : i32
    %add3A_340 = arith.addi %mul3A_2, %add3A_339 : i32
    %get3A_341 = arith.index_cast %add3A_340 : i32 to index
    %get3A_342 = memref.load %arg1[%get3A_341] : memref<80000xi32, #tpu.memory_space<smem>>
    %add3A_343 = arith.constant 9 : i32
    %add3A_344 = arith.addi %mul3A_2, %add3A_343 : i32
    %get3A_345 = arith.index_cast %add3A_344 : i32 to index
    %get3A_346 = memref.load %arg2[%get3A_345] : memref<80000xi32, #tpu.memory_space<smem>>
    %get3A_347 = arith.index_cast %get3A_342 : i32 to index
    %get3A_348 = arith.constant 0 : index
    %get3A_349 = arith.constant 0 : index
    %get3A_350 = vector.load %arg3[%get3A_347, %get3A_348, %get3A_349] : memref<10000x1x1xf32, #tpu.memory_space<vmem>>, vector<1x1x1xf32>
    %get3A_351 = arith.index_cast %get3A_346 : i32 to index
    %get3A_352 = arith.constant 0 : index
    %get3A_353 = arith.constant 0 : index
    %get3A_354 = vector.load %arg4[%get3A_351, %get3A_352, %get3A_353] : memref<10000x1x1xf32, #tpu.memory_space<vmem>>, vector<1x1x1xf32>
    %add3A_355 = arith.addf %get3A_350, %get3A_354 : vector<1x1x1xf32>
    %ge3A_356 = arith.constant 0.000000e+00 : f32
    %ge3A_357 = vector.broadcast %ge3A_356 : f32 to vector<1x1x1xf32>
    %ge3A_358 = arith.cmpf oge, %add3A_355, %ge3A_357 : vector<1x1x1xf32>
    %mul3A_359 = arith.constant 2.000000e-01 : f32
    %mul3A_360 = vector.broadcast %mul3A_359 : f32 to vector<1x1x1xf32>
    %mul3A_361 = arith.mulf %mul3A_360, %add3A_355 : vector<1x1x1xf32>
    %select_n3A_362 = arith.select %ge3A_358, %add3A_355, %mul3A_361 : vector<1x1x1xi1>, vector<1x1x1xf32>
    %exp3A_363 = math.exp %select_n3A_362 : vector<1x1x1xf32>
    %swap3A_364 = arith.constant 9 : index
    %swap3A_365 = arith.constant 0 : index
    %swap3A_366 = arith.constant 0 : index
    %swap3A_367 = vector.load %arg5[%swap3A_364, %swap3A_365, %swap3A_366] : memref<16x1x1xf32, #tpu.memory_space<vmem>>, vector<1x1x1xf32>
    tpu.vector_store %arg5[%swap3A_364, %swap3A_365, %swap3A_366], %exp3A_363 {strides = array<i32>} : memref<16x1x1xf32, #tpu.memory_space<vmem>>, vector<1x1x1xf32>,
    %get3A_368 = arith.index_cast %get3A_346 : i32 to index
    %get3A_369 = arith.constant 0 : index
    %get3A_370 = arith.constant 0 : index
    %get3A_371 = vector.load %arg6[%get3A_368, %get3A_369, %get3A_370] : memref<10000x1x1xf32, #tpu.memory_space<vmem>>, vector<1x1x1xf32>
    %add3A_372 = arith.addf %get3A_371, %exp3A_363 : vector<1x1x1xf32>
    %swap3A_373 = arith.index_cast %get3A_346 : i32 to index
    %swap3A_374 = arith.constant 0 : index
    %swap3A_375 = arith.constant 0 : index
    %swap3A_376 = vector.load %arg6[%swap3A_373, %swap3A_374, %swap3A_375] : memref<10000x1x1xf32, #tpu.memory_space<vmem>>, vector<1x1x1xf32>
    tpu.vector_store %arg6[%swap3A_373, %swap3A_374, %swap3A_375], %add3A_372 {strides = array<i32>} : memref<10000x1x1xf32, #tpu.memory_space<vmem>>, vector<1x1x1xf32>,
    %add3A_377 = arith.constant 10 : i32
    %add3A_378 = arith.addi %mul3A_2, %add3A_377 : i32
    %get3A_379 = arith.index_cast %add3A_378 : i32 to index
    %get3A_380 = memref.load %arg1[%get3A_379] : memref<80000xi32, #tpu.memory_space<smem>>
    %add3A_381 = arith.constant 10 : i32
    %add3A_382 = arith.addi %mul3A_2, %add3A_381 : i32
    %get3A_383 = arith.index_cast %add3A_382 : i32 to index
    %get3A_384 = memref.load %arg2[%get3A_383] : memref<80000xi32, #tpu.memory_space<smem>>
    %get3A_385 = arith.index_cast %get3A_380 : i32 to index
    %get3A_386 = arith.constant 0 : index
    %get3A_387 = arith.constant 0 : index
    %get3A_388 = vector.load %arg3[%get3A_385, %get3A_386, %get3A_387] : memref<10000x1x1xf32, #tpu.memory_space<vmem>>, vector<1x1x1xf32>
    %get3A_389 = arith.index_cast %get3A_384 : i32 to index
    %get3A_390 = arith.constant 0 : index
    %get3A_391 = arith.constant 0 : index
    %get3A_392 = vector.load %arg4[%get3A_389, %get3A_390, %get3A_391] : memref<10000x1x1xf32, #tpu.memory_space<vmem>>, vector<1x1x1xf32>
    %add3A_393 = arith.addf %get3A_388, %get3A_392 : vector<1x1x1xf32>
    %ge3A_394 = arith.constant 0.000000e+00 : f32
    %ge3A_395 = vector.broadcast %ge3A_394 : f32 to vector<1x1x1xf32>
    %ge3A_396 = arith.cmpf oge, %add3A_393, %ge3A_395 : vector<1x1x1xf32>
    %mul3A_397 = arith.constant 2.000000e-01 : f32
    %mul3A_398 = vector.broadcast %mul3A_397 : f32 to vector<1x1x1xf32>
    %mul3A_399 = arith.mulf %mul3A_398, %add3A_393 : vector<1x1x1xf32>
    %select_n3A_400 = arith.select %ge3A_396, %add3A_393, %mul3A_399 : vector<1x1x1xi1>, vector<1x1x1xf32>
    %exp3A_401 = math.exp %select_n3A_400 : vector<1x1x1xf32>
    %swap3A_402 = arith.constant 10 : index
    %swap3A_403 = arith.constant 0 : index
    %swap3A_404 = arith.constant 0 : index
    %swap3A_405 = vector.load %arg5[%swap3A_402, %swap3A_403, %swap3A_404] : memref<16x1x1xf32, #tpu.memory_space<vmem>>, vector<1x1x1xf32>
    tpu.vector_store %arg5[%swap3A_402, %swap3A_403, %swap3A_404], %exp3A_401 {strides = array<i32>} : memref<16x1x1xf32, #tpu.memory_space<vmem>>, vector<1x1x1xf32>,
    %get3A_406 = arith.index_cast %get3A_384 : i32 to index
    %get3A_407 = arith.constant 0 : index
    %get3A_408 = arith.constant 0 : index
    %get3A_409 = vector.load %arg6[%get3A_406, %get3A_407, %get3A_408] : memref<10000x1x1xf32, #tpu.memory_space<vmem>>, vector<1x1x1xf32>
    %add3A_410 = arith.addf %get3A_409, %exp3A_401 : vector<1x1x1xf32>
    %swap3A_411 = arith.index_cast %get3A_384 : i32 to index
    %swap3A_412 = arith.constant 0 : index
    %swap3A_413 = arith.constant 0 : index
    %swap3A_414 = vector.load %arg6[%swap3A_411, %swap3A_412, %swap3A_413] : memref<10000x1x1xf32, #tpu.memory_space<vmem>>, vector<1x1x1xf32>
    tpu.vector_store %arg6[%swap3A_411, %swap3A_412, %swap3A_413], %add3A_410 {strides = array<i32>} : memref<10000x1x1xf32, #tpu.memory_space<vmem>>, vector<1x1x1xf32>,
    %add3A_415 = arith.constant 11 : i32
    %add3A_416 = arith.addi %mul3A_2, %add3A_415 : i32
    %get3A_417 = arith.index_cast %add3A_416 : i32 to index
    %get3A_418 = memref.load %arg1[%get3A_417] : memref<80000xi32, #tpu.memory_space<smem>>
    %add3A_419 = arith.constant 11 : i32
    %add3A_420 = arith.addi %mul3A_2, %add3A_419 : i32
    %get3A_421 = arith.index_cast %add3A_420 : i32 to index
    %get3A_422 = memref.load %arg2[%get3A_421] : memref<80000xi32, #tpu.memory_space<smem>>
    %get3A_423 = arith.index_cast %get3A_418 : i32 to index
    %get3A_424 = arith.constant 0 : index
    %get3A_425 = arith.constant 0 : index
    %get3A_426 = vector.load %arg3[%get3A_423, %get3A_424, %get3A_425] : memref<10000x1x1xf32, #tpu.memory_space<vmem>>, vector<1x1x1xf32>
    %get3A_427 = arith.index_cast %get3A_422 : i32 to index
    %get3A_428 = arith.constant 0 : index
    %get3A_429 = arith.constant 0 : index
    %get3A_430 = vector.load %arg4[%get3A_427, %get3A_428, %get3A_429] : memref<10000x1x1xf32, #tpu.memory_space<vmem>>, vector<1x1x1xf32>
    %add3A_431 = arith.addf %get3A_426, %get3A_430 : vector<1x1x1xf32>
    %ge3A_432 = arith.constant 0.000000e+00 : f32
    %ge3A_433 = vector.broadcast %ge3A_432 : f32 to vector<1x1x1xf32>
    %ge3A_434 = arith.cmpf oge, %add3A_431, %ge3A_433 : vector<1x1x1xf32>
    %mul3A_435 = arith.constant 2.000000e-01 : f32
    %mul3A_436 = vector.broadcast %mul3A_435 : f32 to vector<1x1x1xf32>
    %mul3A_437 = arith.mulf %mul3A_436, %add3A_431 : vector<1x1x1xf32>
    %select_n3A_438 = arith.select %ge3A_434, %add3A_431, %mul3A_437 : vector<1x1x1xi1>, vector<1x1x1xf32>
    %exp3A_439 = math.exp %select_n3A_438 : vector<1x1x1xf32>
    %swap3A_440 = arith.constant 11 : index
    %swap3A_441 = arith.constant 0 : index
    %swap3A_442 = arith.constant 0 : index
    %swap3A_443 = vector.load %arg5[%swap3A_440, %swap3A_441, %swap3A_442] : memref<16x1x1xf32, #tpu.memory_space<vmem>>, vector<1x1x1xf32>
    tpu.vector_store %arg5[%swap3A_440, %swap3A_441, %swap3A_442], %exp3A_439 {strides = array<i32>} : memref<16x1x1xf32, #tpu.memory_space<vmem>>, vector<1x1x1xf32>,
    %get3A_444 = arith.index_cast %get3A_422 : i32 to index
    %get3A_445 = arith.constant 0 : index
    %get3A_446 = arith.constant 0 : index
    %get3A_447 = vector.load %arg6[%get3A_444, %get3A_445, %get3A_446] : memref<10000x1x1xf32, #tpu.memory_space<vmem>>, vector<1x1x1xf32>
    %add3A_448 = arith.addf %get3A_447, %exp3A_439 : vector<1x1x1xf32>
    %swap3A_449 = arith.index_cast %get3A_422 : i32 to index
    %swap3A_450 = arith.constant 0 : index
    %swap3A_451 = arith.constant 0 : index
    %swap3A_452 = vector.load %arg6[%swap3A_449, %swap3A_450, %swap3A_451] : memref<10000x1x1xf32, #tpu.memory_space<vmem>>, vector<1x1x1xf32>
    tpu.vector_store %arg6[%swap3A_449, %swap3A_450, %swap3A_451], %add3A_448 {strides = array<i32>} : memref<10000x1x1xf32, #tpu.memory_space<vmem>>, vector<1x1x1xf32>,
    %add3A_453 = arith.constant 12 : i32
    %add3A_454 = arith.addi %mul3A_2, %add3A_453 : i32
    %get3A_455 = arith.index_cast %add3A_454 : i32 to index
    %get3A_456 = memref.load %arg1[%get3A_455] : memref<80000xi32, #tpu.memory_space<smem>>
    %add3A_457 = arith.constant 12 : i32
    %add3A_458 = arith.addi %mul3A_2, %add3A_457 : i32
    %get3A_459 = arith.index_cast %add3A_458 : i32 to index
    %get3A_460 = memref.load %arg2[%get3A_459] : memref<80000xi32, #tpu.memory_space<smem>>
    %get3A_461 = arith.index_cast %get3A_456 : i32 to index
    %get3A_462 = arith.constant 0 : index
    %get3A_463 = arith.constant 0 : index
    %get3A_464 = vector.load %arg3[%get3A_461, %get3A_462, %get3A_463] : memref<10000x1x1xf32, #tpu.memory_space<vmem>>, vector<1x1x1xf32>
    %get3A_465 = arith.index_cast %get3A_460 : i32 to index
    %get3A_466 = arith.constant 0 : index
    %get3A_467 = arith.constant 0 : index
    %get3A_468 = vector.load %arg4[%get3A_465, %get3A_466, %get3A_467] : memref<10000x1x1xf32, #tpu.memory_space<vmem>>, vector<1x1x1xf32>
    %add3A_469 = arith.addf %get3A_464, %get3A_468 : vector<1x1x1xf32>
    %ge3A_470 = arith.constant 0.000000e+00 : f32
    %ge3A_471 = vector.broadcast %ge3A_470 : f32 to vector<1x1x1xf32>
    %ge3A_472 = arith.cmpf oge, %add3A_469, %ge3A_471 : vector<1x1x1xf32>
    %mul3A_473 = arith.constant 2.000000e-01 : f32
    %mul3A_474 = vector.broadcast %mul3A_473 : f32 to vector<1x1x1xf32>
    %mul3A_475 = arith.mulf %mul3A_474, %add3A_469 : vector<1x1x1xf32>
    %select_n3A_476 = arith.select %ge3A_472, %add3A_469, %mul3A_475 : vector<1x1x1xi1>, vector<1x1x1xf32>
    %exp3A_477 = math.exp %select_n3A_476 : vector<1x1x1xf32>
    %swap3A_478 = arith.constant 12 : index
    %swap3A_479 = arith.constant 0 : index
    %swap3A_480 = arith.constant 0 : index
    %swap3A_481 = vector.load %arg5[%swap3A_478, %swap3A_479, %swap3A_480] : memref<16x1x1xf32, #tpu.memory_space<vmem>>, vector<1x1x1xf32>
    tpu.vector_store %arg5[%swap3A_478, %swap3A_479, %swap3A_480], %exp3A_477 {strides = array<i32>} : memref<16x1x1xf32, #tpu.memory_space<vmem>>, vector<1x1x1xf32>,
    %get3A_482 = arith.index_cast %get3A_460 : i32 to index
    %get3A_483 = arith.constant 0 : index
    %get3A_484 = arith.constant 0 : index
    %get3A_485 = vector.load %arg6[%get3A_482, %get3A_483, %get3A_484] : memref<10000x1x1xf32, #tpu.memory_space<vmem>>, vector<1x1x1xf32>
    %add3A_486 = arith.addf %get3A_485, %exp3A_477 : vector<1x1x1xf32>
    %swap3A_487 = arith.index_cast %get3A_460 : i32 to index
    %swap3A_488 = arith.constant 0 : index
    %swap3A_489 = arith.constant 0 : index
    %swap3A_490 = vector.load %arg6[%swap3A_487, %swap3A_488, %swap3A_489] : memref<10000x1x1xf32, #tpu.memory_space<vmem>>, vector<1x1x1xf32>
    tpu.vector_store %arg6[%swap3A_487, %swap3A_488, %swap3A_489], %add3A_486 {strides = array<i32>} : memref<10000x1x1xf32, #tpu.memory_space<vmem>>, vector<1x1x1xf32>,
    %add3A_491 = arith.constant 13 : i32
    %add3A_492 = arith.addi %mul3A_2, %add3A_491 : i32
    %get3A_493 = arith.index_cast %add3A_492 : i32 to index
    %get3A_494 = memref.load %arg1[%get3A_493] : memref<80000xi32, #tpu.memory_space<smem>>
    %add3A_495 = arith.constant 13 : i32
    %add3A_496 = arith.addi %mul3A_2, %add3A_495 : i32
    %get3A_497 = arith.index_cast %add3A_496 : i32 to index
    %get3A_498 = memref.load %arg2[%get3A_497] : memref<80000xi32, #tpu.memory_space<smem>>
    %get3A_499 = arith.index_cast %get3A_494 : i32 to index
    %get3A_500 = arith.constant 0 : index
    %get3A_501 = arith.constant 0 : index
    %get3A_502 = vector.load %arg3[%get3A_499, %get3A_500, %get3A_501] : memref<10000x1x1xf32, #tpu.memory_space<vmem>>, vector<1x1x1xf32>
    %get3A_503 = arith.index_cast %get3A_498 : i32 to index
    %get3A_504 = arith.constant 0 : index
    %get3A_505 = arith.constant 0 : index
    %get3A_506 = vector.load %arg4[%get3A_503, %get3A_504, %get3A_505] : memref<10000x1x1xf32, #tpu.memory_space<vmem>>, vector<1x1x1xf32>
    %add3A_507 = arith.addf %get3A_502, %get3A_506 : vector<1x1x1xf32>
    %ge3A_508 = arith.constant 0.000000e+00 : f32
    %ge3A_509 = vector.broadcast %ge3A_508 : f32 to vector<1x1x1xf32>
    %ge3A_510 = arith.cmpf oge, %add3A_507, %ge3A_509 : vector<1x1x1xf32>
    %mul3A_511 = arith.constant 2.000000e-01 : f32
    %mul3A_512 = vector.broadcast %mul3A_511 : f32 to vector<1x1x1xf32>
    %mul3A_513 = arith.mulf %mul3A_512, %add3A_507 : vector<1x1x1xf32>
    %select_n3A_514 = arith.select %ge3A_510, %add3A_507, %mul3A_513 : vector<1x1x1xi1>, vector<1x1x1xf32>
    %exp3A_515 = math.exp %select_n3A_514 : vector<1x1x1xf32>
    %swap3A_516 = arith.constant 13 : index
    %swap3A_517 = arith.constant 0 : index
    %swap3A_518 = arith.constant 0 : index
    %swap3A_519 = vector.load %arg5[%swap3A_516, %swap3A_517, %swap3A_518] : memref<16x1x1xf32, #tpu.memory_space<vmem>>, vector<1x1x1xf32>
    tpu.vector_store %arg5[%swap3A_516, %swap3A_517, %swap3A_518], %exp3A_515 {strides = array<i32>} : memref<16x1x1xf32, #tpu.memory_space<vmem>>, vector<1x1x1xf32>,
    %get3A_520 = arith.index_cast %get3A_498 : i32 to index
    %get3A_521 = arith.constant 0 : index
    %get3A_522 = arith.constant 0 : index
    %get3A_523 = vector.load %arg6[%get3A_520, %get3A_521, %get3A_522] : memref<10000x1x1xf32, #tpu.memory_space<vmem>>, vector<1x1x1xf32>
    %add3A_524 = arith.addf %get3A_523, %exp3A_515 : vector<1x1x1xf32>
    %swap3A_525 = arith.index_cast %get3A_498 : i32 to index
    %swap3A_526 = arith.constant 0 : index
    %swap3A_527 = arith.constant 0 : index
    %swap3A_528 = vector.load %arg6[%swap3A_525, %swap3A_526, %swap3A_527] : memref<10000x1x1xf32, #tpu.memory_space<vmem>>, vector<1x1x1xf32>
    tpu.vector_store %arg6[%swap3A_525, %swap3A_526, %swap3A_527], %add3A_524 {strides = array<i32>} : memref<10000x1x1xf32, #tpu.memory_space<vmem>>, vector<1x1x1xf32>,
    %add3A_529 = arith.constant 14 : i32
    %add3A_530 = arith.addi %mul3A_2, %add3A_529 : i32
    %get3A_531 = arith.index_cast %add3A_530 : i32 to index
    %get3A_532 = memref.load %arg1[%get3A_531] : memref<80000xi32, #tpu.memory_space<smem>>
    %add3A_533 = arith.constant 14 : i32
    %add3A_534 = arith.addi %mul3A_2, %add3A_533 : i32
    %get3A_535 = arith.index_cast %add3A_534 : i32 to index
    %get3A_536 = memref.load %arg2[%get3A_535] : memref<80000xi32, #tpu.memory_space<smem>>
    %get3A_537 = arith.index_cast %get3A_532 : i32 to index
    %get3A_538 = arith.constant 0 : index
    %get3A_539 = arith.constant 0 : index
    %get3A_540 = vector.load %arg3[%get3A_537, %get3A_538, %get3A_539] : memref<10000x1x1xf32, #tpu.memory_space<vmem>>, vector<1x1x1xf32>
    %get3A_541 = arith.index_cast %get3A_536 : i32 to index
    %get3A_542 = arith.constant 0 : index
    %get3A_543 = arith.constant 0 : index
    %get3A_544 = vector.load %arg4[%get3A_541, %get3A_542, %get3A_543] : memref<10000x1x1xf32, #tpu.memory_space<vmem>>, vector<1x1x1xf32>
    %add3A_545 = arith.addf %get3A_540, %get3A_544 : vector<1x1x1xf32>
    %ge3A_546 = arith.constant 0.000000e+00 : f32
    %ge3A_547 = vector.broadcast %ge3A_546 : f32 to vector<1x1x1xf32>
    %ge3A_548 = arith.cmpf oge, %add3A_545, %ge3A_547 : vector<1x1x1xf32>
    %mul3A_549 = arith.constant 2.000000e-01 : f32
    %mul3A_550 = vector.broadcast %mul3A_549 : f32 to vector<1x1x1xf32>
    %mul3A_551 = arith.mulf %mul3A_550, %add3A_545 : vector<1x1x1xf32>
    %select_n3A_552 = arith.select %ge3A_548, %add3A_545, %mul3A_551 : vector<1x1x1xi1>, vector<1x1x1xf32>
    %exp3A_553 = math.exp %select_n3A_552 : vector<1x1x1xf32>
    %swap3A_554 = arith.constant 14 : index
    %swap3A_555 = arith.constant 0 : index
    %swap3A_556 = arith.constant 0 : index
    %swap3A_557 = vector.load %arg5[%swap3A_554, %swap3A_555, %swap3A_556] : memref<16x1x1xf32, #tpu.memory_space<vmem>>, vector<1x1x1xf32>
    tpu.vector_store %arg5[%swap3A_554, %swap3A_555, %swap3A_556], %exp3A_553 {strides = array<i32>} : memref<16x1x1xf32, #tpu.memory_space<vmem>>, vector<1x1x1xf32>,
    %get3A_558 = arith.index_cast %get3A_536 : i32 to index
    %get3A_559 = arith.constant 0 : index
    %get3A_560 = arith.constant 0 : index
    %get3A_561 = vector.load %arg6[%get3A_558, %get3A_559, %get3A_560] : memref<10000x1x1xf32, #tpu.memory_space<vmem>>, vector<1x1x1xf32>
    %add3A_562 = arith.addf %get3A_561, %exp3A_553 : vector<1x1x1xf32>
    %swap3A_563 = arith.index_cast %get3A_536 : i32 to index
    %swap3A_564 = arith.constant 0 : index
    %swap3A_565 = arith.constant 0 : index
    %swap3A_566 = vector.load %arg6[%swap3A_563, %swap3A_564, %swap3A_565] : memref<10000x1x1xf32, #tpu.memory_space<vmem>>, vector<1x1x1xf32>
    tpu.vector_store %arg6[%swap3A_563, %swap3A_564, %swap3A_565], %add3A_562 {strides = array<i32>} : memref<10000x1x1xf32, #tpu.memory_space<vmem>>, vector<1x1x1xf32>,
    %add3A_567 = arith.constant 15 : i32
    %add3A_568 = arith.addi %mul3A_2, %add3A_567 : i32
    %get3A_569 = arith.index_cast %add3A_568 : i32 to index
    %get3A_570 = memref.load %arg1[%get3A_569] : memref<80000xi32, #tpu.memory_space<smem>>
    %add3A_571 = arith.constant 15 : i32
    %add3A_572 = arith.addi %mul3A_2, %add3A_571 : i32
    %get3A_573 = arith.index_cast %add3A_572 : i32 to index
    %get3A_574 = memref.load %arg2[%get3A_573] : memref<80000xi32, #tpu.memory_space<smem>>
    %get3A_575 = arith.index_cast %get3A_570 : i32 to index
    %get3A_576 = arith.constant 0 : index
    %get3A_577 = arith.constant 0 : index
    %get3A_578 = vector.load %arg3[%get3A_575, %get3A_576, %get3A_577] : memref<10000x1x1xf32, #tpu.memory_space<vmem>>, vector<1x1x1xf32>
    %get3A_579 = arith.index_cast %get3A_574 : i32 to index
    %get3A_580 = arith.constant 0 : index
    %get3A_581 = arith.constant 0 : index
    %get3A_582 = vector.load %arg4[%get3A_579, %get3A_580, %get3A_581] : memref<10000x1x1xf32, #tpu.memory_space<vmem>>, vector<1x1x1xf32>
    %add3A_583 = arith.addf %get3A_578, %get3A_582 : vector<1x1x1xf32>
    %ge3A_584 = arith.constant 0.000000e+00 : f32
    %ge3A_585 = vector.broadcast %ge3A_584 : f32 to vector<1x1x1xf32>
    %ge3A_586 = arith.cmpf oge, %add3A_583, %ge3A_585 : vector<1x1x1xf32>
    %mul3A_587 = arith.constant 2.000000e-01 : f32
    %mul3A_588 = vector.broadcast %mul3A_587 : f32 to vector<1x1x1xf32>
    %mul3A_589 = arith.mulf %mul3A_588, %add3A_583 : vector<1x1x1xf32>
    %select_n3A_590 = arith.select %ge3A_586, %add3A_583, %mul3A_589 : vector<1x1x1xi1>, vector<1x1x1xf32>
    %exp3A_591 = math.exp %select_n3A_590 : vector<1x1x1xf32>
    %swap3A_592 = arith.constant 15 : index
    %swap3A_593 = arith.constant 0 : index
    %swap3A_594 = arith.constant 0 : index
    %swap3A_595 = vector.load %arg5[%swap3A_592, %swap3A_593, %swap3A_594] : memref<16x1x1xf32, #tpu.memory_space<vmem>>, vector<1x1x1xf32>
    tpu.vector_store %arg5[%swap3A_592, %swap3A_593, %swap3A_594], %exp3A_591 {strides = array<i32>} : memref<16x1x1xf32, #tpu.memory_space<vmem>>, vector<1x1x1xf32>,
    %get3A_596 = arith.index_cast %get3A_574 : i32 to index
    %get3A_597 = arith.constant 0 : index
    %get3A_598 = arith.constant 0 : index
    %get3A_599 = vector.load %arg6[%get3A_596, %get3A_597, %get3A_598] : memref<10000x1x1xf32, #tpu.memory_space<vmem>>, vector<1x1x1xf32>
    %add3A_600 = arith.addf %get3A_599, %exp3A_591 : vector<1x1x1xf32>
    %swap3A_601 = arith.index_cast %get3A_574 : i32 to index
    %swap3A_602 = arith.constant 0 : index
    %swap3A_603 = arith.constant 0 : index
    %swap3A_604 = vector.load %arg6[%swap3A_601, %swap3A_602, %swap3A_603] : memref<10000x1x1xf32, #tpu.memory_space<vmem>>, vector<1x1x1xf32>
    tpu.vector_store %arg6[%swap3A_601, %swap3A_602, %swap3A_603], %add3A_600 {strides = array<i32>} : memref<10000x1x1xf32, #tpu.memory_space<vmem>>, vector<1x1x1xf32>,
    return
  }
  func.func @transform_0(%arg0: i32) -> i32 {
    %c0_i32 = arith.constant 0 : i32
    %c0_i32_0 = arith.constant 0 : i32
    return %c0_i32 : i32
  }
  func.func @transform_1(%arg0: i32) -> i32 {
    %c0_i32 = arith.constant 0 : i32
    %c0_i32_0 = arith.constant 0 : i32
    return %c0_i32 : i32
  }
  func.func @transform_2(%arg0: i32) -> (i32, i32, i32) {
    %c0_i32 = arith.constant 0 : i32
    %c0_i32_0 = arith.constant 0 : i32
    %c0_i32_1 = arith.constant 0 : i32
    %c0_i32_2 = arith.constant 0 : i32
    return %c0_i32, %c0_i32_0, %c0_i32_1 : i32, i32, i32
  }
  func.func @transform_3(%arg0: i32) -> (i32, i32, i32) {
    %c0_i32 = arith.constant 0 : i32
    %c0_i32_0 = arith.constant 0 : i32
    %c0_i32_1 = arith.constant 0 : i32
    %c0_i32_2 = arith.constant 0 : i32
    return %c0_i32, %c0_i32_0, %c0_i32_1 : i32, i32, i32
  }
  func.func @transform_4(%arg0: i32) -> (i32, i32, i32) {
    %c0_i32 = arith.constant 0 : i32
    %c0_i32_0 = arith.constant 0 : i32
    %c0_i32_1 = arith.constant 0 : i32
    return %arg0, %c0_i32, %c0_i32_0 : i32, i32, i32
  }
  func.func @transform_5(%arg0: i32) -> (i32, i32, i32) {
    %c0_i32 = arith.constant 0 : i32
    %c0_i32_0 = arith.constant 0 : i32
    %c0_i32_1 = arith.constant 0 : i32
    %c0_i32_2 = arith.constant 0 : i32
    return %c0_i32, %c0_i32_0, %c0_i32_1 : i32, i32, i32
  }
}

module attributes {stable_mosaic.version = 14 : i64} {
  func.func @_add4_body(%arg0: memref<10000x1x1xf32, #tpu.memory_space<vmem>>, %arg1: memref<10000x1x1xf32, #tpu.memory_space<vmem>>, %arg2: memref<10000x1x1xf32, #tpu.memory_space<vmem>>, %arg3: memref<10000x1x1xf32, #tpu.memory_space<vmem>>, %arg4: memref<10000x1x1xf32, #tpu.memory_space<vmem>>) attributes {dimension_semantics = [], scalar_prefetch = 0 : i64, scratch_operands = 0 : i64, tpu.core_type = #tpu.core_type<tc>} {
    %get3A = arith.constant 0 : index
    %get3A_0 = arith.constant 0 : index
    %get3A_1 = arith.constant 0 : index
    %get3A_2 = vector.load %arg0[%get3A, %get3A_0, %get3A_1] : memref<10000x1x1xf32, #tpu.memory_space<vmem>>, vector<10000x1x1xf32>
    %get3A_3 = arith.constant 0 : index
    %get3A_4 = arith.constant 0 : index
    %get3A_5 = arith.constant 0 : index
    %get3A_6 = vector.load %arg1[%get3A_3, %get3A_4, %get3A_5] : memref<10000x1x1xf32, #tpu.memory_space<vmem>>, vector<10000x1x1xf32>
    %add3A = arith.addf %get3A_2, %get3A_6 : vector<10000x1x1xf32>
    %get3A_7 = arith.constant 0 : index
    %get3A_8 = arith.constant 0 : index
    %get3A_9 = arith.constant 0 : index
    %get3A_10 = vector.load %arg2[%get3A_7, %get3A_8, %get3A_9] : memref<10000x1x1xf32, #tpu.memory_space<vmem>>, vector<10000x1x1xf32>
    %add3A_11 = arith.addf %add3A, %get3A_10 : vector<10000x1x1xf32>
    %get3A_12 = arith.constant 0 : index
    %get3A_13 = arith.constant 0 : index
    %get3A_14 = arith.constant 0 : index
    %get3A_15 = vector.load %arg3[%get3A_12, %get3A_13, %get3A_14] : memref<10000x1x1xf32, #tpu.memory_space<vmem>>, vector<10000x1x1xf32>
    %add3A_16 = arith.addf %add3A_11, %get3A_15 : vector<10000x1x1xf32>
    %swap3A = arith.constant 0 : index
    %swap3A_17 = arith.constant 0 : index
    %swap3A_18 = arith.constant 0 : index
    %swap3A_19 = vector.load %arg4[%swap3A, %swap3A_17, %swap3A_18] : memref<10000x1x1xf32, #tpu.memory_space<vmem>>, vector<10000x1x1xf32>
    tpu.vector_store %arg4[%swap3A, %swap3A_17, %swap3A_18], %add3A_16 {strides = array<i32>} : memref<10000x1x1xf32, #tpu.memory_space<vmem>>, vector<10000x1x1xf32>,
    return
  }
}

module attributes {stable_mosaic.version = 14 : i64} {
  func.func @_edge_agg_body(%arg0: i32, %arg1: memref<80000xi32, #tpu.memory_space<smem>>, %arg2: memref<1x2x128xf32, #tpu.memory_space<vmem>>, %arg3: memref<1x2x128xf32, #tpu.memory_space<vmem>>, %arg4: memref<1x2x128xf32, #tpu.memory_space<vmem>>, %arg5: memref<1x2x128xf32, #tpu.memory_space<vmem>>, %arg6: memref<1x2x128xf32, #tpu.memory_space<vmem>>, %arg7: memref<1x2x128xf32, #tpu.memory_space<vmem>>, %arg8: memref<1x2x128xf32, #tpu.memory_space<vmem>>, %arg9: memref<1x2x128xf32, #tpu.memory_space<vmem>>, %arg10: memref<80000xi32, #tpu.memory_space<smem>>, %arg11: memref<8x1x1xf32, #tpu.memory_space<vmem>>, %arg12: memref<10000x1x1xf32, #tpu.memory_space<vmem>>, %arg13: memref<8x1x1xf32, #tpu.memory_space<vmem>>, %arg14: memref<10000x2x128xf32, #tpu.memory_space<vmem>>) attributes {dimension_semantics = [#tpu.dimension_semantics<arbitrary>], iteration_bounds = array<i64: 10000>, scalar_prefetch = 1 : i64, scratch_operands = 0 : i64, tpu.core_type = #tpu.core_type<tc>, window_params = [{transform_indices = @transform_0, window_bounds = array<i64: 1, 2, 128>}, {transform_indices = @transform_1, window_bounds = array<i64: 1, 2, 128>}, {transform_indices = @transform_2, window_bounds = array<i64: 1, 2, 128>}, {transform_indices = @transform_3, window_bounds = array<i64: 1, 2, 128>}, {transform_indices = @transform_4, window_bounds = array<i64: 1, 2, 128>}, {transform_indices = @transform_5, window_bounds = array<i64: 1, 2, 128>}, {transform_indices = @transform_6, window_bounds = array<i64: 1, 2, 128>}, {transform_indices = @transform_7, window_bounds = array<i64: 1, 2, 128>}, {transform_indices = @transform_8, window_bounds = array<i64: 80000>}, {transform_indices = @transform_9, window_bounds = array<i64: 8, 1, 1>}, {pipeline_mode = #tpu.pipeline_mode<synchronous>, transform_indices = @transform_10, window_bounds = array<i64: 10000, 1, 1>}, {transform_indices = @transform_11, window_bounds = array<i64: 8, 1, 1>}, {pipeline_mode = #tpu.pipeline_mode<synchronous>, transform_indices = @transform_12, window_bounds = array<i64: 10000, 2, 128>}]} {
    %eq3A = arith.constant 0 : i32
    %eq3A_0 = arith.cmpi eq, %arg0, %eq3A : i32
    %convert_element_type3A = arith.extui %eq3A_0 : i1 to i32
    %cond3A = arith.constant 0 : i32
    %cond3A_1 = arith.cmpi ne, %convert_element_type3A, %cond3A : i32
    scf.if %cond3A_1 {
      %broadcast_in_dim3A = arith.constant 0.000000e+00 : f32
      %broadcast_in_dim3A_279 = vector.broadcast %broadcast_in_dim3A : f32 to vector<10000x2x128xf32>
      %swap3A_280 = arith.constant 0 : index
      %swap3A_281 = arith.constant 0 : index
      %swap3A_282 = arith.constant 0 : index
      %swap3A_283 = vector.load %arg14[%swap3A_280, %swap3A_281, %swap3A_282] : memref<10000x2x128xf32, #tpu.memory_space<vmem>>, vector<10000x2x128xf32>
      tpu.vector_store %arg14[%swap3A_280, %swap3A_281, %swap3A_282], %broadcast_in_dim3A_279 {strides = array<i32>} : memref<10000x2x128xf32, #tpu.memory_space<vmem>>, vector<10000x2x128xf32>,
    } else {
    }
    %mul3A = arith.constant 8 : i32
    %mul3A_2 = arith.muli %arg0, %mul3A : i32
    %add3A = arith.constant 0 : i32
    %add3A_3 = arith.addi %mul3A_2, %add3A : i32
    %get3A = arith.index_cast %add3A_3 : i32 to index
    %get3A_4 = memref.load %arg10[%get3A] : memref<80000xi32, #tpu.memory_space<smem>>
    %get3A_5 = arith.constant 0 : index
    %get3A_6 = arith.constant 0 : index
    %get3A_7 = arith.constant 0 : index
    %get3A_8 = vector.load %arg11[%get3A_5, %get3A_6, %get3A_7] : memref<8x1x1xf32, #tpu.memory_space<vmem>>, vector<1x1x1xf32>
    %get3A_9 = arith.index_cast %get3A_4 : i32 to index
    %get3A_10 = arith.constant 0 : index
    %get3A_11 = arith.constant 0 : index
    %get3A_12 = vector.load %arg12[%get3A_9, %get3A_10, %get3A_11] : memref<10000x1x1xf32, #tpu.memory_space<vmem>>, vector<1x1x1xf32>
    %add3A_13 = arith.constant 1.000000e-16 : f32
    %add3A_14 = vector.broadcast %add3A_13 : f32 to vector<1x1x1xf32>
    %add3A_15 = arith.addf %get3A_12, %add3A_14 : vector<1x1x1xf32>
    %div3A = arith.divf %get3A_8, %add3A_15 : vector<1x1x1xf32>
    %swap3A = arith.constant 0 : index
    %swap3A_16 = arith.constant 0 : index
    %swap3A_17 = arith.constant 0 : index
    %swap3A_18 = vector.load %arg13[%swap3A, %swap3A_16, %swap3A_17] : memref<8x1x1xf32, #tpu.memory_space<vmem>>, vector<1x1x1xf32>
    tpu.vector_store %arg13[%swap3A, %swap3A_16, %swap3A_17], %div3A {strides = array<i32>} : memref<8x1x1xf32, #tpu.memory_space<vmem>>, vector<1x1x1xf32>,
    %get3A_19 = arith.constant 0 : index
    %get3A_20 = arith.constant 0 : index
    %get3A_21 = arith.constant 0 : index
    %get3A_22 = vector.load %arg2[%get3A_19, %get3A_20, %get3A_21] : memref<1x2x128xf32, #tpu.memory_space<vmem>>, vector<1x2x128xf32>
    %mul3A_23 = vector.broadcast %div3A : vector<1x1x1xf32> to vector<1x2x128xf32>
    %mul3A_24 = arith.mulf %get3A_22, %mul3A_23 : vector<1x2x128xf32>
    %get3A_25 = arith.index_cast %get3A_4 : i32 to index
    %get3A_26 = arith.constant 0 : index
    %get3A_27 = arith.constant 0 : index
    %get3A_28 = vector.load %arg14[%get3A_25, %get3A_26, %get3A_27] : memref<10000x2x128xf32, #tpu.memory_space<vmem>>, vector<1x2x128xf32>
    %add3A_29 = arith.addf %get3A_28, %mul3A_24 : vector<1x2x128xf32>
    %swap3A_30 = arith.index_cast %get3A_4 : i32 to index
    %swap3A_31 = arith.constant 0 : index
    %swap3A_32 = arith.constant 0 : index
    %swap3A_33 = vector.load %arg14[%swap3A_30, %swap3A_31, %swap3A_32] : memref<10000x2x128xf32, #tpu.memory_space<vmem>>, vector<1x2x128xf32>
    tpu.vector_store %arg14[%swap3A_30, %swap3A_31, %swap3A_32], %add3A_29 {strides = array<i32>} : memref<10000x2x128xf32, #tpu.memory_space<vmem>>, vector<1x2x128xf32>,
    %add3A_34 = arith.constant 1 : i32
    %add3A_35 = arith.addi %mul3A_2, %add3A_34 : i32
    %get3A_36 = arith.index_cast %add3A_35 : i32 to index
    %get3A_37 = memref.load %arg10[%get3A_36] : memref<80000xi32, #tpu.memory_space<smem>>
    %get3A_38 = arith.constant 1 : index
    %get3A_39 = arith.constant 0 : index
    %get3A_40 = arith.constant 0 : index
    %get3A_41 = vector.load %arg11[%get3A_38, %get3A_39, %get3A_40] : memref<8x1x1xf32, #tpu.memory_space<vmem>>, vector<1x1x1xf32>
    %get3A_42 = arith.index_cast %get3A_37 : i32 to index
    %get3A_43 = arith.constant 0 : index
    %get3A_44 = arith.constant 0 : index
    %get3A_45 = vector.load %arg12[%get3A_42, %get3A_43, %get3A_44] : memref<10000x1x1xf32, #tpu.memory_space<vmem>>, vector<1x1x1xf32>
    %add3A_46 = arith.constant 1.000000e-16 : f32
    %add3A_47 = vector.broadcast %add3A_46 : f32 to vector<1x1x1xf32>
    %add3A_48 = arith.addf %get3A_45, %add3A_47 : vector<1x1x1xf32>
    %div3A_49 = arith.divf %get3A_41, %add3A_48 : vector<1x1x1xf32>
    %swap3A_50 = arith.constant 1 : index
    %swap3A_51 = arith.constant 0 : index
    %swap3A_52 = arith.constant 0 : index
    %swap3A_53 = vector.load %arg13[%swap3A_50, %swap3A_51, %swap3A_52] : memref<8x1x1xf32, #tpu.memory_space<vmem>>, vector<1x1x1xf32>
    tpu.vector_store %arg13[%swap3A_50, %swap3A_51, %swap3A_52], %div3A_49 {strides = array<i32>} : memref<8x1x1xf32, #tpu.memory_space<vmem>>, vector<1x1x1xf32>,
    %get3A_54 = arith.constant 0 : index
    %get3A_55 = arith.constant 0 : index
    %get3A_56 = arith.constant 0 : index
    %get3A_57 = vector.load %arg3[%get3A_54, %get3A_55, %get3A_56] : memref<1x2x128xf32, #tpu.memory_space<vmem>>, vector<1x2x128xf32>
    %mul3A_58 = vector.broadcast %div3A_49 : vector<1x1x1xf32> to vector<1x2x128xf32>
    %mul3A_59 = arith.mulf %get3A_57, %mul3A_58 : vector<1x2x128xf32>
    %get3A_60 = arith.index_cast %get3A_37 : i32 to index
    %get3A_61 = arith.constant 0 : index
    %get3A_62 = arith.constant 0 : index
    %get3A_63 = vector.load %arg14[%get3A_60, %get3A_61, %get3A_62] : memref<10000x2x128xf32, #tpu.memory_space<vmem>>, vector<1x2x128xf32>
    %add3A_64 = arith.addf %get3A_63, %mul3A_59 : vector<1x2x128xf32>
    %swap3A_65 = arith.index_cast %get3A_37 : i32 to index
    %swap3A_66 = arith.constant 0 : index
    %swap3A_67 = arith.constant 0 : index
    %swap3A_68 = vector.load %arg14[%swap3A_65, %swap3A_66, %swap3A_67] : memref<10000x2x128xf32, #tpu.memory_space<vmem>>, vector<1x2x128xf32>
    tpu.vector_store %arg14[%swap3A_65, %swap3A_66, %swap3A_67], %add3A_64 {strides = array<i32>} : memref<10000x2x128xf32, #tpu.memory_space<vmem>>, vector<1x2x128xf32>,
    %add3A_69 = arith.constant 2 : i32
    %add3A_70 = arith.addi %mul3A_2, %add3A_69 : i32
    %get3A_71 = arith.index_cast %add3A_70 : i32 to index
    %get3A_72 = memref.load %arg10[%get3A_71] : memref<80000xi32, #tpu.memory_space<smem>>
    %get3A_73 = arith.constant 2 : index
    %get3A_74 = arith.constant 0 : index
    %get3A_75 = arith.constant 0 : index
    %get3A_76 = vector.load %arg11[%get3A_73, %get3A_74, %get3A_75] : memref<8x1x1xf32, #tpu.memory_space<vmem>>, vector<1x1x1xf32>
    %get3A_77 = arith.index_cast %get3A_72 : i32 to index
    %get3A_78 = arith.constant 0 : index
    %get3A_79 = arith.constant 0 : index
    %get3A_80 = vector.load %arg12[%get3A_77, %get3A_78, %get3A_79] : memref<10000x1x1xf32, #tpu.memory_space<vmem>>, vector<1x1x1xf32>
    %add3A_81 = arith.constant 1.000000e-16 : f32
    %add3A_82 = vector.broadcast %add3A_81 : f32 to vector<1x1x1xf32>
    %add3A_83 = arith.addf %get3A_80, %add3A_82 : vector<1x1x1xf32>
    %div3A_84 = arith.divf %get3A_76, %add3A_83 : vector<1x1x1xf32>
    %swap3A_85 = arith.constant 2 : index
    %swap3A_86 = arith.constant 0 : index
    %swap3A_87 = arith.constant 0 : index
    %swap3A_88 = vector.load %arg13[%swap3A_85, %swap3A_86, %swap3A_87] : memref<8x1x1xf32, #tpu.memory_space<vmem>>, vector<1x1x1xf32>
    tpu.vector_store %arg13[%swap3A_85, %swap3A_86, %swap3A_87], %div3A_84 {strides = array<i32>} : memref<8x1x1xf32, #tpu.memory_space<vmem>>, vector<1x1x1xf32>,
    %get3A_89 = arith.constant 0 : index
    %get3A_90 = arith.constant 0 : index
    %get3A_91 = arith.constant 0 : index
    %get3A_92 = vector.load %arg4[%get3A_89, %get3A_90, %get3A_91] : memref<1x2x128xf32, #tpu.memory_space<vmem>>, vector<1x2x128xf32>
    %mul3A_93 = vector.broadcast %div3A_84 : vector<1x1x1xf32> to vector<1x2x128xf32>
    %mul3A_94 = arith.mulf %get3A_92, %mul3A_93 : vector<1x2x128xf32>
    %get3A_95 = arith.index_cast %get3A_72 : i32 to index
    %get3A_96 = arith.constant 0 : index
    %get3A_97 = arith.constant 0 : index
    %get3A_98 = vector.load %arg14[%get3A_95, %get3A_96, %get3A_97] : memref<10000x2x128xf32, #tpu.memory_space<vmem>>, vector<1x2x128xf32>
    %add3A_99 = arith.addf %get3A_98, %mul3A_94 : vector<1x2x128xf32>
    %swap3A_100 = arith.index_cast %get3A_72 : i32 to index
    %swap3A_101 = arith.constant 0 : index
    %swap3A_102 = arith.constant 0 : index
    %swap3A_103 = vector.load %arg14[%swap3A_100, %swap3A_101, %swap3A_102] : memref<10000x2x128xf32, #tpu.memory_space<vmem>>, vector<1x2x128xf32>
    tpu.vector_store %arg14[%swap3A_100, %swap3A_101, %swap3A_102], %add3A_99 {strides = array<i32>} : memref<10000x2x128xf32, #tpu.memory_space<vmem>>, vector<1x2x128xf32>,
    %add3A_104 = arith.constant 3 : i32
    %add3A_105 = arith.addi %mul3A_2, %add3A_104 : i32
    %get3A_106 = arith.index_cast %add3A_105 : i32 to index
    %get3A_107 = memref.load %arg10[%get3A_106] : memref<80000xi32, #tpu.memory_space<smem>>
    %get3A_108 = arith.constant 3 : index
    %get3A_109 = arith.constant 0 : index
    %get3A_110 = arith.constant 0 : index
    %get3A_111 = vector.load %arg11[%get3A_108, %get3A_109, %get3A_110] : memref<8x1x1xf32, #tpu.memory_space<vmem>>, vector<1x1x1xf32>
    %get3A_112 = arith.index_cast %get3A_107 : i32 to index
    %get3A_113 = arith.constant 0 : index
    %get3A_114 = arith.constant 0 : index
    %get3A_115 = vector.load %arg12[%get3A_112, %get3A_113, %get3A_114] : memref<10000x1x1xf32, #tpu.memory_space<vmem>>, vector<1x1x1xf32>
    %add3A_116 = arith.constant 1.000000e-16 : f32
    %add3A_117 = vector.broadcast %add3A_116 : f32 to vector<1x1x1xf32>
    %add3A_118 = arith.addf %get3A_115, %add3A_117 : vector<1x1x1xf32>
    %div3A_119 = arith.divf %get3A_111, %add3A_118 : vector<1x1x1xf32>
    %swap3A_120 = arith.constant 3 : index
    %swap3A_121 = arith.constant 0 : index
    %swap3A_122 = arith.constant 0 : index
    %swap3A_123 = vector.load %arg13[%swap3A_120, %swap3A_121, %swap3A_122] : memref<8x1x1xf32, #tpu.memory_space<vmem>>, vector<1x1x1xf32>
    tpu.vector_store %arg13[%swap3A_120, %swap3A_121, %swap3A_122], %div3A_119 {strides = array<i32>} : memref<8x1x1xf32, #tpu.memory_space<vmem>>, vector<1x1x1xf32>,
    %get3A_124 = arith.constant 0 : index
    %get3A_125 = arith.constant 0 : index
    %get3A_126 = arith.constant 0 : index
    %get3A_127 = vector.load %arg5[%get3A_124, %get3A_125, %get3A_126] : memref<1x2x128xf32, #tpu.memory_space<vmem>>, vector<1x2x128xf32>
    %mul3A_128 = vector.broadcast %div3A_119 : vector<1x1x1xf32> to vector<1x2x128xf32>
    %mul3A_129 = arith.mulf %get3A_127, %mul3A_128 : vector<1x2x128xf32>
    %get3A_130 = arith.index_cast %get3A_107 : i32 to index
    %get3A_131 = arith.constant 0 : index
    %get3A_132 = arith.constant 0 : index
    %get3A_133 = vector.load %arg14[%get3A_130, %get3A_131, %get3A_132] : memref<10000x2x128xf32, #tpu.memory_space<vmem>>, vector<1x2x128xf32>
    %add3A_134 = arith.addf %get3A_133, %mul3A_129 : vector<1x2x128xf32>
    %swap3A_135 = arith.index_cast %get3A_107 : i32 to index
    %swap3A_136 = arith.constant 0 : index
    %swap3A_137 = arith.constant 0 : index
    %swap3A_138 = vector.load %arg14[%swap3A_135, %swap3A_136, %swap3A_137] : memref<10000x2x128xf32, #tpu.memory_space<vmem>>, vector<1x2x128xf32>
    tpu.vector_store %arg14[%swap3A_135, %swap3A_136, %swap3A_137], %add3A_134 {strides = array<i32>} : memref<10000x2x128xf32, #tpu.memory_space<vmem>>, vector<1x2x128xf32>,
    %add3A_139 = arith.constant 4 : i32
    %add3A_140 = arith.addi %mul3A_2, %add3A_139 : i32
    %get3A_141 = arith.index_cast %add3A_140 : i32 to index
    %get3A_142 = memref.load %arg10[%get3A_141] : memref<80000xi32, #tpu.memory_space<smem>>
    %get3A_143 = arith.constant 4 : index
    %get3A_144 = arith.constant 0 : index
    %get3A_145 = arith.constant 0 : index
    %get3A_146 = vector.load %arg11[%get3A_143, %get3A_144, %get3A_145] : memref<8x1x1xf32, #tpu.memory_space<vmem>>, vector<1x1x1xf32>
    %get3A_147 = arith.index_cast %get3A_142 : i32 to index
    %get3A_148 = arith.constant 0 : index
    %get3A_149 = arith.constant 0 : index
    %get3A_150 = vector.load %arg12[%get3A_147, %get3A_148, %get3A_149] : memref<10000x1x1xf32, #tpu.memory_space<vmem>>, vector<1x1x1xf32>
    %add3A_151 = arith.constant 1.000000e-16 : f32
    %add3A_152 = vector.broadcast %add3A_151 : f32 to vector<1x1x1xf32>
    %add3A_153 = arith.addf %get3A_150, %add3A_152 : vector<1x1x1xf32>
    %div3A_154 = arith.divf %get3A_146, %add3A_153 : vector<1x1x1xf32>
    %swap3A_155 = arith.constant 4 : index
    %swap3A_156 = arith.constant 0 : index
    %swap3A_157 = arith.constant 0 : index
    %swap3A_158 = vector.load %arg13[%swap3A_155, %swap3A_156, %swap3A_157] : memref<8x1x1xf32, #tpu.memory_space<vmem>>, vector<1x1x1xf32>
    tpu.vector_store %arg13[%swap3A_155, %swap3A_156, %swap3A_157], %div3A_154 {strides = array<i32>} : memref<8x1x1xf32, #tpu.memory_space<vmem>>, vector<1x1x1xf32>,
    %get3A_159 = arith.constant 0 : index
    %get3A_160 = arith.constant 0 : index
    %get3A_161 = arith.constant 0 : index
    %get3A_162 = vector.load %arg6[%get3A_159, %get3A_160, %get3A_161] : memref<1x2x128xf32, #tpu.memory_space<vmem>>, vector<1x2x128xf32>
    %mul3A_163 = vector.broadcast %div3A_154 : vector<1x1x1xf32> to vector<1x2x128xf32>
    %mul3A_164 = arith.mulf %get3A_162, %mul3A_163 : vector<1x2x128xf32>
    %get3A_165 = arith.index_cast %get3A_142 : i32 to index
    %get3A_166 = arith.constant 0 : index
    %get3A_167 = arith.constant 0 : index
    %get3A_168 = vector.load %arg14[%get3A_165, %get3A_166, %get3A_167] : memref<10000x2x128xf32, #tpu.memory_space<vmem>>, vector<1x2x128xf32>
    %add3A_169 = arith.addf %get3A_168, %mul3A_164 : vector<1x2x128xf32>
    %swap3A_170 = arith.index_cast %get3A_142 : i32 to index
    %swap3A_171 = arith.constant 0 : index
    %swap3A_172 = arith.constant 0 : index
    %swap3A_173 = vector.load %arg14[%swap3A_170, %swap3A_171, %swap3A_172] : memref<10000x2x128xf32, #tpu.memory_space<vmem>>, vector<1x2x128xf32>
    tpu.vector_store %arg14[%swap3A_170, %swap3A_171, %swap3A_172], %add3A_169 {strides = array<i32>} : memref<10000x2x128xf32, #tpu.memory_space<vmem>>, vector<1x2x128xf32>,
    %add3A_174 = arith.constant 5 : i32
    %add3A_175 = arith.addi %mul3A_2, %add3A_174 : i32
    %get3A_176 = arith.index_cast %add3A_175 : i32 to index
    %get3A_177 = memref.load %arg10[%get3A_176] : memref<80000xi32, #tpu.memory_space<smem>>
    %get3A_178 = arith.constant 5 : index
    %get3A_179 = arith.constant 0 : index
    %get3A_180 = arith.constant 0 : index
    %get3A_181 = vector.load %arg11[%get3A_178, %get3A_179, %get3A_180] : memref<8x1x1xf32, #tpu.memory_space<vmem>>, vector<1x1x1xf32>
    %get3A_182 = arith.index_cast %get3A_177 : i32 to index
    %get3A_183 = arith.constant 0 : index
    %get3A_184 = arith.constant 0 : index
    %get3A_185 = vector.load %arg12[%get3A_182, %get3A_183, %get3A_184] : memref<10000x1x1xf32, #tpu.memory_space<vmem>>, vector<1x1x1xf32>
    %add3A_186 = arith.constant 1.000000e-16 : f32
    %add3A_187 = vector.broadcast %add3A_186 : f32 to vector<1x1x1xf32>
    %add3A_188 = arith.addf %get3A_185, %add3A_187 : vector<1x1x1xf32>
    %div3A_189 = arith.divf %get3A_181, %add3A_188 : vector<1x1x1xf32>
    %swap3A_190 = arith.constant 5 : index
    %swap3A_191 = arith.constant 0 : index
    %swap3A_192 = arith.constant 0 : index
    %swap3A_193 = vector.load %arg13[%swap3A_190, %swap3A_191, %swap3A_192] : memref<8x1x1xf32, #tpu.memory_space<vmem>>, vector<1x1x1xf32>
    tpu.vector_store %arg13[%swap3A_190, %swap3A_191, %swap3A_192], %div3A_189 {strides = array<i32>} : memref<8x1x1xf32, #tpu.memory_space<vmem>>, vector<1x1x1xf32>,
    %get3A_194 = arith.constant 0 : index
    %get3A_195 = arith.constant 0 : index
    %get3A_196 = arith.constant 0 : index
    %get3A_197 = vector.load %arg7[%get3A_194, %get3A_195, %get3A_196] : memref<1x2x128xf32, #tpu.memory_space<vmem>>, vector<1x2x128xf32>
    %mul3A_198 = vector.broadcast %div3A_189 : vector<1x1x1xf32> to vector<1x2x128xf32>
    %mul3A_199 = arith.mulf %get3A_197, %mul3A_198 : vector<1x2x128xf32>
    %get3A_200 = arith.index_cast %get3A_177 : i32 to index
    %get3A_201 = arith.constant 0 : index
    %get3A_202 = arith.constant 0 : index
    %get3A_203 = vector.load %arg14[%get3A_200, %get3A_201, %get3A_202] : memref<10000x2x128xf32, #tpu.memory_space<vmem>>, vector<1x2x128xf32>
    %add3A_204 = arith.addf %get3A_203, %mul3A_199 : vector<1x2x128xf32>
    %swap3A_205 = arith.index_cast %get3A_177 : i32 to index
    %swap3A_206 = arith.constant 0 : index
    %swap3A_207 = arith.constant 0 : index
    %swap3A_208 = vector.load %arg14[%swap3A_205, %swap3A_206, %swap3A_207] : memref<10000x2x128xf32, #tpu.memory_space<vmem>>, vector<1x2x128xf32>
    tpu.vector_store %arg14[%swap3A_205, %swap3A_206, %swap3A_207], %add3A_204 {strides = array<i32>} : memref<10000x2x128xf32, #tpu.memory_space<vmem>>, vector<1x2x128xf32>,
    %add3A_209 = arith.constant 6 : i32
    %add3A_210 = arith.addi %mul3A_2, %add3A_209 : i32
    %get3A_211 = arith.index_cast %add3A_210 : i32 to index
    %get3A_212 = memref.load %arg10[%get3A_211] : memref<80000xi32, #tpu.memory_space<smem>>
    %get3A_213 = arith.constant 6 : index
    %get3A_214 = arith.constant 0 : index
    %get3A_215 = arith.constant 0 : index
    %get3A_216 = vector.load %arg11[%get3A_213, %get3A_214, %get3A_215] : memref<8x1x1xf32, #tpu.memory_space<vmem>>, vector<1x1x1xf32>
    %get3A_217 = arith.index_cast %get3A_212 : i32 to index
    %get3A_218 = arith.constant 0 : index
    %get3A_219 = arith.constant 0 : index
    %get3A_220 = vector.load %arg12[%get3A_217, %get3A_218, %get3A_219] : memref<10000x1x1xf32, #tpu.memory_space<vmem>>, vector<1x1x1xf32>
    %add3A_221 = arith.constant 1.000000e-16 : f32
    %add3A_222 = vector.broadcast %add3A_221 : f32 to vector<1x1x1xf32>
    %add3A_223 = arith.addf %get3A_220, %add3A_222 : vector<1x1x1xf32>
    %div3A_224 = arith.divf %get3A_216, %add3A_223 : vector<1x1x1xf32>
    %swap3A_225 = arith.constant 6 : index
    %swap3A_226 = arith.constant 0 : index
    %swap3A_227 = arith.constant 0 : index
    %swap3A_228 = vector.load %arg13[%swap3A_225, %swap3A_226, %swap3A_227] : memref<8x1x1xf32, #tpu.memory_space<vmem>>, vector<1x1x1xf32>
    tpu.vector_store %arg13[%swap3A_225, %swap3A_226, %swap3A_227], %div3A_224 {strides = array<i32>} : memref<8x1x1xf32, #tpu.memory_space<vmem>>, vector<1x1x1xf32>,
    %get3A_229 = arith.constant 0 : index
    %get3A_230 = arith.constant 0 : index
    %get3A_231 = arith.constant 0 : index
    %get3A_232 = vector.load %arg8[%get3A_229, %get3A_230, %get3A_231] : memref<1x2x128xf32, #tpu.memory_space<vmem>>, vector<1x2x128xf32>
    %mul3A_233 = vector.broadcast %div3A_224 : vector<1x1x1xf32> to vector<1x2x128xf32>
    %mul3A_234 = arith.mulf %get3A_232, %mul3A_233 : vector<1x2x128xf32>
    %get3A_235 = arith.index_cast %get3A_212 : i32 to index
    %get3A_236 = arith.constant 0 : index
    %get3A_237 = arith.constant 0 : index
    %get3A_238 = vector.load %arg14[%get3A_235, %get3A_236, %get3A_237] : memref<10000x2x128xf32, #tpu.memory_space<vmem>>, vector<1x2x128xf32>
    %add3A_239 = arith.addf %get3A_238, %mul3A_234 : vector<1x2x128xf32>
    %swap3A_240 = arith.index_cast %get3A_212 : i32 to index
    %swap3A_241 = arith.constant 0 : index
    %swap3A_242 = arith.constant 0 : index
    %swap3A_243 = vector.load %arg14[%swap3A_240, %swap3A_241, %swap3A_242] : memref<10000x2x128xf32, #tpu.memory_space<vmem>>, vector<1x2x128xf32>
    tpu.vector_store %arg14[%swap3A_240, %swap3A_241, %swap3A_242], %add3A_239 {strides = array<i32>} : memref<10000x2x128xf32, #tpu.memory_space<vmem>>, vector<1x2x128xf32>,
    %add3A_244 = arith.constant 7 : i32
    %add3A_245 = arith.addi %mul3A_2, %add3A_244 : i32
    %get3A_246 = arith.index_cast %add3A_245 : i32 to index
    %get3A_247 = memref.load %arg10[%get3A_246] : memref<80000xi32, #tpu.memory_space<smem>>
    %get3A_248 = arith.constant 7 : index
    %get3A_249 = arith.constant 0 : index
    %get3A_250 = arith.constant 0 : index
    %get3A_251 = vector.load %arg11[%get3A_248, %get3A_249, %get3A_250] : memref<8x1x1xf32, #tpu.memory_space<vmem>>, vector<1x1x1xf32>
    %get3A_252 = arith.index_cast %get3A_247 : i32 to index
    %get3A_253 = arith.constant 0 : index
    %get3A_254 = arith.constant 0 : index
    %get3A_255 = vector.load %arg12[%get3A_252, %get3A_253, %get3A_254] : memref<10000x1x1xf32, #tpu.memory_space<vmem>>, vector<1x1x1xf32>
    %add3A_256 = arith.constant 1.000000e-16 : f32
    %add3A_257 = vector.broadcast %add3A_256 : f32 to vector<1x1x1xf32>
    %add3A_258 = arith.addf %get3A_255, %add3A_257 : vector<1x1x1xf32>
    %div3A_259 = arith.divf %get3A_251, %add3A_258 : vector<1x1x1xf32>
    %swap3A_260 = arith.constant 7 : index
    %swap3A_261 = arith.constant 0 : index
    %swap3A_262 = arith.constant 0 : index
    %swap3A_263 = vector.load %arg13[%swap3A_260, %swap3A_261, %swap3A_262] : memref<8x1x1xf32, #tpu.memory_space<vmem>>, vector<1x1x1xf32>
    tpu.vector_store %arg13[%swap3A_260, %swap3A_261, %swap3A_262], %div3A_259 {strides = array<i32>} : memref<8x1x1xf32, #tpu.memory_space<vmem>>, vector<1x1x1xf32>,
    %get3A_264 = arith.constant 0 : index
    %get3A_265 = arith.constant 0 : index
    %get3A_266 = arith.constant 0 : index
    %get3A_267 = vector.load %arg9[%get3A_264, %get3A_265, %get3A_266] : memref<1x2x128xf32, #tpu.memory_space<vmem>>, vector<1x2x128xf32>
    %mul3A_268 = vector.broadcast %div3A_259 : vector<1x1x1xf32> to vector<1x2x128xf32>
    %mul3A_269 = arith.mulf %get3A_267, %mul3A_268 : vector<1x2x128xf32>
    %get3A_270 = arith.index_cast %get3A_247 : i32 to index
    %get3A_271 = arith.constant 0 : index
    %get3A_272 = arith.constant 0 : index
    %get3A_273 = vector.load %arg14[%get3A_270, %get3A_271, %get3A_272] : memref<10000x2x128xf32, #tpu.memory_space<vmem>>, vector<1x2x128xf32>
    %add3A_274 = arith.addf %get3A_273, %mul3A_269 : vector<1x2x128xf32>
    %swap3A_275 = arith.index_cast %get3A_247 : i32 to index
    %swap3A_276 = arith.constant 0 : index
    %swap3A_277 = arith.constant 0 : index
    %swap3A_278 = vector.load %arg14[%swap3A_275, %swap3A_276, %swap3A_277] : memref<10000x2x128xf32, #tpu.memory_space<vmem>>, vector<1x2x128xf32>
    tpu.vector_store %arg14[%swap3A_275, %swap3A_276, %swap3A_277], %add3A_274 {strides = array<i32>} : memref<10000x2x128xf32, #tpu.memory_space<vmem>>, vector<1x2x128xf32>,
    return
  }
  func.func @transform_0(%arg0: i32, %arg1: memref<80000xi32, #tpu.memory_space<smem>>) -> (i32, i32, i32) {
    %mul3A = arith.constant 8 : i32
    %mul3A_0 = arith.muli %arg0, %mul3A : i32
    %add3A = arith.constant 0 : i32
    %add3A_1 = arith.addi %mul3A_0, %add3A : i32
    %get3A = arith.index_cast %add3A_1 : i32 to index
    %get3A_2 = memref.load %arg1[%get3A] : memref<80000xi32, #tpu.memory_space<smem>>
    %c0_i32 = arith.constant 0 : i32
    %c0_i32_3 = arith.constant 0 : i32
    %c0_i32_4 = arith.constant 0 : i32
    return %get3A_2, %c0_i32, %c0_i32_3 : i32, i32, i32
  }
  func.func @transform_1(%arg0: i32, %arg1: memref<80000xi32, #tpu.memory_space<smem>>) -> (i32, i32, i32) {
    %mul3A = arith.constant 8 : i32
    %mul3A_0 = arith.muli %arg0, %mul3A : i32
    %add3A = arith.constant 1 : i32
    %add3A_1 = arith.addi %mul3A_0, %add3A : i32
    %get3A = arith.index_cast %add3A_1 : i32 to index
    %get3A_2 = memref.load %arg1[%get3A] : memref<80000xi32, #tpu.memory_space<smem>>
    %c0_i32 = arith.constant 0 : i32
    %c0_i32_3 = arith.constant 0 : i32
    %c0_i32_4 = arith.constant 0 : i32
    return %get3A_2, %c0_i32, %c0_i32_3 : i32, i32, i32
  }
  func.func @transform_2(%arg0: i32, %arg1: memref<80000xi32, #tpu.memory_space<smem>>) -> (i32, i32, i32) {
    %mul3A = arith.constant 8 : i32
    %mul3A_0 = arith.muli %arg0, %mul3A : i32
    %add3A = arith.constant 2 : i32
    %add3A_1 = arith.addi %mul3A_0, %add3A : i32
    %get3A = arith.index_cast %add3A_1 : i32 to index
    %get3A_2 = memref.load %arg1[%get3A] : memref<80000xi32, #tpu.memory_space<smem>>
    %c0_i32 = arith.constant 0 : i32
    %c0_i32_3 = arith.constant 0 : i32
    %c0_i32_4 = arith.constant 0 : i32
    return %get3A_2, %c0_i32, %c0_i32_3 : i32, i32, i32
  }
  func.func @transform_3(%arg0: i32, %arg1: memref<80000xi32, #tpu.memory_space<smem>>) -> (i32, i32, i32) {
    %mul3A = arith.constant 8 : i32
    %mul3A_0 = arith.muli %arg0, %mul3A : i32
    %add3A = arith.constant 3 : i32
    %add3A_1 = arith.addi %mul3A_0, %add3A : i32
    %get3A = arith.index_cast %add3A_1 : i32 to index
    %get3A_2 = memref.load %arg1[%get3A] : memref<80000xi32, #tpu.memory_space<smem>>
    %c0_i32 = arith.constant 0 : i32
    %c0_i32_3 = arith.constant 0 : i32
    %c0_i32_4 = arith.constant 0 : i32
    return %get3A_2, %c0_i32, %c0_i32_3 : i32, i32, i32
  }
  func.func @transform_4(%arg0: i32, %arg1: memref<80000xi32, #tpu.memory_space<smem>>) -> (i32, i32, i32) {
    %mul3A = arith.constant 8 : i32
    %mul3A_0 = arith.muli %arg0, %mul3A : i32
    %add3A = arith.constant 4 : i32
    %add3A_1 = arith.addi %mul3A_0, %add3A : i32
    %get3A = arith.index_cast %add3A_1 : i32 to index
    %get3A_2 = memref.load %arg1[%get3A] : memref<80000xi32, #tpu.memory_space<smem>>
    %c0_i32 = arith.constant 0 : i32
    %c0_i32_3 = arith.constant 0 : i32
    %c0_i32_4 = arith.constant 0 : i32
    return %get3A_2, %c0_i32, %c0_i32_3 : i32, i32, i32
  }
  func.func @transform_5(%arg0: i32, %arg1: memref<80000xi32, #tpu.memory_space<smem>>) -> (i32, i32, i32) {
    %mul3A = arith.constant 8 : i32
    %mul3A_0 = arith.muli %arg0, %mul3A : i32
    %add3A = arith.constant 5 : i32
    %add3A_1 = arith.addi %mul3A_0, %add3A : i32
    %get3A = arith.index_cast %add3A_1 : i32 to index
    %get3A_2 = memref.load %arg1[%get3A] : memref<80000xi32, #tpu.memory_space<smem>>
    %c0_i32 = arith.constant 0 : i32
    %c0_i32_3 = arith.constant 0 : i32
    %c0_i32_4 = arith.constant 0 : i32
    return %get3A_2, %c0_i32, %c0_i32_3 : i32, i32, i32
  }
  func.func @transform_6(%arg0: i32, %arg1: memref<80000xi32, #tpu.memory_space<smem>>) -> (i32, i32, i32) {
    %mul3A = arith.constant 8 : i32
    %mul3A_0 = arith.muli %arg0, %mul3A : i32
    %add3A = arith.constant 6 : i32
    %add3A_1 = arith.addi %mul3A_0, %add3A : i32
    %get3A = arith.index_cast %add3A_1 : i32 to index
    %get3A_2 = memref.load %arg1[%get3A] : memref<80000xi32, #tpu.memory_space<smem>>
    %c0_i32 = arith.constant 0 : i32
    %c0_i32_3 = arith.constant 0 : i32
    %c0_i32_4 = arith.constant 0 : i32
    return %get3A_2, %c0_i32, %c0_i32_3 : i32, i32, i32
  }
  func.func @transform_7(%arg0: i32, %arg1: memref<80000xi32, #tpu.memory_space<smem>>) -> (i32, i32, i32) {
    %mul3A = arith.constant 8 : i32
    %mul3A_0 = arith.muli %arg0, %mul3A : i32
    %add3A = arith.constant 7 : i32
    %add3A_1 = arith.addi %mul3A_0, %add3A : i32
    %get3A = arith.index_cast %add3A_1 : i32 to index
    %get3A_2 = memref.load %arg1[%get3A] : memref<80000xi32, #tpu.memory_space<smem>>
    %c0_i32 = arith.constant 0 : i32
    %c0_i32_3 = arith.constant 0 : i32
    %c0_i32_4 = arith.constant 0 : i32
    return %get3A_2, %c0_i32, %c0_i32_3 : i32, i32, i32
  }
  func.func @transform_8(%arg0: i32, %arg1: memref<80000xi32, #tpu.memory_space<smem>>) -> i32 {
    %c0_i32 = arith.constant 0 : i32
    %c0_i32_0 = arith.constant 0 : i32
    return %c0_i32 : i32
  }
  func.func @transform_9(%arg0: i32, %arg1: memref<80000xi32, #tpu.memory_space<smem>>) -> (i32, i32, i32) {
    %c0_i32 = arith.constant 0 : i32
    %c0_i32_0 = arith.constant 0 : i32
    %c0_i32_1 = arith.constant 0 : i32
    return %arg0, %c0_i32, %c0_i32_0 : i32, i32, i32
  }
  func.func @transform_10(%arg0: i32, %arg1: memref<80000xi32, #tpu.memory_space<smem>>) -> (i32, i32, i32) {
    %c0_i32 = arith.constant 0 : i32
    %c0_i32_0 = arith.constant 0 : i32
    %c0_i32_1 = arith.constant 0 : i32
    %c0_i32_2 = arith.constant 0 : i32
    return %c0_i32, %c0_i32_0, %c0_i32_1 : i32, i32, i32
  }
  func.func @transform_11(%arg0: i32, %arg1: memref<80000xi32, #tpu.memory_space<smem>>) -> (i32, i32, i32) {
    %c0_i32 = arith.constant 0 : i32
    %c0_i32_0 = arith.constant 0 : i32
    %c0_i32_1 = arith.constant 0 : i32
    return %arg0, %c0_i32, %c0_i32_0 : i32, i32, i32
  }
  func.func @transform_12(%arg0: i32, %arg1: memref<80000xi32, #tpu.memory_space<smem>>) -> (i32, i32, i32) {
    %c0_i32 = arith.constant 0 : i32
    %c0_i32_0 = arith.constant 0 : i32
    %c0_i32_1 = arith.constant 0 : i32
    %c0_i32_2 = arith.constant 0 : i32
    return %c0_i32, %c0_i32_0, %c0_i32_1 : i32, i32, i32
  }
}

module attributes {stable_mosaic.version = 14 : i64} {
  func.func @_final_body(%arg0: i32, %arg1: memref<400x256xf32, #tpu.memory_space<vmem>>, %arg2: memref<400x256xf32, #tpu.memory_space<vmem>>, %arg3: memref<400x256xf32, #tpu.memory_space<vmem>>, %arg4: memref<400x256xf32, #tpu.memory_space<vmem>>, %arg5: memref<400x256xf32, #tpu.memory_space<vmem>>, %arg6: memref<400x256xf32, #tpu.memory_space<vmem>>) attributes {dimension_semantics = [#tpu.dimension_semantics<arbitrary>], iteration_bounds = array<i64: 25>, scalar_prefetch = 0 : i64, scratch_operands = 0 : i64, tpu.core_type = #tpu.core_type<tc>, window_params = [{transform_indices = @transform_0, window_bounds = array<i64: 400, 256>}, {transform_indices = @transform_1, window_bounds = array<i64: 400, 256>}, {transform_indices = @transform_2, window_bounds = array<i64: 400, 256>}, {transform_indices = @transform_3, window_bounds = array<i64: 400, 256>}, {transform_indices = @transform_4, window_bounds = array<i64: 400, 256>}, {transform_indices = @transform_5, window_bounds = array<i64: 400, 256>}]} {
    %get3A = arith.constant 0 : index
    %get3A_0 = arith.constant 0 : index
    %get3A_1 = vector.load %arg1[%get3A, %get3A_0] : memref<400x256xf32, #tpu.memory_space<vmem>>, vector<400x256xf32>
    %get3A_2 = arith.constant 0 : index
    %get3A_3 = arith.constant 0 : index
    %get3A_4 = vector.load %arg2[%get3A_2, %get3A_3] : memref<400x256xf32, #tpu.memory_space<vmem>>, vector<400x256xf32>
    %add3A = arith.addf %get3A_1, %get3A_4 : vector<400x256xf32>
    %get3A_5 = arith.constant 0 : index
    %get3A_6 = arith.constant 0 : index
    %get3A_7 = vector.load %arg3[%get3A_5, %get3A_6] : memref<400x256xf32, #tpu.memory_space<vmem>>, vector<400x256xf32>
    %add3A_8 = arith.addf %add3A, %get3A_7 : vector<400x256xf32>
    %get3A_9 = arith.constant 0 : index
    %get3A_10 = arith.constant 0 : index
    %get3A_11 = vector.load %arg4[%get3A_9, %get3A_10] : memref<400x256xf32, #tpu.memory_space<vmem>>, vector<400x256xf32>
    %add3A_12 = arith.addf %add3A_8, %get3A_11 : vector<400x256xf32>
    %get3A_13 = arith.constant 0 : index
    %get3A_14 = arith.constant 0 : index
    %get3A_15 = vector.load %arg5[%get3A_13, %get3A_14] : memref<400x256xf32, #tpu.memory_space<vmem>>, vector<400x256xf32>
    %add3A_16 = arith.addf %add3A_12, %get3A_15 : vector<400x256xf32>
    %swap3A = arith.constant 0 : index
    %swap3A_17 = arith.constant 0 : index
    %swap3A_18 = vector.load %arg6[%swap3A, %swap3A_17] : memref<400x256xf32, #tpu.memory_space<vmem>>, vector<400x256xf32>
    tpu.vector_store %arg6[%swap3A, %swap3A_17], %add3A_16 {strides = array<i32>} : memref<400x256xf32, #tpu.memory_space<vmem>>, vector<400x256xf32>,
    return
  }
  func.func @transform_0(%arg0: i32) -> (i32, i32) {
    %c0_i32 = arith.constant 0 : i32
    %c0_i32_0 = arith.constant 0 : i32
    return %arg0, %c0_i32 : i32, i32
  }
  func.func @transform_1(%arg0: i32) -> (i32, i32) {
    %c0_i32 = arith.constant 0 : i32
    %c0_i32_0 = arith.constant 0 : i32
    return %arg0, %c0_i32 : i32, i32
  }
  func.func @transform_2(%arg0: i32) -> (i32, i32) {
    %c0_i32 = arith.constant 0 : i32
    %c0_i32_0 = arith.constant 0 : i32
    return %arg0, %c0_i32 : i32, i32
  }
  func.func @transform_3(%arg0: i32) -> (i32, i32) {
    %c0_i32 = arith.constant 0 : i32
    %c0_i32_0 = arith.constant 0 : i32
    return %arg0, %c0_i32 : i32, i32
  }
  func.func @transform_4(%arg0: i32) -> (i32, i32) {
    %c0_i32 = arith.constant 0 : i32
    %c0_i32_0 = arith.constant 0 : i32
    return %arg0, %c0_i32 : i32, i32
  }
  func.func @transform_5(%arg0: i32) -> (i32, i32) {
    %c0_i32 = arith.constant 0 : i32
    %c0_i32_0 = arith.constant 0 : i32
    return %arg0, %c0_i32 : i32, i32
  }
}

</mosaic_0001>

<sc_bundles>
// kernel: sparse-core-data-format-call.1.cloned.1.call-start
scs
called_computation.1_lowered:
.L_overlay_start_0:
0x0: {  	s2 =	sld [smem:$0x3FD9]  }
0x1: {  	s3 =	sld [smem:$0x3FFE];
	_ =	sdelay $0x1  }
0x2: {  	s1 =	srdreg.scid  }
0x3: {  	s0 =	sand.u32 $0x1, s1  }
0x4: {  	s18 =	sshll.u32 s0, $0xA;
	s2 =	sadd.s32 s3, s2  }
0x5: {  	s2 =	sadd.s32 s2, s18  }
0x6: {  	[smem:$0x3FBA] =	sst s2  }
0x7: {  	_ = 	snop  }
0x8: {  	(tm) =	ssettm $0x1  }
0x9: {  	s19 =	sld [smem:$0x3FFB];
	_ =	sdelay $0x3  }
0xa: {  	_ =	strace s19  }
0xb: {  	s2 =	sld [smem:$0x3FFC];
	_ =	sdelay $0x3  }
0xc: {  	_ =	strace s2  }
0xd: {  	s2 =	sld [smem:$0x3FFD];
	_ =	sdelay $0x3  }
0xe: {  	_ =	strace s2  }
0xf: {  	_ =	strace $0x8FFFFFFF  }
0x10: {  	s20 =	sld [smem:$0x3FDB];
	_ =	sdelay $0x1  }
0x11: {  	s21 =	simm.s32 $_scs_section_size  }
0x12: {  	s4 =	simm.s32 $_size__tile_overlayer_lowered;
	s5 =	simm.s32 $_tile_overlayer_lowered  }
0x13: {  	s6 =	simm.s32 $0x1BFF;
	s22 =	sshll.u32 s5, $0x1;
	s3 =	sadd.s32 s21, s20  }
0x14: {  	s23 =	simm.s32 $0x0;
	s4 =	sshll.u32 s4, $0x1;
	s5 =	sadd.s32 s22, s3  }
0x15: {  	[timem:s23], [sflag:s6] =	dma.local [hbm:s5], s4  }
0x16: {  	_ =	swait.ge [sflag:s6], s4  }
0x17: {  	s4 =	ssub.s32 $0x0, s4;
	[sflag:s6] =	ssyncset.done $0x0  }
0x18: {  	[sflag:s6] =	ssyncadd.s32 s4;
	_ =	sdelay $0x1  }
0x19: {  	s24 =	simm.s32 $0x1B8B  }
0x1a: {  	_ =	swait.ge [sflag:s24], $0x1  }
0x1b: {  	[sflag:s24] =	ssyncset.done $0x0  }
0x1c: {  	[sflag:s24] =	ssyncadd.s32 $0xFFFFFFFF  }
0x1d: {  	s4 =	sld [smem:$0x0]  }
0x1e: {  	s5 =	sand.u32 $0xFFFFFFFE, s1  }
0x1f: {  	p0 =	sne.s32 s1, s5  }
0x20: {  	s5 =	sshll.u32 @p0 s5, $0xE  }
0x21: {  	s5 =	sadd.s32 @p0 $0x11B8D, s5;
	s6 =	sshll.u32 @p0 s4, $0x11  }
0x22: {  	s5 =	sor.u32 @p0 s6, s5  }
0x23: {  	[sflag:s5] =	ssyncadd.remote.s32 @p0 $0x1;
	_ =	sdelay $0x1  }
0x24: {  	s5 =	simm.s32 @p0 $0x1B8D  }
0x25: {  	_ =	swait.eq @p0 [sflag:s5], $0x1  }
0x26: {  	[sflag:s5] =	ssyncadd.s32 @p0 $0xFFFFFFFF  }
0x27: {  	s6 =	sshll.u32 @!p0 s1, $0xE  }
0x28: {  	s6 =	sor.u32 @!p0 $0x4000, s6;
	s5 =	simm.s32 @!p0 $0x1B8D  }
0x29: {  	s4 =	sshll.u32 @!p0 s4, $0x11;
	s6 =	sadd.s32 @!p0 $0x11B8D, s6;
	_ =	swait.eq @!p0 [sflag:s5], $0x1  }
0x2a: {  	s4 =	sor.u32 @!p0 s4, s6;
	[sflag:s5] =	ssyncadd.s32 @!p0 $0xFFFFFFFF  }
0x2b: {  	s26 =	simm.s32 $0x1B8E;
	s25 =	sld [smem:$0x3FFE];
	[sflag:s4] =	ssyncadd.remote.s32 @!p0 $0x1  }
0x2c: {  	s27 =	simm.s32 $execute0_lowered;
	[smem:$0x3FD2] =	sst s26  }
0x2d: {  	s5 =	sshll.u32 s27, $0x1;
	_ =	strace $0x8000004C;
	[dreg:$0x1] =	wrdreg $0xFFFFFFFF  }
0x2e: {  	s28 =	simm.s32 $_size_execute0_lowered;
	s3 =	sadd.s32 s3, s5;
	[dreg:$0x0] =	wrdreg $0x0  }
0x2f: {  	s5 =	sshll.u32 s28, $0x1;
	[dreg:$0x2] =	wrdreg s3  }
0x30: {  	[dreg:$0x3] =	wrdreg s5  }
0x31: {  	[dreg:$0x4] =	wrdreg $0xC0  }
0x32: {  	_ =	task [dreg:s23], $0x5FFFF  }
0x33: {  	[dreg:$0x1] =	wrdreg $0xFFFFFFFF  }
0x34: {  	[dreg:$0x0] =	wrdreg $0x60  }
0x35: {  	[dreg:$0x2] =	wrdreg s25  }
0x36: {  	[dreg:$0x3] =	wrdreg $0xA  }
0x37: {  	_ =	task.clear_ibuf [dreg:s23], $0x4FFFF;
	_ =	strace $0x9000004C  }
0x38: {  	s29 =	simm.s32 $0xA;
	_ =	strace $0x8000004E  }
0x39: {  	_ =	swait.ge [sflag:s29], $0x1  }
0x3a: {  	[sflag:s29] =	ssyncadd.s32 $0xFFFFFFFF  }
0x3b: {  	_ =	strace $0x9000004E  }
0x3c: {  	_ =	sfence  }
0x3d: {  	s30 =	sld [smem:$0x0];
	_ =	sdelay $0x2  }
0x3e: {  	s31 =	sshll.u32 s1, $0xD;
	s1 =	sshrl.u32 s1, $0x2  }
0x3f: {  	s4 =	sand.u32 $0x4000, s31;
	s1 =	sadd.s32 s1, s30  }
0x40: {  	s0 =	sor.u32 s4, s0;
	s1 =	sshll.u32 s1, $0x11  }
0x41: {  	s0 =	sor.u32 s1, s0  }
0x42: {  	s0 =	sadd.s32 $0x8F2B, s0  }
0x43: {  	[sflag:s0] =	ssyncadd.remote.s32 $0x1  }
0x44: {  	_ =	sfence.sel $0xFFFF  }
0x45: {  	[dreg:$0x0] =	wrdreg $0xFFFFFFFF;
	(pc) =	sbr.abs _section_cstart, $3  }
0x46: {  	[dreg:$0x1] =	wrdreg $0xFFFFFFFF  }
0x47: {  	_ =	task.clear_ibuf [dreg:s23], $0x2FFFF;
	_ =	strace $0x9FFFFFFF  }
0x48: {  	(tm) =	ssettm $0x7FFFFFFF  }
0x49: {  	_ =	shalt  }
tec
execute0_lowered:
.L_overlay_start_1:
0x0: {  	(tag) =	ssettag $0x1  }
0x1: {  	s0 =	srdreg.scid  }
0x2: {  	s1 =	sshll.u32 s0, $0x4  }
0x3: {  	s4 =	rddreg [dreg:$0x0];
	s0 =	stileid.u32;
	s1 =	sand.u32 $0x10, s1  }
0x4: {  	s7 =	simm.s32 $0x1;
	s8 =	simm.s32 $0x2;
	s2 =	sor.u32 s0, s1  }
0x5: {  	s9 =	simm.s32 $0x0;
	s12 =	simm.s32 $0x0;
	s2 =	sshll.u32 s2, $0x1  }
0x6: {  	s11 =	simm.s32 $0x0;
	s3 =	sadd.s32 $0xB19600, s4;
	s6 =	ssub.s32 $0x4E2, s2  }
.Ltmp0:
0x7: {  	s4 =	sadd.s32 $0x4F9E00, s4;
	s5 =	sand.u32 $0x3E, s6;
	(pc) =	sbr.rel .LBB1_1-.Ltmp0, $4  }
0x8: {  	s1 =	rddreg [dreg:$0x1];
	_ =	strace $0x8000004D;
	p0 =	sne.s32 s5, $0x0  }
0x9: {  	s6 =	sshrl.u32 s6, $0x6;
	s5 =	simm.s32 $0x1;
	s7 =	simm.s32 @!p0 $0x0  }
0xa: {  	s10 =	smov.u32 s2;
	[sflag:s5] =	ssyncpa.u1 $0x0;
	s6 =	sadd.s32 s7, s6  }
0xb: {  	[sflag:s8] =	ssyncpa.u1 $0x0;
	s8 =	simm.s32 $0x0;
	s7 =	sadd.s32 $0x1, s6  }
.LBB1_9:
0xc: {  	s14 =	sadd.s32 $0x40, s10  }
0xd: {  	p1 =	sgt.s32 s14, $0x4E1  }
0xe: {  	s14 =	smov.u32 @p1 s2;
	p1 =	sne.s32 s11, s7  }
.Ltmp1:
0xf: {  	p0 =	slt.u32 s11, $0x2;
	(pc) =	sbr.rel @!p1 .LBB1_10-.Ltmp1, $4  }
0x10: {  	s13 =	simm.s32 @!p0 $0x2  }
0x11: {  	s15 =	sadd.s32 $0x1, s11;
	_ =	swait.ge @!p0 [sflag:s13], $0x4000  }
0x12: {  	s12 =	smov.u32 s10;
	s9 =	sadd.s32 $0x4000, s9;
	[sflag:s13] =	ssyncset.done @!p0 $0x0  }
0x13: {  	s11 =	smov.u32 s15;
	s10 =	smov.u32 s14;
	[sflag:s13] =	ssyncadd.s32 @!p0 $0xFFFFC000  }
.LBB1_1:
0x14: {  	p0 =	sge.u32 s11, s6  }
0x15: {  	s13 =	sxor.u32 @!p0 $0xFFFFFFFF, s11  }
0x16: {  	s31 =	sadd.s32 $0xFFFFFFFF, s11;
	s14 =	sshll.u32 @!p0 s10, $0xA;
	s13 =	sshll.u32 @!p0 s13, $0xE  }
0x17: {  	s15 =	simm.s32 @!p0 $0x0;
	s14 =	sadd.s32 @!p0 s3, s14;
	s13 =	sand.u32 @!p0 $0x4000, s13  }
0x18: {  	[tilespmem:s13], [sflag:$0x1] =	stream.linear.gather @!p0 [hbm4b:s14+s15], $0x4000, $0x38;
	[tilespmem:$0x10000] =	vst v63  }
0x19: {  	p0 =	sge.u32 s31, s6  }
.Ltmp2:
0x1a: {  	_ = 	snop;
	(pc) =	sbr.rel @p0 .LBB1_9-.Ltmp2, $1  }
0x1b: {  	_ =	sdelay $0x3  }
0x1c: {  	s13 =	sshll.u32 s9, $0x2  }
0x1d: {  	_ =	swait.ge [sflag:s5], $0x4000;
	s14 =	sshll.u32 s11, $0xE;
	s16 =	simm.s32 $0x0  }
0x1e: {  	p1 =	por $0x1, $0x1;
	s13 =	sand.u32 $0x10000, s13;
	[sflag:s5] =	ssyncset.done $0x0  }
0x1f: {  	s14 =	sand.u32 $0x4000, s14;
	s15 =	sshrl.u32 s13, $0x2;
	[sflag:s5] =	ssyncadd.s32 $0xFFFFC000  }
0x20: {  	s13 =	sor.u32 $0x8000, s14;
	s14 =	sadd.s32 $0x8040, s15;
	s15 =	sadd.s32 $0x40, s15  }
.LBB1_3:
0x21: {  	s16 =	sshll.u32 s16, $0x2  }
0x22: {  	p0 =	por p1, p1;
	s17 =	sshra.s32 s16, $0x2  }
0x23: {  	s18 =	simm.s32 $0x0;
	s16 =	sadd.s32 s17, s14;
	s17 =	sadd.s32 s17, s15  }
.LBB1_4:
0x24: {  	v0 =	vmov s17;
	_ =	sdelay $0x3  }
0x25: {  	s20 =	simm.s32 $0x0  }
0x26: {  	v6 =	vld.idx.msk [tilespmem:v0+s20+$0x30 ss:$0x1], $0xffff  }
0x27: {  	v7 =	vld.idx.msk [tilespmem:v0+s20+$0xFFFFFFC0 ss:$0x1], $0xffff  }
0x28: {  	v5 =	vld.idx.msk [tilespmem:v0+s20+$0xFFFFFFD0 ss:$0x1], $0xffff  }
0x29: {  	v4 =	vld.idx.msk [tilespmem:v0+s20+$0xFFFFFFE0 ss:$0x1], $0xffff  }
0x2a: {  	v3 =	vld.idx.msk [tilespmem:v0+s20+$0xFFFFFFF0 ss:$0x1], $0xffff  }
0x2b: {  	v1 =	vld.idx.msk [tilespmem:v0+s20+$0x0 ss:$0x1], $0xffff  }
0x2c: {  	v2 =	vld.idx.msk [tilespmem:v0+s20+$0x10 ss:$0x1], $0xffff;
	[tilespmem:s16+$0x30] =	vst v6  }
0x2d: {  	s19 =	simm.s32 $0x80;
	s21 =	simm.s32 $0x400;
	[tilespmem:s16+$0xFFFFFFC0] =	vst v7;
	v6 =	vld.idx.msk [tilespmem:v0+s20+$0x20 ss:$0x1], $0xffff;
	s20 =	smov.u32 s16  }
.LBB1_5:
0x2e: {  	p1 =	sne.s32 s21, $0xE00;
	v7 =	vld.idx.msk [tilespmem:v0+s19+$0x30 ss:$0x1], $0xffff;
	[tilespmem:s20+$0xFFFFFFD0] =	vst v5  }
0x2f: {  	v8 =	vld.idx.msk [tilespmem:v0+s19+$0xFFFFFFC0 ss:$0x1], $0xffff;
	[tilespmem:s20+$0xFFFFFFE0] =	vst v4  }
0x30: {  	v5 =	vld.idx.msk [tilespmem:v0+s19+$0xFFFFFFD0 ss:$0x1], $0xffff;
	[tilespmem:s20+$0xFFFFFFF0] =	vst v3  }
.Ltmp3:
0x31: {  	v4 =	vld.idx.msk [tilespmem:v0+s19+$0xFFFFFFE0 ss:$0x1], $0xffff;
	[tilespmem:s20+$0x0] =	vst v1;
	(pc) =	sbr.rel @p1 .LBB1_5-.Ltmp3, $4  }
0x32: {  	v3 =	vld.idx.msk [tilespmem:v0+s19+$0xFFFFFFF0 ss:$0x1], $0xffff;
	[tilespmem:s20+$0x10] =	vst v2  }
0x33: {  	v1 =	vld.idx.msk [tilespmem:v0+s19+$0x0 ss:$0x1], $0xffff;
	[tilespmem:s20+$0x20] =	vst v6;
	s20 =	sadd.s32 $0x400, s20  }
0x34: {  	v2 =	vld.idx.msk [tilespmem:v0+s19+$0x10 ss:$0x1], $0xffff;
	[tilespmem:s20+$0x30] =	vst v7  }
0x35: {  	[tilespmem:s20+$0xFFFFFFC0] =	vst v8;
	v6 =	vld.idx.msk [tilespmem:v0+s19+$0x20 ss:$0x1], $0xffff;
	s19 =	sshra.s32 s21, $0x2;
	s21 =	sadd.s32 $0x200, s21  }
0x36: {  	_ =	sdelay $0x2  }
0x37: {  	[tilespmem:s20+$0xFFFFFFD0] =	vst v5  }
0x38: {  	v56 =	vld.idx.msk [tilespmem:v0+s19+$0x30 ss:$0x1], $0xffff;
	[tilespmem:s20+$0xFFFFFFE0] =	vst v4  }
0x39: {  	v57 =	vld.idx.msk [tilespmem:v0+s19+$0xFFFFFFC0 ss:$0x1], $0xffff;
	[tilespmem:s20+$0xFFFFFFF0] =	vst v3  }
0x3a: {  	v58 =	vld.idx.msk [tilespmem:v0+s19+$0xFFFFFFD0 ss:$0x1], $0xffff;
	[tilespmem:s20+$0x0] =	vst v1  }
0x3b: {  	v59 =	vld.idx.msk [tilespmem:v0+s19+$0xFFFFFFE0 ss:$0x1], $0xffff;
	[tilespmem:s20+$0x10] =	vst v2  }
0x3c: {  	v60 =	vld.idx.msk [tilespmem:v0+s19+$0xFFFFFFF0 ss:$0x1], $0xffff;
	s31 =	sadd.s32 $0x400, s20;
	[tilespmem:s20+$0x20] =	vst v6  }
0x3d: {  	v61 =	vld.idx.msk [tilespmem:v0+s19+$0x0 ss:$0x1], $0xffff;
	[tilespmem:s31+$0x30] =	vst v56  }
0x3e: {  	v62 =	vld.idx.msk [tilespmem:v0+s19+$0x10 ss:$0x1], $0xffff;
	s18 =	sadd.s32 $0x1, s18;
	[tilespmem:s31+$0xFFFFFFC0] =	vst v57  }
0x3f: {  	v63 =	vld.idx.msk [tilespmem:v0+s19+$0x20 ss:$0x1], $0xffff;
	p1 =	sne.s32 s18, $0x8;
	[tilespmem:s31+$0xFFFFFFD0] =	vst v58  }
.Ltmp4:
0x40: {  	[tilespmem:s31+$0xFFFFFFE0] =	vst v59;
	(pc) =	sbr.rel @p1 .LBB1_4-.Ltmp4, $4  }
0x41: {  	[tilespmem:s31+$0xFFFFFFF0] =	vst v60  }
0x42: {  	[tilespmem:s31+$0x0] =	vst v61  }
0x43: {  	[tilespmem:s31+$0x10] =	vst v62  }
0x44: {  	s16 =	sadd.s32 $0x80, s16;
	s17 =	sadd.s32 $0x400, s17;
	[tilespmem:s31+$0x20] =	vst v63  }
.Ltmp5:
0x45: {  	(pc) =	sbr.rel @p0 .LBB1_3-.Ltmp5, $2  }
0x46: {  	_ =	sdelay $0x2  }
0x47: {  	s16 =	simm.s32 $0x2000;
	p1 =	por $0x0, $0x0  }
.Ltmp6:
0x48: {  	(pc) =	sbr.rel .LBB1_9-.Ltmp6, $4  }
0x49: {  	_ = 	snop  }
0x4a: {  	s12 =	sshll.u32 s12, $0xA  }
0x4b: {  	s12 =	sadd.s32 s4, s12  }
0x4c: {  	[hbm4b:s12+s8] =	stream.linear.scatter [tilespmem:s13], [sflag:$0x2], $0x4000, $0x38;
	[tilespmem:$0x10000] =	vst v63  }
.LBB1_10:
0x4d: {  	_ =	sfence.sel $0x180000  }
0x4e: {  	s2 =	simm.s32 $0x1;
	[bflag:$0x0] =	sbarrier.arrive $0xFFFF  }
0x4f: {  	s31 =	simm.s32 $0x2;
	[sflag:s2] =	ssyncpa.u1 $0x1  }
0x50: {  	[sflag:s31] =	ssyncpa.u1 $0x1  }
0x51: {  	p0 =	sne.s32 s0, $0x0;
	_ =	strace $0x9000004D  }
0x52: {  	s0 =	sadd.s32 @!p0 $0x100000, s1;
	[bflag:$0x2] =	sbarrier.arrive $0xFFFF  }
0x53: {  	[sflag:s0] =	ssyncadd.tile.s32 @!p0 $0x1;
	_ =	shalt  }
.Lfunc_end1:
_tile_overlayer_lowered:
.L_overlay_start_2:
0x54: {  	(tag) =	ssettag $0x2  }
0x55: {  	s0 =	rddreg [dreg:$0x0];
	s2 =	stileid.u32  }
0x56: {  	s1 =	rddreg [dreg:$0x1];
	p0 =	sne.s32 s2, $0x0  }
0x57: {  	s3 =	rddreg [dreg:$0x2];
	[bflag:$0x3] =	sbarrier.arrive $0xFFFF;
	s2 =	simm.s32 @!p0 $0x1C01  }
0x58: {  	[timem:s3], [sflag:s2] =	dma.local @!p0 [hbm:s0], s1  }
0x59: {  	s0 =	simm.s32 @!p0 $0x1  }
0x5a: {  	_ =	swait.ge @!p0 [sflag:s0], s1  }
0x5b: {  	s1 =	ssub.s32 @!p0 $0x0, s1;
	[sflag:s0] =	ssyncset.done @!p0 $0x0  }
0x5c: {  	[sflag:s0] =	ssyncadd.s32 @!p0 s1  }
0x5d: {  	[bflag:$0x3] =	sbarrier.arrive $0xFFFF  }
0x5e: {  	_ =	shalt  }

// kernel: sparse-core-data-format-call.2.cloned.1.call-start
scs
called_computation.2_lowered:
.L_overlay_start_0:
0x0: {  	s2 =	sld [smem:$0x3FD9]  }
0x1: {  	s3 =	sld [smem:$0x3FFE];
	_ =	sdelay $0x1  }
0x2: {  	s1 =	srdreg.scid  }
0x3: {  	s0 =	sand.u32 $0x1, s1  }
0x4: {  	s18 =	sshll.u32 s0, $0xA;
	s2 =	sadd.s32 s3, s2  }
0x5: {  	s2 =	sadd.s32 s2, s18  }
0x6: {  	[smem:$0x3FBA] =	sst s2  }
0x7: {  	_ = 	snop  }
0x8: {  	(tm) =	ssettm $0x1  }
0x9: {  	s19 =	sld [smem:$0x3FFB];
	_ =	sdelay $0x3  }
0xa: {  	_ =	strace s19  }
0xb: {  	s2 =	sld [smem:$0x3FFC];
	_ =	sdelay $0x3  }
0xc: {  	_ =	strace s2  }
0xd: {  	s2 =	sld [smem:$0x3FFD];
	_ =	sdelay $0x3  }
0xe: {  	_ =	strace s2  }
0xf: {  	_ =	strace $0x8FFFFFFF  }
0x10: {  	s20 =	sld [smem:$0x3FDB];
	_ =	sdelay $0x1  }
0x11: {  	s21 =	simm.s32 $_scs_section_size  }
0x12: {  	s4 =	simm.s32 $_size__tile_overlayer_lowered;
	s5 =	simm.s32 $_tile_overlayer_lowered  }
0x13: {  	s6 =	simm.s32 $0x1BFF;
	s22 =	sshll.u32 s5, $0x1;
	s3 =	sadd.s32 s21, s20  }
0x14: {  	s23 =	simm.s32 $0x0;
	s4 =	sshll.u32 s4, $0x1;
	s5 =	sadd.s32 s22, s3  }
0x15: {  	[timem:s23], [sflag:s6] =	dma.local [hbm:s5], s4  }
0x16: {  	_ =	swait.ge [sflag:s6], s4  }
0x17: {  	s4 =	ssub.s32 $0x0, s4;
	[sflag:s6] =	ssyncset.done $0x0  }
0x18: {  	[sflag:s6] =	ssyncadd.s32 s4;
	_ =	sdelay $0x1  }
0x19: {  	s24 =	simm.s32 $0x1B8B  }
0x1a: {  	_ =	swait.ge [sflag:s24], $0x1  }
0x1b: {  	[sflag:s24] =	ssyncset.done $0x0  }
0x1c: {  	[sflag:s24] =	ssyncadd.s32 $0xFFFFFFFF  }
0x1d: {  	s4 =	sld [smem:$0x0]  }
0x1e: {  	s5 =	sand.u32 $0xFFFFFFFE, s1  }
0x1f: {  	p0 =	sne.s32 s1, s5  }
0x20: {  	s5 =	sshll.u32 @p0 s5, $0xE  }
0x21: {  	s5 =	sadd.s32 @p0 $0x11B8D, s5;
	s6 =	sshll.u32 @p0 s4, $0x11  }
0x22: {  	s5 =	sor.u32 @p0 s6, s5  }
0x23: {  	[sflag:s5] =	ssyncadd.remote.s32 @p0 $0x1;
	_ =	sdelay $0x1  }
0x24: {  	s5 =	simm.s32 @p0 $0x1B8D  }
0x25: {  	_ =	swait.eq @p0 [sflag:s5], $0x1  }
0x26: {  	[sflag:s5] =	ssyncadd.s32 @p0 $0xFFFFFFFF  }
0x27: {  	s6 =	sshll.u32 @!p0 s1, $0xE  }
0x28: {  	s6 =	sor.u32 @!p0 $0x4000, s6;
	s5 =	simm.s32 @!p0 $0x1B8D  }
0x29: {  	s4 =	sshll.u32 @!p0 s4, $0x11;
	s6 =	sadd.s32 @!p0 $0x11B8D, s6;
	_ =	swait.eq @!p0 [sflag:s5], $0x1  }
0x2a: {  	s4 =	sor.u32 @!p0 s4, s6;
	[sflag:s5] =	ssyncadd.s32 @!p0 $0xFFFFFFFF  }
0x2b: {  	s26 =	simm.s32 $0x1B8E;
	s25 =	sld [smem:$0x3FFE];
	[sflag:s4] =	ssyncadd.remote.s32 @!p0 $0x1  }
0x2c: {  	s27 =	simm.s32 $execute0_lowered;
	[smem:$0x3FD2] =	sst s26  }
0x2d: {  	s5 =	sshll.u32 s27, $0x1;
	_ =	strace $0x8000004F;
	[dreg:$0x1] =	wrdreg $0xFFFFFFFF  }
0x2e: {  	s28 =	simm.s32 $_size_execute0_lowered;
	s3 =	sadd.s32 s3, s5;
	[dreg:$0x0] =	wrdreg $0x0  }
0x2f: {  	s5 =	sshll.u32 s28, $0x1;
	[dreg:$0x2] =	wrdreg s3  }
0x30: {  	[dreg:$0x3] =	wrdreg s5  }
0x31: {  	[dreg:$0x4] =	wrdreg $0xC0  }
0x32: {  	_ =	task [dreg:s23], $0x5FFFF  }
0x33: {  	[dreg:$0x1] =	wrdreg $0xFFFFFFFF  }
0x34: {  	[dreg:$0x0] =	wrdreg $0x60  }
0x35: {  	[dreg:$0x2] =	wrdreg s25  }
0x36: {  	[dreg:$0x3] =	wrdreg $0xB  }
0x37: {  	_ =	task.clear_ibuf [dreg:s23], $0x4FFFF;
	_ =	strace $0x9000004F  }
0x38: {  	s29 =	simm.s32 $0xB;
	_ =	strace $0x80000051  }
0x39: {  	_ =	swait.ge [sflag:s29], $0x1  }
0x3a: {  	[sflag:s29] =	ssyncadd.s32 $0xFFFFFFFF  }
0x3b: {  	_ =	strace $0x90000051  }
0x3c: {  	_ =	sfence  }
0x3d: {  	s30 =	sld [smem:$0x0];
	_ =	sdelay $0x2  }
0x3e: {  	s31 =	sshll.u32 s1, $0xD;
	s1 =	sshrl.u32 s1, $0x2  }
0x3f: {  	s4 =	sand.u32 $0x4000, s31;
	s1 =	sadd.s32 s1, s30  }
0x40: {  	s0 =	sor.u32 s4, s0;
	s1 =	sshll.u32 s1, $0x11  }
0x41: {  	s0 =	sor.u32 s1, s0  }
0x42: {  	s0 =	sadd.s32 $0x8F2B, s0  }
0x43: {  	[sflag:s0] =	ssyncadd.remote.s32 $0x1  }
0x44: {  	_ =	sfence.sel $0xFFFF  }
0x45: {  	[dreg:$0x0] =	wrdreg $0xFFFFFFFF;
	(pc) =	sbr.abs _section_cstart, $3  }
0x46: {  	[dreg:$0x1] =	wrdreg $0xFFFFFFFF  }
0x47: {  	_ =	task.clear_ibuf [dreg:s23], $0x2FFFF;
	_ =	strace $0x9FFFFFFF  }
0x48: {  	(tm) =	ssettm $0x7FFFFFFF  }
0x49: {  	_ =	shalt  }
tec
execute0_lowered:
.L_overlay_start_1:
0x0: {  	(tag) =	ssettag $0x1  }
0x1: {  	s0 =	srdreg.scid  }
0x2: {  	s1 =	sshll.u32 s0, $0x4  }
0x3: {  	s4 =	rddreg [dreg:$0x0];
	s0 =	stileid.u32;
	s1 =	sand.u32 $0x10, s1  }
0x4: {  	s7 =	simm.s32 $0x1;
	s8 =	simm.s32 $0x2;
	s2 =	sor.u32 s0, s1  }
0x5: {  	s9 =	simm.s32 $0x0;
	s12 =	simm.s32 $0x0;
	s2 =	sshll.u32 s2, $0x1  }
0x6: {  	s11 =	simm.s32 $0x0;
	s3 =	sadd.s32 $0xD8A600, s4;
	s6 =	ssub.s32 $0x4E2, s2  }
.Ltmp0:
0x7: {  	s4 =	sadd.s32 $0x632600, s4;
	s5 =	sand.u32 $0x3E, s6;
	(pc) =	sbr.rel .LBB1_1-.Ltmp0, $4  }
0x8: {  	s1 =	rddreg [dreg:$0x1];
	_ =	strace $0x80000050;
	p0 =	sne.s32 s5, $0x0  }
0x9: {  	s6 =	sshrl.u32 s6, $0x6;
	s5 =	simm.s32 $0x1;
	s7 =	simm.s32 @!p0 $0x0  }
0xa: {  	s10 =	smov.u32 s2;
	[sflag:s5] =	ssyncpa.u1 $0x0;
	s6 =	sadd.s32 s7, s6  }
0xb: {  	[sflag:s8] =	ssyncpa.u1 $0x0;
	s8 =	simm.s32 $0x0;
	s7 =	sadd.s32 $0x1, s6  }
.LBB1_9:
0xc: {  	s14 =	sadd.s32 $0x40, s10  }
0xd: {  	p1 =	sgt.s32 s14, $0x4E1  }
0xe: {  	s14 =	smov.u32 @p1 s2;
	p1 =	sne.s32 s11, s7  }
.Ltmp1:
0xf: {  	p0 =	slt.u32 s11, $0x2;
	(pc) =	sbr.rel @!p1 .LBB1_10-.Ltmp1, $4  }
0x10: {  	s13 =	simm.s32 @!p0 $0x2  }
0x11: {  	s15 =	sadd.s32 $0x1, s11;
	_ =	swait.ge @!p0 [sflag:s13], $0x4000  }
0x12: {  	s12 =	smov.u32 s10;
	s9 =	sadd.s32 $0x4000, s9;
	[sflag:s13] =	ssyncset.done @!p0 $0x0  }
0x13: {  	s11 =	smov.u32 s15;
	s10 =	smov.u32 s14;
	[sflag:s13] =	ssyncadd.s32 @!p0 $0xFFFFC000  }
.LBB1_1:
0x14: {  	p0 =	sge.u32 s11, s6  }
0x15: {  	s13 =	sxor.u32 @!p0 $0xFFFFFFFF, s11  }
0x16: {  	s31 =	sadd.s32 $0xFFFFFFFF, s11;
	s14 =	sshll.u32 @!p0 s10, $0xA;
	s13 =	sshll.u32 @!p0 s13, $0xE  }
0x17: {  	s15 =	simm.s32 @!p0 $0x0;
	s14 =	sadd.s32 @!p0 s3, s14;
	s13 =	sand.u32 @!p0 $0x4000, s13  }
0x18: {  	[tilespmem:s13], [sflag:$0x1] =	stream.linear.gather @!p0 [hbm4b:s14+s15], $0x4000, $0x38;
	[tilespmem:$0x10000] =	vst v63  }
0x19: {  	p0 =	sge.u32 s31, s6  }
.Ltmp2:
0x1a: {  	_ = 	snop;
	(pc) =	sbr.rel @p0 .LBB1_9-.Ltmp2, $1  }
0x1b: {  	_ =	sdelay $0x3  }
0x1c: {  	s13 =	sshll.u32 s9, $0x2  }
0x1d: {  	_ =	swait.ge [sflag:s5], $0x4000;
	s14 =	sshll.u32 s11, $0xE;
	s16 =	simm.s32 $0x0  }
0x1e: {  	p1 =	por $0x1, $0x1;
	s13 =	sand.u32 $0x10000, s13;
	[sflag:s5] =	ssyncset.done $0x0  }
0x1f: {  	s14 =	sand.u32 $0x4000, s14;
	s15 =	sshrl.u32 s13, $0x2;
	[sflag:s5] =	ssyncadd.s32 $0xFFFFC000  }
0x20: {  	s13 =	sor.u32 $0x8000, s14;
	s14 =	sadd.s32 $0x8040, s15;
	s15 =	sadd.s32 $0x40, s15  }
.LBB1_3:
0x21: {  	s16 =	sshll.u32 s16, $0x2  }
0x22: {  	p0 =	por p1, p1;
	s17 =	sshra.s32 s16, $0x2  }
0x23: {  	s18 =	simm.s32 $0x0;
	s16 =	sadd.s32 s17, s14;
	s17 =	sadd.s32 s17, s15  }
.LBB1_4:
0x24: {  	v0 =	vmov s17;
	_ =	sdelay $0x3  }
0x25: {  	s20 =	simm.s32 $0x0  }
0x26: {  	v6 =	vld.idx.msk [tilespmem:v0+s20+$0x30 ss:$0x1], $0xffff  }
0x27: {  	v7 =	vld.idx.msk [tilespmem:v0+s20+$0xFFFFFFC0 ss:$0x1], $0xffff  }
0x28: {  	v5 =	vld.idx.msk [tilespmem:v0+s20+$0xFFFFFFD0 ss:$0x1], $0xffff  }
0x29: {  	v4 =	vld.idx.msk [tilespmem:v0+s20+$0xFFFFFFE0 ss:$0x1], $0xffff  }
0x2a: {  	v3 =	vld.idx.msk [tilespmem:v0+s20+$0xFFFFFFF0 ss:$0x1], $0xffff  }
0x2b: {  	v1 =	vld.idx.msk [tilespmem:v0+s20+$0x0 ss:$0x1], $0xffff  }
0x2c: {  	v2 =	vld.idx.msk [tilespmem:v0+s20+$0x10 ss:$0x1], $0xffff;
	[tilespmem:s16+$0x30] =	vst v6  }
0x2d: {  	s19 =	simm.s32 $0x80;
	s21 =	simm.s32 $0x400;
	[tilespmem:s16+$0xFFFFFFC0] =	vst v7;
	v6 =	vld.idx.msk [tilespmem:v0+s20+$0x20 ss:$0x1], $0xffff;
	s20 =	smov.u32 s16  }
.LBB1_5:
0x2e: {  	p1 =	sne.s32 s21, $0xE00;
	v7 =	vld.idx.msk [tilespmem:v0+s19+$0x30 ss:$0x1], $0xffff;
	[tilespmem:s20+$0xFFFFFFD0] =	vst v5  }
0x2f: {  	v8 =	vld.idx.msk [tilespmem:v0+s19+$0xFFFFFFC0 ss:$0x1], $0xffff;
	[tilespmem:s20+$0xFFFFFFE0] =	vst v4  }
0x30: {  	v5 =	vld.idx.msk [tilespmem:v0+s19+$0xFFFFFFD0 ss:$0x1], $0xffff;
	[tilespmem:s20+$0xFFFFFFF0] =	vst v3  }
.Ltmp3:
0x31: {  	v4 =	vld.idx.msk [tilespmem:v0+s19+$0xFFFFFFE0 ss:$0x1], $0xffff;
	[tilespmem:s20+$0x0] =	vst v1;
	(pc) =	sbr.rel @p1 .LBB1_5-.Ltmp3, $4  }
0x32: {  	v3 =	vld.idx.msk [tilespmem:v0+s19+$0xFFFFFFF0 ss:$0x1], $0xffff;
	[tilespmem:s20+$0x10] =	vst v2  }
0x33: {  	v1 =	vld.idx.msk [tilespmem:v0+s19+$0x0 ss:$0x1], $0xffff;
	[tilespmem:s20+$0x20] =	vst v6;
	s20 =	sadd.s32 $0x400, s20  }
0x34: {  	v2 =	vld.idx.msk [tilespmem:v0+s19+$0x10 ss:$0x1], $0xffff;
	[tilespmem:s20+$0x30] =	vst v7  }
0x35: {  	[tilespmem:s20+$0xFFFFFFC0] =	vst v8;
	v6 =	vld.idx.msk [tilespmem:v0+s19+$0x20 ss:$0x1], $0xffff;
	s19 =	sshra.s32 s21, $0x2;
	s21 =	sadd.s32 $0x200, s21  }
0x36: {  	_ =	sdelay $0x2  }
0x37: {  	[tilespmem:s20+$0xFFFFFFD0] =	vst v5  }
0x38: {  	v56 =	vld.idx.msk [tilespmem:v0+s19+$0x30 ss:$0x1], $0xffff;
	[tilespmem:s20+$0xFFFFFFE0] =	vst v4  }
0x39: {  	v57 =	vld.idx.msk [tilespmem:v0+s19+$0xFFFFFFC0 ss:$0x1], $0xffff;
	[tilespmem:s20+$0xFFFFFFF0] =	vst v3  }
0x3a: {  	v58 =	vld.idx.msk [tilespmem:v0+s19+$0xFFFFFFD0 ss:$0x1], $0xffff;
	[tilespmem:s20+$0x0] =	vst v1  }
0x3b: {  	v59 =	vld.idx.msk [tilespmem:v0+s19+$0xFFFFFFE0 ss:$0x1], $0xffff;
	[tilespmem:s20+$0x10] =	vst v2  }
0x3c: {  	v60 =	vld.idx.msk [tilespmem:v0+s19+$0xFFFFFFF0 ss:$0x1], $0xffff;
	s31 =	sadd.s32 $0x400, s20;
	[tilespmem:s20+$0x20] =	vst v6  }
0x3d: {  	v61 =	vld.idx.msk [tilespmem:v0+s19+$0x0 ss:$0x1], $0xffff;
	[tilespmem:s31+$0x30] =	vst v56  }
0x3e: {  	v62 =	vld.idx.msk [tilespmem:v0+s19+$0x10 ss:$0x1], $0xffff;
	s18 =	sadd.s32 $0x1, s18;
	[tilespmem:s31+$0xFFFFFFC0] =	vst v57  }
0x3f: {  	v63 =	vld.idx.msk [tilespmem:v0+s19+$0x20 ss:$0x1], $0xffff;
	p1 =	sne.s32 s18, $0x8;
	[tilespmem:s31+$0xFFFFFFD0] =	vst v58  }
.Ltmp4:
0x40: {  	[tilespmem:s31+$0xFFFFFFE0] =	vst v59;
	(pc) =	sbr.rel @p1 .LBB1_4-.Ltmp4, $4  }
0x41: {  	[tilespmem:s31+$0xFFFFFFF0] =	vst v60  }
0x42: {  	[tilespmem:s31+$0x0] =	vst v61  }
0x43: {  	[tilespmem:s31+$0x10] =	vst v62  }
0x44: {  	s16 =	sadd.s32 $0x80, s16;
	s17 =	sadd.s32 $0x400, s17;
	[tilespmem:s31+$0x20] =	vst v63  }
.Ltmp5:
0x45: {  	(pc) =	sbr.rel @p0 .LBB1_3-.Ltmp5, $2  }
0x46: {  	_ =	sdelay $0x2  }
0x47: {  	s16 =	simm.s32 $0x2000;
	p1 =	por $0x0, $0x0  }
.Ltmp6:
0x48: {  	(pc) =	sbr.rel .LBB1_9-.Ltmp6, $4  }
0x49: {  	_ = 	snop  }
0x4a: {  	s12 =	sshll.u32 s12, $0xA  }
0x4b: {  	s12 =	sadd.s32 s4, s12  }
0x4c: {  	[hbm4b:s12+s8] =	stream.linear.scatter [tilespmem:s13], [sflag:$0x2], $0x4000, $0x38;
	[tilespmem:$0x10000] =	vst v63  }
.LBB1_10:
0x4d: {  	_ =	sfence.sel $0x180000  }
0x4e: {  	s2 =	simm.s32 $0x1;
	[bflag:$0x0] =	sbarrier.arrive $0xFFFF  }
0x4f: {  	s31 =	simm.s32 $0x2;
	[sflag:s2] =	ssyncpa.u1 $0x1  }
0x50: {  	[sflag:s31] =	ssyncpa.u1 $0x1  }
0x51: {  	p0 =	sne.s32 s0, $0x0;
	_ =	strace $0x90000050  }
0x52: {  	s0 =	sadd.s32 @!p0 $0x100000, s1;
	[bflag:$0x2] =	sbarrier.arrive $0xFFFF  }
0x53: {  	[sflag:s0] =	ssyncadd.tile.s32 @!p0 $0x1;
	_ =	shalt  }
.Lfunc_end1:
_tile_overlayer_lowered:
.L_overlay_start_2:
0x54: {  	(tag) =	ssettag $0x2  }
0x55: {  	s0 =	rddreg [dreg:$0x0];
	s2 =	stileid.u32  }
0x56: {  	s1 =	rddreg [dreg:$0x1];
	p0 =	sne.s32 s2, $0x0  }
0x57: {  	s3 =	rddreg [dreg:$0x2];
	[bflag:$0x3] =	sbarrier.arrive $0xFFFF;
	s2 =	simm.s32 @!p0 $0x1C01  }
0x58: {  	[timem:s3], [sflag:s2] =	dma.local @!p0 [hbm:s0], s1  }
0x59: {  	s0 =	simm.s32 @!p0 $0x1  }
0x5a: {  	_ =	swait.ge @!p0 [sflag:s0], s1  }
0x5b: {  	s1 =	ssub.s32 @!p0 $0x0, s1;
	[sflag:s0] =	ssyncset.done @!p0 $0x0  }
0x5c: {  	[sflag:s0] =	ssyncadd.s32 @!p0 s1  }
0x5d: {  	[bflag:$0x3] =	sbarrier.arrive $0xFFFF  }
0x5e: {  	_ =	shalt  }

// kernel: sparse-core-data-format-call.3.cloned.1.call-start
scs
called_computation.3_lowered:
.L_overlay_start_0:
0x0: {  	s2 =	sld [smem:$0x3FD9]  }
0x1: {  	s3 =	sld [smem:$0x3FFE];
	_ =	sdelay $0x1  }
0x2: {  	s1 =	srdreg.scid  }
0x3: {  	s0 =	sand.u32 $0x1, s1  }
0x4: {  	s18 =	sshll.u32 s0, $0xA;
	s2 =	sadd.s32 s3, s2  }
0x5: {  	s2 =	sadd.s32 s2, s18  }
0x6: {  	[smem:$0x3FBA] =	sst s2  }
0x7: {  	_ = 	snop  }
0x8: {  	(tm) =	ssettm $0x1  }
0x9: {  	s19 =	sld [smem:$0x3FFB];
	_ =	sdelay $0x3  }
0xa: {  	_ =	strace s19  }
0xb: {  	s2 =	sld [smem:$0x3FFC];
	_ =	sdelay $0x3  }
0xc: {  	_ =	strace s2  }
0xd: {  	s2 =	sld [smem:$0x3FFD];
	_ =	sdelay $0x3  }
0xe: {  	_ =	strace s2  }
0xf: {  	_ =	strace $0x8FFFFFFF  }
0x10: {  	s20 =	sld [smem:$0x3FDB];
	_ =	sdelay $0x1  }
0x11: {  	s21 =	simm.s32 $_scs_section_size  }
0x12: {  	s4 =	simm.s32 $_size__tile_overlayer_lowered;
	s5 =	simm.s32 $_tile_overlayer_lowered  }
0x13: {  	s6 =	simm.s32 $0x1BFF;
	s22 =	sshll.u32 s5, $0x1;
	s3 =	sadd.s32 s21, s20  }
0x14: {  	s23 =	simm.s32 $0x0;
	s4 =	sshll.u32 s4, $0x1;
	s5 =	sadd.s32 s22, s3  }
0x15: {  	[timem:s23], [sflag:s6] =	dma.local [hbm:s5], s4  }
0x16: {  	_ =	swait.ge [sflag:s6], s4  }
0x17: {  	s4 =	ssub.s32 $0x0, s4;
	[sflag:s6] =	ssyncset.done $0x0  }
0x18: {  	[sflag:s6] =	ssyncadd.s32 s4;
	_ =	sdelay $0x1  }
0x19: {  	s24 =	simm.s32 $0x1B8B  }
0x1a: {  	_ =	swait.ge [sflag:s24], $0x1  }
0x1b: {  	[sflag:s24] =	ssyncset.done $0x0  }
0x1c: {  	[sflag:s24] =	ssyncadd.s32 $0xFFFFFFFF  }
0x1d: {  	s4 =	sld [smem:$0x0]  }
0x1e: {  	s5 =	sand.u32 $0xFFFFFFFE, s1  }
0x1f: {  	p0 =	sne.s32 s1, s5  }
0x20: {  	s5 =	sshll.u32 @p0 s5, $0xE  }
0x21: {  	s5 =	sadd.s32 @p0 $0x11B8D, s5;
	s6 =	sshll.u32 @p0 s4, $0x11  }
0x22: {  	s5 =	sor.u32 @p0 s6, s5  }
0x23: {  	[sflag:s5] =	ssyncadd.remote.s32 @p0 $0x1;
	_ =	sdelay $0x1  }
0x24: {  	s5 =	simm.s32 @p0 $0x1B8D  }
0x25: {  	_ =	swait.eq @p0 [sflag:s5], $0x1  }
0x26: {  	[sflag:s5] =	ssyncadd.s32 @p0 $0xFFFFFFFF  }
0x27: {  	s6 =	sshll.u32 @!p0 s1, $0xE  }
0x28: {  	s6 =	sor.u32 @!p0 $0x4000, s6;
	s5 =	simm.s32 @!p0 $0x1B8D  }
0x29: {  	s4 =	sshll.u32 @!p0 s4, $0x11;
	s6 =	sadd.s32 @!p0 $0x11B8D, s6;
	_ =	swait.eq @!p0 [sflag:s5], $0x1  }
0x2a: {  	s4 =	sor.u32 @!p0 s4, s6;
	[sflag:s5] =	ssyncadd.s32 @!p0 $0xFFFFFFFF  }
0x2b: {  	s26 =	simm.s32 $0x1B8E;
	s25 =	sld [smem:$0x3FFE];
	[sflag:s4] =	ssyncadd.remote.s32 @!p0 $0x1  }
0x2c: {  	s27 =	simm.s32 $execute0_lowered;
	[smem:$0x3FD2] =	sst s26  }
0x2d: {  	s5 =	sshll.u32 s27, $0x1;
	_ =	strace $0x80000052;
	[dreg:$0x1] =	wrdreg $0xFFFFFFFF  }
0x2e: {  	s28 =	simm.s32 $_size_execute0_lowered;
	s3 =	sadd.s32 s3, s5;
	[dreg:$0x0] =	wrdreg $0x0  }
0x2f: {  	s5 =	sshll.u32 s28, $0x1;
	[dreg:$0x2] =	wrdreg s3  }
0x30: {  	[dreg:$0x3] =	wrdreg s5  }
0x31: {  	[dreg:$0x4] =	wrdreg $0xC0  }
0x32: {  	_ =	task [dreg:s23], $0x5FFFF  }
0x33: {  	[dreg:$0x1] =	wrdreg $0xFFFFFFFF  }
0x34: {  	[dreg:$0x0] =	wrdreg $0x60  }
0x35: {  	[dreg:$0x2] =	wrdreg s25  }
0x36: {  	[dreg:$0x3] =	wrdreg $0xC  }
0x37: {  	_ =	task.clear_ibuf [dreg:s23], $0x4FFFF;
	_ =	strace $0x90000052  }
0x38: {  	s29 =	simm.s32 $0xC;
	_ =	strace $0x80000054  }
0x39: {  	_ =	swait.ge [sflag:s29], $0x1  }
0x3a: {  	[sflag:s29] =	ssyncadd.s32 $0xFFFFFFFF  }
0x3b: {  	_ =	strace $0x90000054  }
0x3c: {  	_ =	sfence  }
0x3d: {  	s30 =	sld [smem:$0x0];
	_ =	sdelay $0x2  }
0x3e: {  	s31 =	sshll.u32 s1, $0xD;
	s1 =	sshrl.u32 s1, $0x2  }
0x3f: {  	s4 =	sand.u32 $0x4000, s31;
	s1 =	sadd.s32 s1, s30  }
0x40: {  	s0 =	sor.u32 s4, s0;
	s1 =	sshll.u32 s1, $0x11  }
0x41: {  	s0 =	sor.u32 s1, s0  }
0x42: {  	s0 =	sadd.s32 $0x8F2B, s0  }
0x43: {  	[sflag:s0] =	ssyncadd.remote.s32 $0x1  }
0x44: {  	_ =	sfence.sel $0xFFFF  }
0x45: {  	[dreg:$0x0] =	wrdreg $0xFFFFFFFF;
	(pc) =	sbr.abs _section_cstart, $3  }
0x46: {  	[dreg:$0x1] =	wrdreg $0xFFFFFFFF  }
0x47: {  	_ =	task.clear_ibuf [dreg:s23], $0x2FFFF;
	_ =	strace $0x9FFFFFFF  }
0x48: {  	(tm) =	ssettm $0x7FFFFFFF  }
0x49: {  	_ =	shalt  }
tec
execute0_lowered:
.L_overlay_start_1:
0x0: {  	(tag) =	ssettag $0x1  }
0x1: {  	s0 =	srdreg.scid  }
0x2: {  	s1 =	sshll.u32 s0, $0x4  }
0x3: {  	s4 =	rddreg [dreg:$0x0];
	s0 =	stileid.u32;
	s1 =	sand.u32 $0x10, s1  }
0x4: {  	s7 =	simm.s32 $0x1;
	s8 =	simm.s32 $0x2;
	s2 =	sor.u32 s0, s1  }
0x5: {  	s9 =	simm.s32 $0x0;
	s12 =	simm.s32 $0x0;
	s2 =	sshll.u32 s2, $0x1  }
0x6: {  	s11 =	simm.s32 $0x0;
	s3 =	sadd.s32 $0xC51E00, s4;
	s6 =	ssub.s32 $0x4E2, s2  }
.Ltmp0:
0x7: {  	s4 =	sadd.s32 $0x279E00, s4;
	s5 =	sand.u32 $0x3E, s6;
	(pc) =	sbr.rel .LBB1_1-.Ltmp0, $4  }
0x8: {  	s1 =	rddreg [dreg:$0x1];
	_ =	strace $0x80000053;
	p0 =	sne.s32 s5, $0x0  }
0x9: {  	s6 =	sshrl.u32 s6, $0x6;
	s5 =	simm.s32 $0x1;
	s7 =	simm.s32 @!p0 $0x0  }
0xa: {  	s10 =	smov.u32 s2;
	[sflag:s5] =	ssyncpa.u1 $0x0;
	s6 =	sadd.s32 s7, s6  }
0xb: {  	[sflag:s8] =	ssyncpa.u1 $0x0;
	s8 =	simm.s32 $0x0;
	s7 =	sadd.s32 $0x1, s6  }
.LBB1_9:
0xc: {  	s14 =	sadd.s32 $0x40, s10  }
0xd: {  	p1 =	sgt.s32 s14, $0x4E1  }
0xe: {  	s14 =	smov.u32 @p1 s2;
	p1 =	sne.s32 s11, s7  }
.Ltmp1:
0xf: {  	p0 =	slt.u32 s11, $0x2;
	(pc) =	sbr.rel @!p1 .LBB1_10-.Ltmp1, $4  }
0x10: {  	s13 =	simm.s32 @!p0 $0x2  }
0x11: {  	s15 =	sadd.s32 $0x1, s11;
	_ =	swait.ge @!p0 [sflag:s13], $0x4000  }
0x12: {  	s12 =	smov.u32 s10;
	s9 =	sadd.s32 $0x4000, s9;
	[sflag:s13] =	ssyncset.done @!p0 $0x0  }
0x13: {  	s11 =	smov.u32 s15;
	s10 =	smov.u32 s14;
	[sflag:s13] =	ssyncadd.s32 @!p0 $0xFFFFC000  }
.LBB1_1:
0x14: {  	p0 =	sge.u32 s11, s6  }
0x15: {  	s13 =	sxor.u32 @!p0 $0xFFFFFFFF, s11  }
0x16: {  	s31 =	sadd.s32 $0xFFFFFFFF, s11;
	s14 =	sshll.u32 @!p0 s10, $0xA;
	s13 =	sshll.u32 @!p0 s13, $0xE  }
0x17: {  	s15 =	simm.s32 @!p0 $0x0;
	s14 =	sadd.s32 @!p0 s3, s14;
	s13 =	sand.u32 @!p0 $0x4000, s13  }
0x18: {  	[tilespmem:s13], [sflag:$0x1] =	stream.linear.gather @!p0 [hbm4b:s14+s15], $0x4000, $0x38;
	[tilespmem:$0x10000] =	vst v63  }
0x19: {  	p0 =	sge.u32 s31, s6  }
.Ltmp2:
0x1a: {  	_ = 	snop;
	(pc) =	sbr.rel @p0 .LBB1_9-.Ltmp2, $1  }
0x1b: {  	_ =	sdelay $0x3  }
0x1c: {  	s13 =	sshll.u32 s9, $0x2  }
0x1d: {  	_ =	swait.ge [sflag:s5], $0x4000;
	s14 =	sshll.u32 s11, $0xE;
	s16 =	simm.s32 $0x0  }
0x1e: {  	p1 =	por $0x1, $0x1;
	s13 =	sand.u32 $0x10000, s13;
	[sflag:s5] =	ssyncset.done $0x0  }
0x1f: {  	s14 =	sand.u32 $0x4000, s14;
	s15 =	sshrl.u32 s13, $0x2;
	[sflag:s5] =	ssyncadd.s32 $0xFFFFC000  }
0x20: {  	s13 =	sor.u32 $0x8000, s14;
	s14 =	sadd.s32 $0x8040, s15;
	s15 =	sadd.s32 $0x40, s15  }
.LBB1_3:
0x21: {  	s16 =	sshll.u32 s16, $0x2  }
0x22: {  	p0 =	por p1, p1;
	s17 =	sshra.s32 s16, $0x2  }
0x23: {  	s18 =	simm.s32 $0x0;
	s16 =	sadd.s32 s17, s14;
	s17 =	sadd.s32 s17, s15  }
.LBB1_4:
0x24: {  	v0 =	vmov s17;
	_ =	sdelay $0x3  }
0x25: {  	s20 =	simm.s32 $0x0  }
0x26: {  	v6 =	vld.idx.msk [tilespmem:v0+s20+$0x30 ss:$0x1], $0xffff  }
0x27: {  	v7 =	vld.idx.msk [tilespmem:v0+s20+$0xFFFFFFC0 ss:$0x1], $0xffff  }
0x28: {  	v5 =	vld.idx.msk [tilespmem:v0+s20+$0xFFFFFFD0 ss:$0x1], $0xffff  }
0x29: {  	v4 =	vld.idx.msk [tilespmem:v0+s20+$0xFFFFFFE0 ss:$0x1], $0xffff  }
0x2a: {  	v3 =	vld.idx.msk [tilespmem:v0+s20+$0xFFFFFFF0 ss:$0x1], $0xffff  }
0x2b: {  	v1 =	vld.idx.msk [tilespmem:v0+s20+$0x0 ss:$0x1], $0xffff  }
0x2c: {  	v2 =	vld.idx.msk [tilespmem:v0+s20+$0x10 ss:$0x1], $0xffff;
	[tilespmem:s16+$0x30] =	vst v6  }
0x2d: {  	s19 =	simm.s32 $0x80;
	s21 =	simm.s32 $0x400;
	[tilespmem:s16+$0xFFFFFFC0] =	vst v7;
	v6 =	vld.idx.msk [tilespmem:v0+s20+$0x20 ss:$0x1], $0xffff;
	s20 =	smov.u32 s16  }
.LBB1_5:
0x2e: {  	p1 =	sne.s32 s21, $0xE00;
	v7 =	vld.idx.msk [tilespmem:v0+s19+$0x30 ss:$0x1], $0xffff;
	[tilespmem:s20+$0xFFFFFFD0] =	vst v5  }
0x2f: {  	v8 =	vld.idx.msk [tilespmem:v0+s19+$0xFFFFFFC0 ss:$0x1], $0xffff;
	[tilespmem:s20+$0xFFFFFFE0] =	vst v4  }
0x30: {  	v5 =	vld.idx.msk [tilespmem:v0+s19+$0xFFFFFFD0 ss:$0x1], $0xffff;
	[tilespmem:s20+$0xFFFFFFF0] =	vst v3  }
.Ltmp3:
0x31: {  	v4 =	vld.idx.msk [tilespmem:v0+s19+$0xFFFFFFE0 ss:$0x1], $0xffff;
	[tilespmem:s20+$0x0] =	vst v1;
	(pc) =	sbr.rel @p1 .LBB1_5-.Ltmp3, $4  }
0x32: {  	v3 =	vld.idx.msk [tilespmem:v0+s19+$0xFFFFFFF0 ss:$0x1], $0xffff;
	[tilespmem:s20+$0x10] =	vst v2  }
0x33: {  	v1 =	vld.idx.msk [tilespmem:v0+s19+$0x0 ss:$0x1], $0xffff;
	[tilespmem:s20+$0x20] =	vst v6;
	s20 =	sadd.s32 $0x400, s20  }
0x34: {  	v2 =	vld.idx.msk [tilespmem:v0+s19+$0x10 ss:$0x1], $0xffff;
	[tilespmem:s20+$0x30] =	vst v7  }
0x35: {  	[tilespmem:s20+$0xFFFFFFC0] =	vst v8;
	v6 =	vld.idx.msk [tilespmem:v0+s19+$0x20 ss:$0x1], $0xffff;
	s19 =	sshra.s32 s21, $0x2;
	s21 =	sadd.s32 $0x200, s21  }
0x36: {  	_ =	sdelay $0x2  }
0x37: {  	[tilespmem:s20+$0xFFFFFFD0] =	vst v5  }
0x38: {  	v56 =	vld.idx.msk [tilespmem:v0+s19+$0x30 ss:$0x1], $0xffff;
	[tilespmem:s20+$0xFFFFFFE0] =	vst v4  }
0x39: {  	v57 =	vld.idx.msk [tilespmem:v0+s19+$0xFFFFFFC0 ss:$0x1], $0xffff;
	[tilespmem:s20+$0xFFFFFFF0] =	vst v3  }
0x3a: {  	v58 =	vld.idx.msk [tilespmem:v0+s19+$0xFFFFFFD0 ss:$0x1], $0xffff;
	[tilespmem:s20+$0x0] =	vst v1  }
0x3b: {  	v59 =	vld.idx.msk [tilespmem:v0+s19+$0xFFFFFFE0 ss:$0x1], $0xffff;
	[tilespmem:s20+$0x10] =	vst v2  }
0x3c: {  	v60 =	vld.idx.msk [tilespmem:v0+s19+$0xFFFFFFF0 ss:$0x1], $0xffff;
	s31 =	sadd.s32 $0x400, s20;
	[tilespmem:s20+$0x20] =	vst v6  }
0x3d: {  	v61 =	vld.idx.msk [tilespmem:v0+s19+$0x0 ss:$0x1], $0xffff;
	[tilespmem:s31+$0x30] =	vst v56  }
0x3e: {  	v62 =	vld.idx.msk [tilespmem:v0+s19+$0x10 ss:$0x1], $0xffff;
	s18 =	sadd.s32 $0x1, s18;
	[tilespmem:s31+$0xFFFFFFC0] =	vst v57  }
0x3f: {  	v63 =	vld.idx.msk [tilespmem:v0+s19+$0x20 ss:$0x1], $0xffff;
	p1 =	sne.s32 s18, $0x8;
	[tilespmem:s31+$0xFFFFFFD0] =	vst v58  }
.Ltmp4:
0x40: {  	[tilespmem:s31+$0xFFFFFFE0] =	vst v59;
	(pc) =	sbr.rel @p1 .LBB1_4-.Ltmp4, $4  }
0x41: {  	[tilespmem:s31+$0xFFFFFFF0] =	vst v60  }
0x42: {  	[tilespmem:s31+$0x0] =	vst v61  }
0x43: {  	[tilespmem:s31+$0x10] =	vst v62  }
0x44: {  	s16 =	sadd.s32 $0x80, s16;
	s17 =	sadd.s32 $0x400, s17;
	[tilespmem:s31+$0x20] =	vst v63  }
.Ltmp5:
0x45: {  	(pc) =	sbr.rel @p0 .LBB1_3-.Ltmp5, $2  }
0x46: {  	_ =	sdelay $0x2  }
0x47: {  	s16 =	simm.s32 $0x2000;
	p1 =	por $0x0, $0x0  }
.Ltmp6:
0x48: {  	(pc) =	sbr.rel .LBB1_9-.Ltmp6, $4  }
0x49: {  	_ = 	snop  }
0x4a: {  	s12 =	sshll.u32 s12, $0xA  }
0x4b: {  	s12 =	sadd.s32 s4, s12  }
0x4c: {  	[hbm4b:s12+s8] =	stream.linear.scatter [tilespmem:s13], [sflag:$0x2], $0x4000, $0x38;
	[tilespmem:$0x10000] =	vst v63  }
.LBB1_10:
0x4d: {  	_ =	sfence.sel $0x180000  }
0x4e: {  	s2 =	simm.s32 $0x1;
	[bflag:$0x0] =	sbarrier.arrive $0xFFFF  }
0x4f: {  	s31 =	simm.s32 $0x2;
	[sflag:s2] =	ssyncpa.u1 $0x1  }
0x50: {  	[sflag:s31] =	ssyncpa.u1 $0x1  }
0x51: {  	p0 =	sne.s32 s0, $0x0;
	_ =	strace $0x90000053  }
0x52: {  	s0 =	sadd.s32 @!p0 $0x100000, s1;
	[bflag:$0x2] =	sbarrier.arrive $0xFFFF  }
0x53: {  	[sflag:s0] =	ssyncadd.tile.s32 @!p0 $0x1;
	_ =	shalt  }
.Lfunc_end1:
_tile_overlayer_lowered:
.L_overlay_start_2:
0x54: {  	(tag) =	ssettag $0x2  }
0x55: {  	s0 =	rddreg [dreg:$0x0];
	s2 =	stileid.u32  }
0x56: {  	s1 =	rddreg [dreg:$0x1];
	p0 =	sne.s32 s2, $0x0  }
0x57: {  	s3 =	rddreg [dreg:$0x2];
	[bflag:$0x3] =	sbarrier.arrive $0xFFFF;
	s2 =	simm.s32 @!p0 $0x1C01  }
0x58: {  	[timem:s3], [sflag:s2] =	dma.local @!p0 [hbm:s0], s1  }
0x59: {  	s0 =	simm.s32 @!p0 $0x1  }
0x5a: {  	_ =	swait.ge @!p0 [sflag:s0], s1  }
0x5b: {  	s1 =	ssub.s32 @!p0 $0x0, s1;
	[sflag:s0] =	ssyncset.done @!p0 $0x0  }
0x5c: {  	[sflag:s0] =	ssyncadd.s32 @!p0 s1  }
0x5d: {  	[bflag:$0x3] =	sbarrier.arrive $0xFFFF  }
0x5e: {  	_ =	shalt  }

// kernel: sparse-core-data-format-call.4.cloned.1.call-start
scs
called_computation.4_lowered:
.L_overlay_start_0:
0x0: {  	s1 =	sld [smem:$0x3FD9]  }
0x1: {  	s2 =	sld [smem:$0x3FFE];
	_ =	sdelay $0x1  }
0x2: {  	s3 =	srdreg.scid  }
0x3: {  	s0 =	sand.u32 $0x1, s3  }
0x4: {  	s17 =	sshll.u32 s0, $0xA;
	s1 =	sadd.s32 s2, s1  }
0x5: {  	s1 =	sadd.s32 s1, s17  }
0x6: {  	[smem:$0x3FBA] =	sst s1  }
0x7: {  	_ = 	snop  }
0x8: {  	(tm) =	ssettm $0x1  }
0x9: {  	s18 =	sld [smem:$0x3FFB];
	_ =	sdelay $0x3  }
0xa: {  	_ =	strace s18  }
0xb: {  	s1 =	sld [smem:$0x3FFC];
	_ =	sdelay $0x3  }
0xc: {  	_ =	strace s1  }
0xd: {  	s1 =	sld [smem:$0x3FFD];
	_ =	sdelay $0x3  }
0xe: {  	_ =	strace s1  }
0xf: {  	_ =	strace $0x8FFFFFFF  }
0x10: {  	s19 =	sld [smem:$0x3FDB];
	_ =	sdelay $0x1  }
0x11: {  	s20 =	simm.s32 $_scs_section_size  }
0x12: {  	s4 =	simm.s32 $_size__tile_overlayer_lowered;
	s5 =	simm.s32 $_tile_overlayer_lowered  }
0x13: {  	s23 =	simm.s32 $0x1BFF;
	s22 =	sshll.u32 s5, $0x1;
	s1 =	sadd.s32 s20, s19  }
0x14: {  	s6 =	simm.s32 $0x0;
	s21 =	sshll.u32 s4, $0x1;
	s4 =	sadd.s32 s22, s1  }
0x15: {  	[timem:s6], [sflag:s23] =	dma.local [hbm:s4], s21  }
0x16: {  	_ =	swait.ge [sflag:s23], s21  }
0x17: {  	s2 =	ssub.s32 $0x0, s21;
	[sflag:s23] =	ssyncset.done $0x0  }
0x18: {  	[sflag:s23] =	ssyncadd.s32 s2;
	_ =	sdelay $0x1  }
0x19: {  	s24 =	simm.s32 $0x1B8B  }
0x1a: {  	_ =	swait.ge [sflag:s24], $0x1  }
0x1b: {  	[sflag:s24] =	ssyncset.done $0x0  }
0x1c: {  	s26 =	simm.s32 $0x1B8E;
	s25 =	sld [smem:$0x3FFE];
	[sflag:s24] =	ssyncadd.s32 $0xFFFFFFFF  }
0x1d: {  	s27 =	simm.s32 $execute0_lowered;
	[smem:$0x3FD2] =	sst s26  }
0x1e: {  	s4 =	sshll.u32 s27, $0x1;
	_ =	strace $0x80000046;
	[dreg:$0x1] =	wrdreg $0xFFFFFFFF  }
0x1f: {  	s28 =	simm.s32 $_size_execute0_lowered;
	s1 =	sadd.s32 s1, s4;
	[dreg:$0x0] =	wrdreg $0x0  }
0x20: {  	s4 =	sshll.u32 s28, $0x1;
	[dreg:$0x2] =	wrdreg s1  }
0x21: {  	[dreg:$0x3] =	wrdreg s4  }
0x22: {  	[dreg:$0x4] =	wrdreg $0xC0  }
0x23: {  	_ =	task [dreg:s6], $0x5FFFF  }
0x24: {  	[dreg:$0x1] =	wrdreg $0xFFFFFFFF  }
0x25: {  	[dreg:$0x0] =	wrdreg $0x60  }
0x26: {  	[dreg:$0x2] =	wrdreg s25  }
0x27: {  	[dreg:$0x3] =	wrdreg $0x9  }
0x28: {  	_ =	task.clear_ibuf [dreg:s6], $0x4FFFF;
	_ =	strace $0x90000046  }
0x29: {  	s29 =	simm.s32 $0x9;
	_ =	strace $0x80000048  }
0x2a: {  	_ =	swait.ge [sflag:s29], $0x1  }
0x2b: {  	[sflag:s29] =	ssyncadd.s32 $0xFFFFFFFF  }
0x2c: {  	_ =	strace $0x90000048  }
0x2d: {  	_ =	sfence  }
0x2e: {  	s30 =	sld [smem:$0x0];
	_ =	sdelay $0x2  }
0x2f: {  	s31 =	sshll.u32 s3, $0xD;
	s3 =	sshrl.u32 s3, $0x2  }
0x30: {  	s2 =	sand.u32 $0x4000, s31;
	s1 =	sadd.s32 s3, s30  }
0x31: {  	s0 =	sor.u32 s2, s0;
	s1 =	sshll.u32 s1, $0x11  }
0x32: {  	s0 =	sor.u32 s1, s0  }
0x33: {  	s0 =	sadd.s32 $0x8F2B, s0  }
0x34: {  	[sflag:s0] =	ssyncadd.remote.s32 $0x1  }
0x35: {  	_ =	sfence.sel $0xFFFF  }
0x36: {  	[dreg:$0x0] =	wrdreg $0xFFFFFFFF;
	(pc) =	sbr.abs _section_cstart, $3  }
0x37: {  	[dreg:$0x1] =	wrdreg $0xFFFFFFFF  }
0x38: {  	_ =	task.clear_ibuf [dreg:s6], $0x2FFFF;
	_ =	strace $0x9FFFFFFF  }
0x39: {  	(tm) =	ssettm $0x7FFFFFFF  }
tec
execute0_lowered:
.L_overlay_start_1:
0x0: {  	(tag) =	ssettag $0x1  }
0x1: {  	s0 =	srdreg.scid  }
0x2: {  	s1 =	sshll.u32 s0, $0x4  }
0x3: {  	s4 =	rddreg [dreg:$0x0];
	s0 =	stileid.u32;
	s1 =	sand.u32 $0x10, s1  }
0x4: {  	s7 =	simm.s32 $0x1;
	s8 =	simm.s32 $0x2;
	s1 =	sor.u32 s0, s1  }
0x5: {  	s9 =	simm.s32 $0x0;
	s12 =	simm.s32 $0x0;
	s2 =	sshll.u32 s1, $0x1  }
0x6: {  	s11 =	simm.s32 $0x0;
	s3 =	sadd.s32 $0x8E00, s4;
	s6 =	ssub.s32 $0x4E2, s2  }
.Ltmp0:
0x7: {  	s4 =	sadd.s32 $0x279E00, s4;
	s5 =	sand.u32 $0x3E, s6;
	(pc) =	sbr.rel .LBB1_1-.Ltmp0, $4  }
0x8: {  	s1 =	rddreg [dreg:$0x1];
	_ =	strace $0x80000047;
	p0 =	sne.s32 s5, $0x0  }
0x9: {  	s6 =	sshrl.u32 s6, $0x6;
	s5 =	simm.s32 $0x1;
	s7 =	simm.s32 @!p0 $0x0  }
0xa: {  	s10 =	smov.u32 s2;
	[sflag:s5] =	ssyncpa.u1 $0x0;
	s6 =	sadd.s32 s7, s6  }
0xb: {  	[sflag:s8] =	ssyncpa.u1 $0x0;
	s8 =	simm.s32 $0x0;
	s7 =	sadd.s32 $0x1, s6  }
.LBB1_9:
0xc: {  	s14 =	sadd.s32 $0x40, s10  }
0xd: {  	p1 =	sgt.s32 s14, $0x4E1  }
0xe: {  	s14 =	smov.u32 @p1 s2;
	p1 =	sne.s32 s11, s7  }
.Ltmp1:
0xf: {  	p0 =	slt.u32 s11, $0x2;
	(pc) =	sbr.rel @!p1 .LBB1_10-.Ltmp1, $4  }
0x10: {  	s13 =	simm.s32 @!p0 $0x2  }
0x11: {  	s15 =	sadd.s32 $0x1, s11;
	_ =	swait.ge @!p0 [sflag:s13], $0x4000  }
0x12: {  	s12 =	smov.u32 s10;
	s9 =	sadd.s32 $0x4000, s9;
	[sflag:s13] =	ssyncset.done @!p0 $0x0  }
0x13: {  	s11 =	smov.u32 s15;
	s10 =	smov.u32 s14;
	[sflag:s13] =	ssyncadd.s32 @!p0 $0xFFFFC000  }
.LBB1_1:
0x14: {  	p0 =	sge.u32 s11, s6  }
0x15: {  	s13 =	sxor.u32 @!p0 $0xFFFFFFFF, s11  }
0x16: {  	s31 =	sadd.s32 $0xFFFFFFFF, s11;
	s14 =	sshll.u32 @!p0 s10, $0xA;
	s13 =	sshll.u32 @!p0 s13, $0xE  }
0x17: {  	s15 =	simm.s32 @!p0 $0x0;
	s14 =	sadd.s32 @!p0 s3, s14;
	s13 =	sand.u32 @!p0 $0x4000, s13  }
0x18: {  	[tilespmem:s13], [sflag:$0x1] =	stream.linear.gather @!p0 [hbm4b:s14+s15], $0x4000, $0x38;
	[tilespmem:$0x10000] =	vst v63  }
0x19: {  	p0 =	sge.u32 s31, s6  }
.Ltmp2:
0x1a: {  	_ = 	snop;
	(pc) =	sbr.rel @p0 .LBB1_9-.Ltmp2, $1  }
0x1b: {  	_ =	sdelay $0x3  }
0x1c: {  	s13 =	sshll.u32 s9, $0x2  }
0x1d: {  	_ =	swait.ge [sflag:s5], $0x4000;
	s14 =	sshll.u32 s11, $0xE;
	s16 =	simm.s32 $0x0  }
0x1e: {  	p1 =	por $0x1, $0x1;
	s13 =	sand.u32 $0x10000, s13;
	[sflag:s5] =	ssyncset.done $0x0  }
0x1f: {  	s14 =	sand.u32 $0x4000, s14;
	s15 =	sshrl.u32 s13, $0x2;
	[sflag:s5] =	ssyncadd.s32 $0xFFFFC000  }
0x20: {  	s13 =	sor.u32 $0x8000, s14;
	s14 =	sadd.s32 $0x8040, s15;
	s15 =	sadd.s32 $0x40, s15  }
.LBB1_3:
0x21: {  	s16 =	sshll.u32 s16, $0x2  }
0x22: {  	p0 =	por p1, p1;
	s17 =	sshra.s32 s16, $0x2  }
0x23: {  	s18 =	simm.s32 $0x0;
	s16 =	sadd.s32 s17, s14;
	s17 =	sadd.s32 s17, s15  }
.LBB1_4:
0x24: {  	v0 =	vmov s17;
	_ =	sdelay $0x3  }
0x25: {  	s20 =	simm.s32 $0x0  }
0x26: {  	v6 =	vld.idx.msk [tilespmem:v0+s20+$0x30 ss:$0x1], $0xffff  }
0x27: {  	v7 =	vld.idx.msk [tilespmem:v0+s20+$0xFFFFFFC0 ss:$0x1], $0xffff  }
0x28: {  	v5 =	vld.idx.msk [tilespmem:v0+s20+$0xFFFFFFD0 ss:$0x1], $0xffff  }
0x29: {  	v4 =	vld.idx.msk [tilespmem:v0+s20+$0xFFFFFFE0 ss:$0x1], $0xffff  }
0x2a: {  	v3 =	vld.idx.msk [tilespmem:v0+s20+$0xFFFFFFF0 ss:$0x1], $0xffff  }
0x2b: {  	v1 =	vld.idx.msk [tilespmem:v0+s20+$0x0 ss:$0x1], $0xffff  }
0x2c: {  	v2 =	vld.idx.msk [tilespmem:v0+s20+$0x10 ss:$0x1], $0xffff;
	[tilespmem:s16+$0x30] =	vst v6  }
0x2d: {  	s19 =	simm.s32 $0x80;
	s21 =	simm.s32 $0x400;
	[tilespmem:s16+$0xFFFFFFC0] =	vst v7;
	v6 =	vld.idx.msk [tilespmem:v0+s20+$0x20 ss:$0x1], $0xffff;
	s20 =	smov.u32 s16  }
.LBB1_5:
0x2e: {  	p1 =	sne.s32 s21, $0xE00;
	v7 =	vld.idx.msk [tilespmem:v0+s19+$0x30 ss:$0x1], $0xffff;
	[tilespmem:s20+$0xFFFFFFD0] =	vst v5  }
0x2f: {  	v8 =	vld.idx.msk [tilespmem:v0+s19+$0xFFFFFFC0 ss:$0x1], $0xffff;
	[tilespmem:s20+$0xFFFFFFE0] =	vst v4  }
0x30: {  	v5 =	vld.idx.msk [tilespmem:v0+s19+$0xFFFFFFD0 ss:$0x1], $0xffff;
	[tilespmem:s20+$0xFFFFFFF0] =	vst v3  }
.Ltmp3:
0x31: {  	v4 =	vld.idx.msk [tilespmem:v0+s19+$0xFFFFFFE0 ss:$0x1], $0xffff;
	[tilespmem:s20+$0x0] =	vst v1;
	(pc) =	sbr.rel @p1 .LBB1_5-.Ltmp3, $4  }
0x32: {  	v3 =	vld.idx.msk [tilespmem:v0+s19+$0xFFFFFFF0 ss:$0x1], $0xffff;
	[tilespmem:s20+$0x10] =	vst v2  }
0x33: {  	v1 =	vld.idx.msk [tilespmem:v0+s19+$0x0 ss:$0x1], $0xffff;
	[tilespmem:s20+$0x20] =	vst v6;
	s20 =	sadd.s32 $0x400, s20  }
0x34: {  	v2 =	vld.idx.msk [tilespmem:v0+s19+$0x10 ss:$0x1], $0xffff;
	[tilespmem:s20+$0x30] =	vst v7  }
0x35: {  	[tilespmem:s20+$0xFFFFFFC0] =	vst v8;
	v6 =	vld.idx.msk [tilespmem:v0+s19+$0x20 ss:$0x1], $0xffff;
	s19 =	sshra.s32 s21, $0x2;
	s21 =	sadd.s32 $0x200, s21  }
0x36: {  	_ =	sdelay $0x2  }
0x37: {  	[tilespmem:s20+$0xFFFFFFD0] =	vst v5  }
0x38: {  	v56 =	vld.idx.msk [tilespmem:v0+s19+$0x30 ss:$0x1], $0xffff;
	[tilespmem:s20+$0xFFFFFFE0] =	vst v4  }
0x39: {  	v57 =	vld.idx.msk [tilespmem:v0+s19+$0xFFFFFFC0 ss:$0x1], $0xffff;
	[tilespmem:s20+$0xFFFFFFF0] =	vst v3  }
0x3a: {  	v58 =	vld.idx.msk [tilespmem:v0+s19+$0xFFFFFFD0 ss:$0x1], $0xffff;
	[tilespmem:s20+$0x0] =	vst v1  }
0x3b: {  	v59 =	vld.idx.msk [tilespmem:v0+s19+$0xFFFFFFE0 ss:$0x1], $0xffff;
	[tilespmem:s20+$0x10] =	vst v2  }
0x3c: {  	v60 =	vld.idx.msk [tilespmem:v0+s19+$0xFFFFFFF0 ss:$0x1], $0xffff;
	s31 =	sadd.s32 $0x400, s20;
	[tilespmem:s20+$0x20] =	vst v6  }
0x3d: {  	v61 =	vld.idx.msk [tilespmem:v0+s19+$0x0 ss:$0x1], $0xffff;
	[tilespmem:s31+$0x30] =	vst v56  }
0x3e: {  	v62 =	vld.idx.msk [tilespmem:v0+s19+$0x10 ss:$0x1], $0xffff;
	s18 =	sadd.s32 $0x1, s18;
	[tilespmem:s31+$0xFFFFFFC0] =	vst v57  }
0x3f: {  	v63 =	vld.idx.msk [tilespmem:v0+s19+$0x20 ss:$0x1], $0xffff;
	p1 =	sne.s32 s18, $0x8;
	[tilespmem:s31+$0xFFFFFFD0] =	vst v58  }
.Ltmp4:
0x40: {  	[tilespmem:s31+$0xFFFFFFE0] =	vst v59;
	(pc) =	sbr.rel @p1 .LBB1_4-.Ltmp4, $4  }
0x41: {  	[tilespmem:s31+$0xFFFFFFF0] =	vst v60  }
0x42: {  	[tilespmem:s31+$0x0] =	vst v61  }
0x43: {  	[tilespmem:s31+$0x10] =	vst v62  }
0x44: {  	s16 =	sadd.s32 $0x80, s16;
	s17 =	sadd.s32 $0x400, s17;
	[tilespmem:s31+$0x20] =	vst v63  }
.Ltmp5:
0x45: {  	(pc) =	sbr.rel @p0 .LBB1_3-.Ltmp5, $2  }
0x46: {  	_ =	sdelay $0x2  }
0x47: {  	s16 =	simm.s32 $0x2000;
	p1 =	por $0x0, $0x0  }
.Ltmp6:
0x48: {  	(pc) =	sbr.rel .LBB1_9-.Ltmp6, $4  }
0x49: {  	_ = 	snop  }
0x4a: {  	s12 =	sshll.u32 s12, $0xA  }
0x4b: {  	s12 =	sadd.s32 s4, s12  }
0x4c: {  	[hbm4b:s12+s8] =	stream.linear.scatter [tilespmem:s13], [sflag:$0x2], $0x4000, $0x38;
	[tilespmem:$0x10000] =	vst v63  }
.LBB1_10:
0x4d: {  	_ =	sfence.sel $0x180000  }
0x4e: {  	s2 =	simm.s32 $0x1;
	[bflag:$0x0] =	sbarrier.arrive $0xFFFF  }
0x4f: {  	s31 =	simm.s32 $0x2;
	[sflag:s2] =	ssyncpa.u1 $0x1  }
0x50: {  	[sflag:s31] =	ssyncpa.u1 $0x1  }
0x51: {  	p0 =	sne.s32 s0, $0x0;
	_ =	strace $0x90000047  }
0x52: {  	s0 =	sadd.s32 @!p0 $0x100000, s1;
	[bflag:$0x2] =	sbarrier.arrive $0xFFFF  }
0x53: {  	[sflag:s0] =	ssyncadd.tile.s32 @!p0 $0x1;
	_ =	shalt  }
.Lfunc_end1:
_tile_overlayer_lowered:
.L_overlay_start_2:
0x54: {  	(tag) =	ssettag $0x2  }
0x55: {  	s0 =	rddreg [dreg:$0x0];
	s2 =	stileid.u32  }
0x56: {  	s1 =	rddreg [dreg:$0x1];
	p0 =	sne.s32 s2, $0x0  }
0x57: {  	s3 =	rddreg [dreg:$0x2];
	[bflag:$0x3] =	sbarrier.arrive $0xFFFF;
	s2 =	simm.s32 @!p0 $0x1C01  }
0x58: {  	[timem:s3], [sflag:s2] =	dma.local @!p0 [hbm:s0], s1  }
0x59: {  	s0 =	simm.s32 @!p0 $0x1  }
0x5a: {  	_ =	swait.ge @!p0 [sflag:s0], s1  }
0x5b: {  	s1 =	ssub.s32 @!p0 $0x0, s1;
	[sflag:s0] =	ssyncset.done @!p0 $0x0  }
0x5c: {  	[sflag:s0] =	ssyncadd.s32 @!p0 s1  }
0x5d: {  	[bflag:$0x3] =	sbarrier.arrive $0xFFFF  }
0x5e: {  	_ =	shalt  }

// kernel: sparse-core-data-format-call.cloned.1.call-start
scs
called_computation_lowered:
.L_overlay_start_0:
0x0: {  	s1 =	sld [smem:$0x3FD9]  }
0x1: {  	s2 =	sld [smem:$0x3FFE];
	_ =	sdelay $0x1  }
0x2: {  	s3 =	srdreg.scid  }
0x3: {  	s0 =	sand.u32 $0x1, s3  }
0x4: {  	s17 =	sshll.u32 s0, $0xA;
	s1 =	sadd.s32 s2, s1  }
0x5: {  	s1 =	sadd.s32 s1, s17  }
0x6: {  	[smem:$0x3FBA] =	sst s1  }
0x7: {  	_ = 	snop  }
0x8: {  	(tm) =	ssettm $0x1  }
0x9: {  	s18 =	sld [smem:$0x3FFB];
	_ =	sdelay $0x3  }
0xa: {  	_ =	strace s18  }
0xb: {  	s1 =	sld [smem:$0x3FFC];
	_ =	sdelay $0x3  }
0xc: {  	_ =	strace s1  }
0xd: {  	s1 =	sld [smem:$0x3FFD];
	_ =	sdelay $0x3  }
0xe: {  	_ =	strace s1  }
0xf: {  	_ =	strace $0x8FFFFFFF  }
0x10: {  	s19 =	sld [smem:$0x3FDB];
	_ =	sdelay $0x1  }
0x11: {  	s20 =	simm.s32 $_scs_section_size  }
0x12: {  	s4 =	simm.s32 $_size__tile_overlayer_lowered;
	s5 =	simm.s32 $_tile_overlayer_lowered  }
0x13: {  	s23 =	simm.s32 $0x1BFF;
	s22 =	sshll.u32 s5, $0x1;
	s1 =	sadd.s32 s20, s19  }
0x14: {  	s6 =	simm.s32 $0x0;
	s21 =	sshll.u32 s4, $0x1;
	s4 =	sadd.s32 s22, s1  }
0x15: {  	[timem:s6], [sflag:s23] =	dma.local [hbm:s4], s21  }
0x16: {  	_ =	swait.ge [sflag:s23], s21  }
0x17: {  	s2 =	ssub.s32 $0x0, s21;
	[sflag:s23] =	ssyncset.done $0x0  }
0x18: {  	[sflag:s23] =	ssyncadd.s32 s2;
	_ =	sdelay $0x1  }
0x19: {  	s24 =	simm.s32 $0x1B8B  }
0x1a: {  	_ =	swait.ge [sflag:s24], $0x1  }
0x1b: {  	[sflag:s24] =	ssyncset.done $0x0  }
0x1c: {  	s26 =	simm.s32 $0x1B8E;
	s25 =	sld [smem:$0x3FFE];
	[sflag:s24] =	ssyncadd.s32 $0xFFFFFFFF  }
0x1d: {  	s27 =	simm.s32 $execute0_lowered;
	[smem:$0x3FD2] =	sst s26  }
0x1e: {  	s4 =	sshll.u32 s27, $0x1;
	_ =	strace $0x80000049;
	[dreg:$0x1] =	wrdreg $0xFFFFFFFF  }
0x1f: {  	s28 =	simm.s32 $_size_execute0_lowered;
	s1 =	sadd.s32 s1, s4;
	[dreg:$0x0] =	wrdreg $0x0  }
0x20: {  	s4 =	sshll.u32 s28, $0x1;
	[dreg:$0x2] =	wrdreg s1  }
0x21: {  	[dreg:$0x3] =	wrdreg s4  }
0x22: {  	[dreg:$0x4] =	wrdreg $0xC0  }
0x23: {  	_ =	task [dreg:s6], $0x5FFFF  }
0x24: {  	[dreg:$0x1] =	wrdreg $0xFFFFFFFF  }
0x25: {  	[dreg:$0x0] =	wrdreg $0x60  }
0x26: {  	[dreg:$0x2] =	wrdreg s25  }
0x27: {  	[dreg:$0x3] =	wrdreg $0x9  }
0x28: {  	_ =	task.clear_ibuf [dreg:s6], $0x4FFFF;
	_ =	strace $0x90000049  }
0x29: {  	s29 =	simm.s32 $0x9;
	_ =	strace $0x8000004B  }
0x2a: {  	_ =	swait.ge [sflag:s29], $0x1  }
0x2b: {  	[sflag:s29] =	ssyncadd.s32 $0xFFFFFFFF  }
0x2c: {  	_ =	strace $0x9000004B  }
0x2d: {  	_ =	sfence  }
0x2e: {  	s30 =	sld [smem:$0x0];
	_ =	sdelay $0x2  }
0x2f: {  	s31 =	sshll.u32 s3, $0xD;
	s3 =	sshrl.u32 s3, $0x2  }
0x30: {  	s2 =	sand.u32 $0x4000, s31;
	s1 =	sadd.s32 s3, s30  }
0x31: {  	s0 =	sor.u32 s2, s0;
	s1 =	sshll.u32 s1, $0x11  }
0x32: {  	s0 =	sor.u32 s1, s0  }
0x33: {  	s0 =	sadd.s32 $0x8F2B, s0  }
0x34: {  	[sflag:s0] =	ssyncadd.remote.s32 $0x1  }
0x35: {  	_ =	sfence.sel $0xFFFF  }
0x36: {  	[dreg:$0x0] =	wrdreg $0xFFFFFFFF;
	(pc) =	sbr.abs _section_cstart, $3  }
0x37: {  	[dreg:$0x1] =	wrdreg $0xFFFFFFFF  }
0x38: {  	_ =	task.clear_ibuf [dreg:s6], $0x2FFFF;
	_ =	strace $0x9FFFFFFF  }
0x39: {  	(tm) =	ssettm $0x7FFFFFFF  }
tec
execute0_lowered:
.L_overlay_start_1:
0x0: {  	(tag) =	ssettag $0x1  }
0x1: {  	s0 =	srdreg.scid  }
0x2: {  	s1 =	sshll.u32 s0, $0x4  }
0x3: {  	s4 =	rddreg [dreg:$0x0];
	s0 =	stileid.u32;
	s1 =	sand.u32 $0x10, s1  }
0x4: {  	s7 =	simm.s32 $0x1;
	s8 =	simm.s32 $0x2;
	s2 =	sor.u32 s0, s1  }
0x5: {  	s9 =	simm.s32 $0x0;
	s12 =	simm.s32 $0x0;
	s2 =	sshll.u32 s2, $0x1  }
0x6: {  	s11 =	simm.s32 $0x0;
	s3 =	sadd.s32 $0x8A8600, s4;
	s6 =	ssub.s32 $0x4E2, s2  }
.Ltmp0:
0x7: {  	s4 =	sadd.s32 $0x3C1600, s4;
	s5 =	sand.u32 $0x3E, s6;
	(pc) =	sbr.rel .LBB1_1-.Ltmp0, $4  }
0x8: {  	s1 =	rddreg [dreg:$0x1];
	_ =	strace $0x8000004A;
	p0 =	sne.s32 s5, $0x0  }
0x9: {  	s6 =	sshrl.u32 s6, $0x6;
	s5 =	simm.s32 $0x1;
	s7 =	simm.s32 @!p0 $0x0  }
0xa: {  	s10 =	smov.u32 s2;
	[sflag:s5] =	ssyncpa.u1 $0x0;
	s6 =	sadd.s32 s7, s6  }
0xb: {  	[sflag:s8] =	ssyncpa.u1 $0x0;
	s8 =	simm.s32 $0x0;
	s7 =	sadd.s32 $0x1, s6  }
.LBB1_9:
0xc: {  	s14 =	sadd.s32 $0x40, s10  }
0xd: {  	p1 =	sgt.s32 s14, $0x4E1  }
0xe: {  	s14 =	smov.u32 @p1 s2;
	p1 =	sne.s32 s11, s7  }
.Ltmp1:
0xf: {  	p0 =	slt.u32 s11, $0x2;
	(pc) =	sbr.rel @!p1 .LBB1_10-.Ltmp1, $4  }
0x10: {  	s13 =	simm.s32 @!p0 $0x2  }
0x11: {  	s15 =	sadd.s32 $0x1, s11;
	_ =	swait.ge @!p0 [sflag:s13], $0x4000  }
0x12: {  	s12 =	smov.u32 s10;
	s9 =	sadd.s32 $0x4000, s9;
	[sflag:s13] =	ssyncset.done @!p0 $0x0  }
0x13: {  	s11 =	smov.u32 s15;
	s10 =	smov.u32 s14;
	[sflag:s13] =	ssyncadd.s32 @!p0 $0xFFFFC000  }
.LBB1_1:
0x14: {  	p0 =	sge.u32 s11, s6  }
0x15: {  	s13 =	sxor.u32 @!p0 $0xFFFFFFFF, s11  }
0x16: {  	s31 =	sadd.s32 $0xFFFFFFFF, s11;
	s14 =	sshll.u32 @!p0 s10, $0xA;
	s13 =	sshll.u32 @!p0 s13, $0xE  }
0x17: {  	s15 =	simm.s32 @!p0 $0x0;
	s14 =	sadd.s32 @!p0 s3, s14;
	s13 =	sand.u32 @!p0 $0x4000, s13  }
0x18: {  	[tilespmem:s13], [sflag:$0x1] =	stream.linear.gather @!p0 [hbm4b:s14+s15], $0x4000, $0x38;
	[tilespmem:$0x10000] =	vst v63  }
0x19: {  	p0 =	sge.u32 s31, s6  }
.Ltmp2:
0x1a: {  	_ = 	snop;
	(pc) =	sbr.rel @p0 .LBB1_9-.Ltmp2, $1  }
0x1b: {  	_ =	sdelay $0x3  }
0x1c: {  	s13 =	sshll.u32 s9, $0x2  }
0x1d: {  	_ =	swait.ge [sflag:s5], $0x4000;
	s14 =	sshll.u32 s11, $0xE;
	s16 =	simm.s32 $0x0  }
0x1e: {  	p1 =	por $0x1, $0x1;
	s13 =	sand.u32 $0x10000, s13;
	[sflag:s5] =	ssyncset.done $0x0  }
0x1f: {  	s14 =	sand.u32 $0x4000, s14;
	s15 =	sshrl.u32 s13, $0x2;
	[sflag:s5] =	ssyncadd.s32 $0xFFFFC000  }
0x20: {  	s13 =	sor.u32 $0x8000, s14;
	s14 =	sadd.s32 $0x8040, s15;
	s15 =	sadd.s32 $0x40, s15  }
.LBB1_3:
0x21: {  	s16 =	sshll.u32 s16, $0x2  }
0x22: {  	p0 =	por p1, p1;
	s17 =	sshra.s32 s16, $0x2  }
0x23: {  	s18 =	simm.s32 $0x0;
	s16 =	sadd.s32 s17, s14;
	s17 =	sadd.s32 s17, s15  }
.LBB1_4:
0x24: {  	v0 =	vmov s17;
	_ =	sdelay $0x3  }
0x25: {  	s20 =	simm.s32 $0x0  }
0x26: {  	v6 =	vld.idx.msk [tilespmem:v0+s20+$0x30 ss:$0x1], $0xffff  }
0x27: {  	v7 =	vld.idx.msk [tilespmem:v0+s20+$0xFFFFFFC0 ss:$0x1], $0xffff  }
0x28: {  	v5 =	vld.idx.msk [tilespmem:v0+s20+$0xFFFFFFD0 ss:$0x1], $0xffff  }
0x29: {  	v4 =	vld.idx.msk [tilespmem:v0+s20+$0xFFFFFFE0 ss:$0x1], $0xffff  }
0x2a: {  	v3 =	vld.idx.msk [tilespmem:v0+s20+$0xFFFFFFF0 ss:$0x1], $0xffff  }
0x2b: {  	v1 =	vld.idx.msk [tilespmem:v0+s20+$0x0 ss:$0x1], $0xffff  }
0x2c: {  	v2 =	vld.idx.msk [tilespmem:v0+s20+$0x10 ss:$0x1], $0xffff;
	[tilespmem:s16+$0x30] =	vst v6  }
0x2d: {  	s19 =	simm.s32 $0x80;
	s21 =	simm.s32 $0x400;
	[tilespmem:s16+$0xFFFFFFC0] =	vst v7;
	v6 =	vld.idx.msk [tilespmem:v0+s20+$0x20 ss:$0x1], $0xffff;
	s20 =	smov.u32 s16  }
.LBB1_5:
0x2e: {  	p1 =	sne.s32 s21, $0xE00;
	v7 =	vld.idx.msk [tilespmem:v0+s19+$0x30 ss:$0x1], $0xffff;
	[tilespmem:s20+$0xFFFFFFD0] =	vst v5  }
0x2f: {  	v8 =	vld.idx.msk [tilespmem:v0+s19+$0xFFFFFFC0 ss:$0x1], $0xffff;
	[tilespmem:s20+$0xFFFFFFE0] =	vst v4  }
0x30: {  	v5 =	vld.idx.msk [tilespmem:v0+s19+$0xFFFFFFD0 ss:$0x1], $0xffff;
	[tilespmem:s20+$0xFFFFFFF0] =	vst v3  }
.Ltmp3:
0x31: {  	v4 =	vld.idx.msk [tilespmem:v0+s19+$0xFFFFFFE0 ss:$0x1], $0xffff;
	[tilespmem:s20+$0x0] =	vst v1;
	(pc) =	sbr.rel @p1 .LBB1_5-.Ltmp3, $4  }
0x32: {  	v3 =	vld.idx.msk [tilespmem:v0+s19+$0xFFFFFFF0 ss:$0x1], $0xffff;
	[tilespmem:s20+$0x10] =	vst v2  }
0x33: {  	v1 =	vld.idx.msk [tilespmem:v0+s19+$0x0 ss:$0x1], $0xffff;
	[tilespmem:s20+$0x20] =	vst v6;
	s20 =	sadd.s32 $0x400, s20  }
0x34: {  	v2 =	vld.idx.msk [tilespmem:v0+s19+$0x10 ss:$0x1], $0xffff;
	[tilespmem:s20+$0x30] =	vst v7  }
0x35: {  	[tilespmem:s20+$0xFFFFFFC0] =	vst v8;
	v6 =	vld.idx.msk [tilespmem:v0+s19+$0x20 ss:$0x1], $0xffff;
	s19 =	sshra.s32 s21, $0x2;
	s21 =	sadd.s32 $0x200, s21  }
0x36: {  	_ =	sdelay $0x2  }
0x37: {  	[tilespmem:s20+$0xFFFFFFD0] =	vst v5  }
0x38: {  	v56 =	vld.idx.msk [tilespmem:v0+s19+$0x30 ss:$0x1], $0xffff;
	[tilespmem:s20+$0xFFFFFFE0] =	vst v4  }
0x39: {  	v57 =	vld.idx.msk [tilespmem:v0+s19+$0xFFFFFFC0 ss:$0x1], $0xffff;
	[tilespmem:s20+$0xFFFFFFF0] =	vst v3  }
0x3a: {  	v58 =	vld.idx.msk [tilespmem:v0+s19+$0xFFFFFFD0 ss:$0x1], $0xffff;
	[tilespmem:s20+$0x0] =	vst v1  }
0x3b: {  	v59 =	vld.idx.msk [tilespmem:v0+s19+$0xFFFFFFE0 ss:$0x1], $0xffff;
	[tilespmem:s20+$0x10] =	vst v2  }
0x3c: {  	v60 =	vld.idx.msk [tilespmem:v0+s19+$0xFFFFFFF0 ss:$0x1], $0xffff;
	s31 =	sadd.s32 $0x400, s20;
	[tilespmem:s20+$0x20] =	vst v6  }
0x3d: {  	v61 =	vld.idx.msk [tilespmem:v0+s19+$0x0 ss:$0x1], $0xffff;
	[tilespmem:s31+$0x30] =	vst v56  }
0x3e: {  	v62 =	vld.idx.msk [tilespmem:v0+s19+$0x10 ss:$0x1], $0xffff;
	s18 =	sadd.s32 $0x1, s18;
	[tilespmem:s31+$0xFFFFFFC0] =	vst v57  }
0x3f: {  	v63 =	vld.idx.msk [tilespmem:v0+s19+$0x20 ss:$0x1], $0xffff;
	p1 =	sne.s32 s18, $0x8;
	[tilespmem:s31+$0xFFFFFFD0] =	vst v58  }
.Ltmp4:
0x40: {  	[tilespmem:s31+$0xFFFFFFE0] =	vst v59;
	(pc) =	sbr.rel @p1 .LBB1_4-.Ltmp4, $4  }
0x41: {  	[tilespmem:s31+$0xFFFFFFF0] =	vst v60  }
0x42: {  	[tilespmem:s31+$0x0] =	vst v61  }
0x43: {  	[tilespmem:s31+$0x10] =	vst v62  }
0x44: {  	s16 =	sadd.s32 $0x80, s16;
	s17 =	sadd.s32 $0x400, s17;
	[tilespmem:s31+$0x20] =	vst v63  }
.Ltmp5:
0x45: {  	(pc) =	sbr.rel @p0 .LBB1_3-.Ltmp5, $2  }
0x46: {  	_ =	sdelay $0x2  }
0x47: {  	s16 =	simm.s32 $0x2000;
	p1 =	por $0x0, $0x0  }
.Ltmp6:
0x48: {  	(pc) =	sbr.rel .LBB1_9-.Ltmp6, $4  }
0x49: {  	_ = 	snop  }
0x4a: {  	s12 =	sshll.u32 s12, $0xA  }
0x4b: {  	s12 =	sadd.s32 s4, s12  }
0x4c: {  	[hbm4b:s12+s8] =	stream.linear.scatter [tilespmem:s13], [sflag:$0x2], $0x4000, $0x38;
	[tilespmem:$0x10000] =	vst v63  }
.LBB1_10:
0x4d: {  	_ =	sfence.sel $0x180000  }
0x4e: {  	s2 =	simm.s32 $0x1;
	[bflag:$0x0] =	sbarrier.arrive $0xFFFF  }
0x4f: {  	s31 =	simm.s32 $0x2;
	[sflag:s2] =	ssyncpa.u1 $0x1  }
0x50: {  	[sflag:s31] =	ssyncpa.u1 $0x1  }
0x51: {  	p0 =	sne.s32 s0, $0x0;
	_ =	strace $0x9000004A  }
0x52: {  	s0 =	sadd.s32 @!p0 $0x100000, s1;
	[bflag:$0x2] =	sbarrier.arrive $0xFFFF  }
0x53: {  	[sflag:s0] =	ssyncadd.tile.s32 @!p0 $0x1;
	_ =	shalt  }
.Lfunc_end1:
_tile_overlayer_lowered:
.L_overlay_start_2:
0x54: {  	(tag) =	ssettag $0x2  }
0x55: {  	s0 =	rddreg [dreg:$0x0];
	s2 =	stileid.u32  }
0x56: {  	s1 =	rddreg [dreg:$0x1];
	p0 =	sne.s32 s2, $0x0  }
0x57: {  	s3 =	rddreg [dreg:$0x2];
	[bflag:$0x3] =	sbarrier.arrive $0xFFFF;
	s2 =	simm.s32 @!p0 $0x1C01  }
0x58: {  	[timem:s3], [sflag:s2] =	dma.local @!p0 [hbm:s0], s1  }
0x59: {  	s0 =	simm.s32 @!p0 $0x1  }
0x5a: {  	_ =	swait.ge @!p0 [sflag:s0], s1  }
0x5b: {  	s1 =	ssub.s32 @!p0 $0x0, s1;
	[sflag:s0] =	ssyncset.done @!p0 $0x0  }
0x5c: {  	[sflag:s0] =	ssyncadd.s32 @!p0 s1  }
0x5d: {  	[bflag:$0x3] =	sbarrier.arrive $0xFFFF  }
0x5e: {  	_ =	shalt  }

</sc_bundles>
